<compile_context>
chip_gen: v7x
topology: tpu7x:2x2x1
jax: 0.10.2.dev20260603
libtpu: 0.0.44.dev20260713+nightly
codegen_flags: <defaults>
</compile_context>

<pallas_src>
import jax
import jax.numpy as jnp
from jax import lax
from jax.experimental import pallas as pl
from jax.experimental.pallas import tpu as pltpu
from jax.experimental.pallas import tpu_sc as plsc

_N = 10000
_E = 160000
_D = 256
_H = 16
_C = 40

_NC = 2
_NS = 16
_NW = _NC * _NS
_EPW = _E // _NW
_CH = 500
_NCHUNK = _EPW // _CH
_NP = 10240
_RPS = _NP // _NS


_K = 5


def _agg_pipeline(table, idx_s, idx_d, gb, gs, ss, acc,
                  ones=None, acc_cnt=None, osem=None):
    pltpu.async_copy(table.at[idx_s.at[0]], gb[0], gs[0])
    pltpu.async_copy(table.at[idx_s.at[1]], gb[1], gs[1])
    pltpu.async_copy(table.at[idx_s.at[2]], gb[2], gs[2])

    def outer(j0, _):
        for k in range(_K):
            j = j0 * _K + k
            t = (k + 3) % _K
            nxt = j + 3

            @pl.when(nxt < _NCHUNK)
            def _():
                @pl.when(j >= _K - 3)
                def _():
                    pltpu.make_async_copy(
                        gb[t], acc.at[idx_d.at[j - 2]], ss[t]).wait()
                pltpu.async_copy(table.at[idx_s.at[nxt]], gb[t], gs[t])

            pltpu.make_async_copy(table.at[idx_s.at[j]], gb[k], gs[k]).wait()
            pltpu.async_copy(gb[k], acc.at[idx_d.at[j]], ss[k], add=True)
            if ones is not None:
                pltpu.async_copy(ones, acc_cnt.at[idx_d.at[j]], osem,
                                 add=True)
        return 0

    lax.fori_loop(0, _NCHUNK // _K, outer, 0)

    for k in range(_K):
        j = _NCHUNK - _K + k
        pltpu.make_async_copy(gb[k], acc.at[idx_d.at[j]], ss[k]).wait()
    if ones is not None:
        def drain(j, _):
            pltpu.make_async_copy(ones, acc_cnt.at[idx_d.at[j]],
                                  osem).wait()
            return 0
        lax.fori_loop(0, _NCHUNK, drain, 0)


def _sc_aggregate(table, edges, with_cnt):
    mesh = plsc.VectorSubcoreMesh(core_axis_name="c", subcore_axis_name="s")

    out_type = [jax.ShapeDtypeStruct((_NC, _NP, _H), jnp.float32)]
    scratch = (
        [pltpu.VMEM((_NCHUNK, _CH), jnp.int32)] * 2
        + [pltpu.VMEM((_CH, _H), jnp.float32)] * _K
        + [pltpu.VMEM((_RPS, _H), jnp.float32)]
        + [pltpu.VMEM_SHARED((_NP, _H), jnp.float32)]
        + [pltpu.SemaphoreType.DMA] * (2 * _K)
    )
    if with_cnt:
        out_type.append(jax.ShapeDtypeStruct((_NC, _NP, _H), jnp.float32))
        scratch.append(pltpu.VMEM((_CH, _H), jnp.float32))
        scratch.append(pltpu.VMEM_SHARED((_NP, _H), jnp.float32))
        scratch.append(pltpu.SemaphoreType.DMA)

    def body(table_hbm, edges_hbm, *rest):
        if with_cnt:
            out_sum, out_cnt = rest[0], rest[1]
            rest = rest[2:]
            ones, acc_cnt, osem = rest[-3:]
        else:
            out_sum = rest[0]
            rest = rest[1:]
            ones = acc_cnt = osem = None
        idx_s, idx_d = rest[0], rest[1]
        gb = rest[2:2 + _K]
        zbuf = rest[2 + _K]
        acc = rest[3 + _K]
        gs = rest[4 + _K:4 + 2 * _K]
        ss = rest[4 + 2 * _K:4 + 3 * _K]

        cid = lax.axis_index("c")
        sid = lax.axis_index("s")
        wid = sid * _NC + cid

        icp = [
            pltpu.make_async_copy(edges_hbm.at[0, wid], idx_s, ss[0]),
            pltpu.make_async_copy(edges_hbm.at[1, wid], idx_d, ss[1]),
        ]
        for cp in icp:
            cp.start()

        def zrow(i, _):
            zbuf[i, :] = jnp.zeros((_H,), jnp.float32)
            return 0
        lax.fori_loop(0, _RPS, zrow, 0, unroll=8)
        if with_cnt:
            def orow(i, _):
                ones[i, :] = jnp.ones((_H,), jnp.float32)
                return 0
            lax.fori_loop(0, _CH, orow, 0, unroll=8)

        pltpu.sync_copy(zbuf, acc.at[pl.ds(sid * _RPS, _RPS)])
        if with_cnt:
            pltpu.sync_copy(zbuf, acc_cnt.at[pl.ds(sid * _RPS, _RPS)])
        for cp in icp:
            cp.wait()
        plsc.subcore_barrier()

        _agg_pipeline(table_hbm, idx_s, idx_d, gb, gs, ss, acc,
                      ones, acc_cnt, osem)
        plsc.subcore_barrier()

        sl = pl.ds(sid * _RPS, _RPS)
        pltpu.sync_copy(acc.at[sl], out_sum.at[cid, sl])
        if with_cnt:
            pltpu.sync_copy(acc_cnt.at[sl], out_cnt.at[cid, sl])

    fn = pl.kernel(body, out_type=out_type, mesh=mesh,
                   scratch_types=scratch,
                   compiler_params=pltpu.CompilerParams(
                       use_tc_tiling_on_sc=False))
    return fn(table, edges)


def _sc_layer2(psum, pcnt, xrb, edges):
    mesh = plsc.VectorSubcoreMesh(core_axis_name="c", subcore_axis_name="s")
    rpn = _N // _NS

    out_type = [
        jax.ShapeDtypeStruct((_N, _H), jnp.float32),
        jax.ShapeDtypeStruct((_NC, _NP, _H), jnp.float32),
    ]
    scratch = (
        [pltpu.VMEM((_NCHUNK, _CH), jnp.int32)] * 2
        + [pltpu.VMEM((_CH, _H), jnp.float32)] * _K
        + [
            pltpu.VMEM((rpn, _H), jnp.float32),
            pltpu.VMEM((rpn, _H), jnp.float32),
            pltpu.VMEM((rpn, _H), jnp.float32),
            pltpu.VMEM((rpn, _H), jnp.float32),
            pltpu.VMEM((rpn, _H), jnp.float32),
            pltpu.VMEM((_RPS, _H), jnp.float32),
            pltpu.VMEM_SHARED((_NP, _H), jnp.float32),
            pltpu.VMEM_SHARED((_NP, _H), jnp.float32),
        ]
        + [pltpu.SemaphoreType.DMA] * (2 * _K)
    )

    def body(psum_hbm, pcnt_hbm, xrb_hbm, edges_hbm, h_out, m2_out,
             idx_s, idx_d, *rest):
        gb = rest[0:_K]
        (sbuf0, sbuf1, cbuf0, cbuf1, xbuf, zbuf, htab, acc2) = \
            rest[_K:_K + 8]
        gs = rest[_K + 8:2 * _K + 8]
        ss = rest[2 * _K + 8:3 * _K + 8]
        cid = lax.axis_index("c")
        sid = lax.axis_index("s")
        wid = sid * _NC + cid
        base = sid * rpn

        icp = [
            pltpu.make_async_copy(edges_hbm.at[0, wid], idx_s, ss[0]),
            pltpu.make_async_copy(edges_hbm.at[1, wid], idx_d, ss[1]),
        ]
        for cp in icp:
            cp.start()

        cps = [
            pltpu.make_async_copy(psum_hbm.at[0, pl.ds(base, rpn)], sbuf0,
                                  gs[0]),
            pltpu.make_async_copy(psum_hbm.at[1, pl.ds(base, rpn)], sbuf1,
                                  gs[1]),
            pltpu.make_async_copy(pcnt_hbm.at[0, pl.ds(base, rpn)], cbuf0,
                                  gs[2]),
            pltpu.make_async_copy(pcnt_hbm.at[1, pl.ds(base, rpn)], cbuf1,
                                  gs[3]),
            pltpu.make_async_copy(xrb_hbm.at[pl.ds(base, rpn)], xbuf,
                                  gs[4]),
        ]
        for cp in cps:
            cp.start()
        for cp in cps:
            cp.wait()

        def arow(i, _):
            inv = 1.0 / jnp.maximum(cbuf0[i, :] + cbuf1[i, :], 1.0)
            s = sbuf0[i, :] + sbuf1[i, :]
            xbuf[i, :] = jnp.maximum(s * inv + xbuf[i, :], 0.0)
            cbuf0[i, :] = inv
            return 0
        lax.fori_loop(0, rpn, arow, 0, unroll=5)

        pltpu.sync_copy(xbuf, htab.at[pl.ds(base, rpn)])

        @pl.when(cid == 0)
        def _():
            pltpu.sync_copy(xbuf, h_out.at[pl.ds(base, rpn)])

        def zrow(i, _):
            zbuf[i, :] = jnp.zeros((_H,), jnp.float32)
            return 0
        lax.fori_loop(0, _RPS, zrow, 0, unroll=8)
        pltpu.sync_copy(zbuf, acc2.at[pl.ds(sid * _RPS, _RPS)])
        plsc.subcore_barrier()

        for cp in icp:
            cp.wait()
        _agg_pipeline(htab, idx_s, idx_d, gb, gs, ss, acc2)
        plsc.subcore_barrier()

        pltpu.sync_copy(acc2.at[pl.ds(base, rpn)], sbuf0)

        def crow(i, _):
            sbuf0[i, :] = sbuf0[i, :] * cbuf0[i, :]
            return 0
        lax.fori_loop(0, rpn, crow, 0, unroll=5)
        pltpu.sync_copy(sbuf0, m2_out.at[cid, pl.ds(base, rpn)])

    fn = pl.kernel(body, out_type=out_type, mesh=mesh,
                   scratch_types=scratch,
                   compiler_params=pltpu.CompilerParams(
                       use_tc_tiling_on_sc=False))
    return fn(psum, pcnt, xrb, edges)


def _tc_project(x, w, b):
    bm = 2000
    dn = (((1,), (1,)), ((), ()))

    def body(x_ref, w_ref, b_ref, o_ref):
        o_ref[...] = lax.dot_general(x_ref[...], w_ref[...], dn,
                                     preferred_element_type=jnp.float32
                                     ) + b_ref[...]

    return pl.pallas_call(
        body,
        grid=(_N // bm,),
        in_specs=[
            pl.BlockSpec((bm, _D), lambda i: (i, 0)),
            pl.BlockSpec((_H, _D), lambda i: (0, 0)),
            pl.BlockSpec((1, _H), lambda i: (0, 0)),
        ],
        out_specs=pl.BlockSpec((bm, _H), lambda i: (i, 0)),
        out_shape=jax.ShapeDtypeStruct((_N, _H), jnp.float32),
    )(x, w, b)


def _tc_output(m2, h, wl, b2, wr):
    dn = (((1,), (1,)), ((), ()))

    def body(m2_ref, h_ref, wl_ref, b_ref, wr_ref, o_ref):
        mean = m2_ref[0, :_N, :] + m2_ref[1, :_N, :]
        o = (lax.dot_general(wl_ref[...], mean, dn,
                             preferred_element_type=jnp.float32)
             + b_ref[...]
             + lax.dot_general(wr_ref[...], h_ref[...], dn,
                               preferred_element_type=jnp.float32))
        m = jnp.max(o, axis=0, keepdims=True)
        lse = m + jnp.log(jnp.sum(jnp.exp(o - m), axis=0, keepdims=True))
        o_ref[...] = o - lse

    out_t = pl.pallas_call(
        body,
        out_shape=jax.ShapeDtypeStruct((_C, _N), jnp.float32),
    )(m2, h, wl, b2, wr)
    return out_t.T


def kernel(x, edge_index, W1l, b1, W1r, W2l, b2, W2r):
    edges = edge_index.reshape(2, _NW, _NCHUNK, _CH)

    zeros_h = jnp.zeros((1, _H), jnp.float32)
    y = _tc_project(x, W1l, zeros_h)
    psum, pcnt = _sc_aggregate(y, edges, with_cnt=True)
    xrb = _tc_project(x, W1r, b1.reshape(1, _H))
    h, m2 = _sc_layer2(psum, pcnt, xrb, edges)
    return _tc_output(m2, h, W2l, b2.reshape(_C, 1), W2r)

# --- scband reference (transcript-rebuilt; emitter-appended) ---
"""Pipeline reference for scband-graph-sage-net-37873021616187 (READ-ONLY COPY).

The authoritative reference and input builder live on the scoring server;
editing this copy changes nothing except your own understanding.
"""

import jax, jax.numpy as jnp
import numpy as np

N = 10000
E = 160000
D = 256
H = 16
C = 40


def setup_inputs(seed: int = 0) -> dict:
    key = jax.random.key(seed)
    ks = jax.random.split(key, 9)
    x = jax.random.normal(ks[0], (N, D), dtype=jnp.float32)
    edge_index = jax.random.randint(ks[1], (2, E), 0, N, dtype=jnp.int32)
    # SAGEConv1: lin_l (aggregated neighbors, with bias), lin_r (root, no bias)
    W1l = jax.random.normal(ks[2], (H, D), dtype=jnp.float32) / np.sqrt(D)
    b1 = jnp.zeros((H,), dtype=jnp.float32)
    W1r = jax.random.normal(ks[3], (H, D), dtype=jnp.float32) / np.sqrt(D)
    # SAGEConv2
    W2l = jax.random.normal(ks[4], (C, H), dtype=jnp.float32) / np.sqrt(H)
    b2 = jnp.zeros((C,), dtype=jnp.float32)
    W2r = jax.random.normal(ks[5], (C, H), dtype=jnp.float32) / np.sqrt(H)
    return {"x": x, "edge_index": edge_index, "W1l": W1l, "b1": b1, "W1r": W1r,
            "W2l": W2l, "b2": b2, "W2r": W2r}


def _sage_conv(x, edge_index, Wl, b, Wr):
    # PyG SAGEConv with mean aggregation:
    # out = lin_l(mean_{j in N(i)} x_j) + lin_r(x_i)
    src = edge_index[0]
    dst = edge_index[1]
    msgs = jnp.take(x, src, axis=0)  # gather
    agg = jax.ops.segment_sum(msgs, dst, num_segments=N)  # scatter-add
    cnt = jax.ops.segment_sum(jnp.ones((edge_index.shape[1],), dtype=x.dtype), dst, num_segments=N)
    mean = agg / jnp.clip(cnt, 1.0)[:, None]
    return mean @ Wl.T + b + x @ Wr.T


def reference(x, edge_index, W1l, b1, W1r, W2l, b2, W2r):
    h = _sage_conv(x, edge_index, W1l, b1, W1r)
    h = jax.nn.relu(h)
    # dropout is identity in eval mode
    out = _sage_conv(h, edge_index, W2l, b2, W2r)
    return jax.nn.log_softmax(out, axis=1)

if __name__ == "__main__":
    import jax
    _d = setup_inputs()
    print(jax.jit(kernel)(*tuple(_d.values())))

</pallas_src>

<mosaic_0001>
#map = affine_map<(d0, d1) -> (0, 0)>
#map1 = affine_map<(d0, d1) -> (0, 0, 0, 0)>
#map2 = affine_map<(d0, d1) -> (0, 0, 0)>
module attributes {stable_mosaic.version = 14 : i64} {
  func.func @body(%arg0: i32, %arg1: i32, %arg2: memref<10000x16xf32, #tpu.memory_space<hbm>>, %arg3: memref<2x32x10x500xi32, #tpu.memory_space<hbm>>, %arg4: memref<2x10240x16xf32, #tpu.memory_space<hbm>>, %arg5: memref<2x10240x16xf32, #tpu.memory_space<hbm>>, %arg6: memref<10x500xi32, #tpu.memory_space<vmem>>, %arg7: memref<10x500xi32, #tpu.memory_space<vmem>>, %arg8: memref<500x16xf32, #tpu.memory_space<vmem>>, %arg9: memref<500x16xf32, #tpu.memory_space<vmem>>, %arg10: memref<500x16xf32, #tpu.memory_space<vmem>>, %arg11: memref<500x16xf32, #tpu.memory_space<vmem>>, %arg12: memref<500x16xf32, #tpu.memory_space<vmem>>, %arg13: memref<640x16xf32, #tpu.memory_space<vmem>>, %arg14: memref<10240x16xf32, #tpu.memory_space<vmem_shared>>, %arg15: memref<!tpu.dma_semaphore, #tpu.memory_space<semaphore_mem>>, %arg16: memref<!tpu.dma_semaphore, #tpu.memory_space<semaphore_mem>>, %arg17: memref<!tpu.dma_semaphore, #tpu.memory_space<semaphore_mem>>, %arg18: memref<!tpu.dma_semaphore, #tpu.memory_space<semaphore_mem>>, %arg19: memref<!tpu.dma_semaphore, #tpu.memory_space<semaphore_mem>>, %arg20: memref<!tpu.dma_semaphore, #tpu.memory_space<semaphore_mem>>, %arg21: memref<!tpu.dma_semaphore, #tpu.memory_space<semaphore_mem>>, %arg22: memref<!tpu.dma_semaphore, #tpu.memory_space<semaphore_mem>>, %arg23: memref<!tpu.dma_semaphore, #tpu.memory_space<semaphore_mem>>, %arg24: memref<!tpu.dma_semaphore, #tpu.memory_space<semaphore_mem>>, %arg25: memref<500x16xf32, #tpu.memory_space<vmem>>, %arg26: memref<10240x16xf32, #tpu.memory_space<vmem_shared>>, %arg27: memref<!tpu.dma_semaphore, #tpu.memory_space<semaphore_mem>>) attributes {dimension_semantics = [#tpu.dimension_semantics<core_parallel>, #tpu.dimension_semantics<subcore_parallel>], iteration_bounds = array<i64: 2, 16>, scalar_prefetch = 0 : i64, scratch_operands = 22 : i64, tpu.core_type = #tpu.core_type<sc_vector_subcore>, window_params = [{transform_indices = #map}, {transform_indices = #map1}, {transform_indices = #map2}, {transform_indices = #map2}]} {
    %mul3A = arith.constant 2 : i32
    %mul3A_0 = arith.muli %arg1, %mul3A : i32
    %add3A = arith.addi %mul3A_0, %arg0 : i32
    %dma_start3A = arith.constant 0 : i32
    %dma_start3A_1 = arith.constant 0 : i32
    %dma_start3A_2 = arith.constant 0 : i32
    %dma_start3A_3 = tpu.memref_slice %arg3[%dma_start3A, %add3A, %dma_start3A_1, %dma_start3A_2] : memref<2x32x10x500xi32, #tpu.memory_space<hbm>> -> memref<1x1x10x500xi32, #tpu.memory_space<hbm>>
    %dma_start3A_4 = tpu.memref_squeeze %dma_start3A_3 : memref<1x1x10x500xi32, #tpu.memory_space<hbm>> -> memref<10x500xi32, #tpu.memory_space<hbm>>
    %dma_start3A_5 = arith.constant 0 : i32
    %dma_start3A_6 = arith.constant 0 : i32
    %dma_start3A_7 = tpu.memref_slice %arg3[%dma_start3A, %add3A, %dma_start3A_5, %dma_start3A_6] : memref<2x32x10x500xi32, #tpu.memory_space<hbm>> -> memref<1x1x10x500xi32, #tpu.memory_space<hbm>>
    %dma_start3A_8 = tpu.memref_squeeze %dma_start3A_7 : memref<1x1x10x500xi32, #tpu.memory_space<hbm>> -> memref<10x500xi32, #tpu.memory_space<hbm>>
    tpu.enqueue_dma source(%dma_start3A_8 : memref<10x500xi32, #tpu.memory_space<hbm>>) target(%arg6 : memref<10x500xi32, #tpu.memory_space<vmem>>) target_semaphore(%arg20 : memref<!tpu.dma_semaphore, #tpu.memory_space<semaphore_mem>>)
    %dma_start3A_9 = arith.constant 1 : i32
    %dma_start3A_10 = arith.constant 0 : i32
    %dma_start3A_11 = arith.constant 0 : i32
    %dma_start3A_12 = tpu.memref_slice %arg3[%dma_start3A_9, %add3A, %dma_start3A_10, %dma_start3A_11] : memref<2x32x10x500xi32, #tpu.memory_space<hbm>> -> memref<1x1x10x500xi32, #tpu.memory_space<hbm>>
    %dma_start3A_13 = tpu.memref_squeeze %dma_start3A_12 : memref<1x1x10x500xi32, #tpu.memory_space<hbm>> -> memref<10x500xi32, #tpu.memory_space<hbm>>
    %dma_start3A_14 = arith.constant 0 : i32
    %dma_start3A_15 = arith.constant 0 : i32
    %dma_start3A_16 = tpu.memref_slice %arg3[%dma_start3A_9, %add3A, %dma_start3A_14, %dma_start3A_15] : memref<2x32x10x500xi32, #tpu.memory_space<hbm>> -> memref<1x1x10x500xi32, #tpu.memory_space<hbm>>
    %dma_start3A_17 = tpu.memref_squeeze %dma_start3A_16 : memref<1x1x10x500xi32, #tpu.memory_space<hbm>> -> memref<10x500xi32, #tpu.memory_space<hbm>>
    tpu.enqueue_dma source(%dma_start3A_17 : memref<10x500xi32, #tpu.memory_space<hbm>>) target(%arg7 : memref<10x500xi32, #tpu.memory_space<vmem>>) target_semaphore(%arg21 : memref<!tpu.dma_semaphore, #tpu.memory_space<semaphore_mem>>)
    %scan3A = arith.constant 0 : i32
    %scan3A_18 = arith.constant 0 : i32
    %scan3A_19 = arith.constant 640 : i32
    %scan3A_20 = arith.addi %scan3A_18, %scan3A_19 : i32
    %scan3A_21 = arith.constant 8 : i32
    %scan3A_22 = scf.for %scan3A_163 = %scan3A_18 to %scan3A_20 step %scan3A_21 iter_args(%scan3A_164 = %scan3A) -> (i32)  : i32 {
      %broadcast_in_dim3A_165 = arith.constant 0.000000e+00 : f32
      %broadcast_in_dim3A_166 = vector.broadcast %broadcast_in_dim3A_165 : f32 to vector<16xf32>
      %swap3A_167 = arith.index_cast %scan3A_163 : i32 to index
      %swap3A_168 = arith.constant 0 : index
      %swap3A_169 = tpu.vector_load %arg13[%swap3A_167, %swap3A_168] {strides = array<i32>} : memref<640x16xf32, #tpu.memory_space<vmem>>, vector<1x16xf32>,
      %swap3A_170 = vector.shape_cast %swap3A_169 : vector<1x16xf32> to vector<16xf32>
      %swap3A_171 = vector.shape_cast %broadcast_in_dim3A_166 : vector<16xf32> to vector<1x16xf32>
      tpu.vector_store %arg13[%swap3A_167, %swap3A_168], %swap3A_171 {strides = array<i32>} : memref<640x16xf32, #tpu.memory_space<vmem>>, vector<1x16xf32>,
      %scan3A_172 = arith.constant 0 : i32
      %scan3A_173 = arith.constant 1 : i32
      %scan3A_174 = arith.addi %scan3A_163, %scan3A_173 : i32
      %broadcast_in_dim3A_175 = arith.constant 0.000000e+00 : f32
      %broadcast_in_dim3A_176 = vector.broadcast %broadcast_in_dim3A_175 : f32 to vector<16xf32>
      %swap3A_177 = arith.index_cast %scan3A_174 : i32 to index
      %swap3A_178 = arith.constant 0 : index
      %swap3A_179 = tpu.vector_load %arg13[%swap3A_177, %swap3A_178] {strides = array<i32>} : memref<640x16xf32, #tpu.memory_space<vmem>>, vector<1x16xf32>,
      %swap3A_180 = vector.shape_cast %swap3A_179 : vector<1x16xf32> to vector<16xf32>
      %swap3A_181 = vector.shape_cast %broadcast_in_dim3A_176 : vector<16xf32> to vector<1x16xf32>
      tpu.vector_store %arg13[%swap3A_177, %swap3A_178], %swap3A_181 {strides = array<i32>} : memref<640x16xf32, #tpu.memory_space<vmem>>, vector<1x16xf32>,
      %scan3A_182 = arith.constant 0 : i32
      %scan3A_183 = arith.constant 2 : i32
      %scan3A_184 = arith.addi %scan3A_163, %scan3A_183 : i32
      %broadcast_in_dim3A_185 = arith.constant 0.000000e+00 : f32
      %broadcast_in_dim3A_186 = vector.broadcast %broadcast_in_dim3A_185 : f32 to vector<16xf32>
      %swap3A_187 = arith.index_cast %scan3A_184 : i32 to index
      %swap3A_188 = arith.constant 0 : index
      %swap3A_189 = tpu.vector_load %arg13[%swap3A_187, %swap3A_188] {strides = array<i32>} : memref<640x16xf32, #tpu.memory_space<vmem>>, vector<1x16xf32>,
      %swap3A_190 = vector.shape_cast %swap3A_189 : vector<1x16xf32> to vector<16xf32>
      %swap3A_191 = vector.shape_cast %broadcast_in_dim3A_186 : vector<16xf32> to vector<1x16xf32>
      tpu.vector_store %arg13[%swap3A_187, %swap3A_188], %swap3A_191 {strides = array<i32>} : memref<640x16xf32, #tpu.memory_space<vmem>>, vector<1x16xf32>,
      %scan3A_192 = arith.constant 0 : i32
      %scan3A_193 = arith.constant 3 : i32
      %scan3A_194 = arith.addi %scan3A_163, %scan3A_193 : i32
      %broadcast_in_dim3A_195 = arith.constant 0.000000e+00 : f32
      %broadcast_in_dim3A_196 = vector.broadcast %broadcast_in_dim3A_195 : f32 to vector<16xf32>
      %swap3A_197 = arith.index_cast %scan3A_194 : i32 to index
      %swap3A_198 = arith.constant 0 : index
      %swap3A_199 = tpu.vector_load %arg13[%swap3A_197, %swap3A_198] {strides = array<i32>} : memref<640x16xf32, #tpu.memory_space<vmem>>, vector<1x16xf32>,
      %swap3A_200 = vector.shape_cast %swap3A_199 : vector<1x16xf32> to vector<16xf32>
      %swap3A_201 = vector.shape_cast %broadcast_in_dim3A_196 : vector<16xf32> to vector<1x16xf32>
      tpu.vector_store %arg13[%swap3A_197, %swap3A_198], %swap3A_201 {strides = array<i32>} : memref<640x16xf32, #tpu.memory_space<vmem>>, vector<1x16xf32>,
      %scan3A_202 = arith.constant 0 : i32
      %scan3A_203 = arith.constant 4 : i32
      %scan3A_204 = arith.addi %scan3A_163, %scan3A_203 : i32
      %broadcast_in_dim3A_205 = arith.constant 0.000000e+00 : f32
      %broadcast_in_dim3A_206 = vector.broadcast %broadcast_in_dim3A_205 : f32 to vector<16xf32>
      %swap3A_207 = arith.index_cast %scan3A_204 : i32 to index
      %swap3A_208 = arith.constant 0 : index
      %swap3A_209 = tpu.vector_load %arg13[%swap3A_207, %swap3A_208] {strides = array<i32>} : memref<640x16xf32, #tpu.memory_space<vmem>>, vector<1x16xf32>,
      %swap3A_210 = vector.shape_cast %swap3A_209 : vector<1x16xf32> to vector<16xf32>
      %swap3A_211 = vector.shape_cast %broadcast_in_dim3A_206 : vector<16xf32> to vector<1x16xf32>
      tpu.vector_store %arg13[%swap3A_207, %swap3A_208], %swap3A_211 {strides = array<i32>} : memref<640x16xf32, #tpu.memory_space<vmem>>, vector<1x16xf32>,
      %scan3A_212 = arith.constant 0 : i32
      %scan3A_213 = arith.constant 5 : i32
      %scan3A_214 = arith.addi %scan3A_163, %scan3A_213 : i32
      %broadcast_in_dim3A_215 = arith.constant 0.000000e+00 : f32
      %broadcast_in_dim3A_216 = vector.broadcast %broadcast_in_dim3A_215 : f32 to vector<16xf32>
      %swap3A_217 = arith.index_cast %scan3A_214 : i32 to index
      %swap3A_218 = arith.constant 0 : index
      %swap3A_219 = tpu.vector_load %arg13[%swap3A_217, %swap3A_218] {strides = array<i32>} : memref<640x16xf32, #tpu.memory_space<vmem>>, vector<1x16xf32>,
      %swap3A_220 = vector.shape_cast %swap3A_219 : vector<1x16xf32> to vector<16xf32>
      %swap3A_221 = vector.shape_cast %broadcast_in_dim3A_216 : vector<16xf32> to vector<1x16xf32>
      tpu.vector_store %arg13[%swap3A_217, %swap3A_218], %swap3A_221 {strides = array<i32>} : memref<640x16xf32, #tpu.memory_space<vmem>>, vector<1x16xf32>,
      %scan3A_222 = arith.constant 0 : i32
      %scan3A_223 = arith.constant 6 : i32
      %scan3A_224 = arith.addi %scan3A_163, %scan3A_223 : i32
      %broadcast_in_dim3A_225 = arith.constant 0.000000e+00 : f32
      %broadcast_in_dim3A_226 = vector.broadcast %broadcast_in_dim3A_225 : f32 to vector<16xf32>
      %swap3A_227 = arith.index_cast %scan3A_224 : i32 to index
      %swap3A_228 = arith.constant 0 : index
      %swap3A_229 = tpu.vector_load %arg13[%swap3A_227, %swap3A_228] {strides = array<i32>} : memref<640x16xf32, #tpu.memory_space<vmem>>, vector<1x16xf32>,
      %swap3A_230 = vector.shape_cast %swap3A_229 : vector<1x16xf32> to vector<16xf32>
      %swap3A_231 = vector.shape_cast %broadcast_in_dim3A_226 : vector<16xf32> to vector<1x16xf32>
      tpu.vector_store %arg13[%swap3A_227, %swap3A_228], %swap3A_231 {strides = array<i32>} : memref<640x16xf32, #tpu.memory_space<vmem>>, vector<1x16xf32>,
      %scan3A_232 = arith.constant 0 : i32
      %scan3A_233 = arith.constant 7 : i32
      %scan3A_234 = arith.addi %scan3A_163, %scan3A_233 : i32
      %broadcast_in_dim3A_235 = arith.constant 0.000000e+00 : f32
      %broadcast_in_dim3A_236 = vector.broadcast %broadcast_in_dim3A_235 : f32 to vector<16xf32>
      %swap3A_237 = arith.index_cast %scan3A_234 : i32 to index
      %swap3A_238 = arith.constant 0 : index
      %swap3A_239 = tpu.vector_load %arg13[%swap3A_237, %swap3A_238] {strides = array<i32>} : memref<640x16xf32, #tpu.memory_space<vmem>>, vector<1x16xf32>,
      %swap3A_240 = vector.shape_cast %swap3A_239 : vector<1x16xf32> to vector<16xf32>
      %swap3A_241 = vector.shape_cast %broadcast_in_dim3A_236 : vector<16xf32> to vector<1x16xf32>
      tpu.vector_store %arg13[%swap3A_237, %swap3A_238], %swap3A_241 {strides = array<i32>} : memref<640x16xf32, #tpu.memory_space<vmem>>, vector<1x16xf32>,
      %scan3A_242 = arith.constant 0 : i32
      scf.yield %scan3A_242 : i32
    }
    %scan3A_23 = arith.constant 640 : i32
    %scan3A_24 = arith.constant 0 : i32
    %scan3A_25 = arith.constant 0 : i32
    %scan3A_26 = arith.constant 496 : i32
    %scan3A_27 = arith.addi %scan3A_25, %scan3A_26 : i32
    %scan3A_28 = arith.constant 8 : i32
    %scan3A_29 = scf.for %scan3A_163 = %scan3A_25 to %scan3A_27 step %scan3A_28 iter_args(%scan3A_164 = %scan3A_24) -> (i32)  : i32 {
      %broadcast_in_dim3A_165 = arith.constant 1.000000e+00 : f32
      %broadcast_in_dim3A_166 = vector.broadcast %broadcast_in_dim3A_165 : f32 to vector<16xf32>
      %swap3A_167 = arith.index_cast %scan3A_163 : i32 to index
      %swap3A_168 = arith.constant 0 : index
      %swap3A_169 = tpu.vector_load %arg25[%swap3A_167, %swap3A_168] {strides = array<i32>} : memref<500x16xf32, #tpu.memory_space<vmem>>, vector<1x16xf32>,
      %swap3A_170 = vector.shape_cast %swap3A_169 : vector<1x16xf32> to vector<16xf32>
      %swap3A_171 = vector.shape_cast %broadcast_in_dim3A_166 : vector<16xf32> to vector<1x16xf32>
      tpu.vector_store %arg25[%swap3A_167, %swap3A_168], %swap3A_171 {strides = array<i32>} : memref<500x16xf32, #tpu.memory_space<vmem>>, vector<1x16xf32>,
      %scan3A_172 = arith.constant 0 : i32
      %scan3A_173 = arith.constant 1 : i32
      %scan3A_174 = arith.addi %scan3A_163, %scan3A_173 : i32
      %broadcast_in_dim3A_175 = arith.constant 1.000000e+00 : f32
      %broadcast_in_dim3A_176 = vector.broadcast %broadcast_in_dim3A_175 : f32 to vector<16xf32>
      %swap3A_177 = arith.index_cast %scan3A_174 : i32 to index
      %swap3A_178 = arith.constant 0 : index
      %swap3A_179 = tpu.vector_load %arg25[%swap3A_177, %swap3A_178] {strides = array<i32>} : memref<500x16xf32, #tpu.memory_space<vmem>>, vector<1x16xf32>,
      %swap3A_180 = vector.shape_cast %swap3A_179 : vector<1x16xf32> to vector<16xf32>
      %swap3A_181 = vector.shape_cast %broadcast_in_dim3A_176 : vector<16xf32> to vector<1x16xf32>
      tpu.vector_store %arg25[%swap3A_177, %swap3A_178], %swap3A_181 {strides = array<i32>} : memref<500x16xf32, #tpu.memory_space<vmem>>, vector<1x16xf32>,
      %scan3A_182 = arith.constant 0 : i32
      %scan3A_183 = arith.constant 2 : i32
      %scan3A_184 = arith.addi %scan3A_163, %scan3A_183 : i32
      %broadcast_in_dim3A_185 = arith.constant 1.000000e+00 : f32
      %broadcast_in_dim3A_186 = vector.broadcast %broadcast_in_dim3A_185 : f32 to vector<16xf32>
      %swap3A_187 = arith.index_cast %scan3A_184 : i32 to index
      %swap3A_188 = arith.constant 0 : index
      %swap3A_189 = tpu.vector_load %arg25[%swap3A_187, %swap3A_188] {strides = array<i32>} : memref<500x16xf32, #tpu.memory_space<vmem>>, vector<1x16xf32>,
      %swap3A_190 = vector.shape_cast %swap3A_189 : vector<1x16xf32> to vector<16xf32>
      %swap3A_191 = vector.shape_cast %broadcast_in_dim3A_186 : vector<16xf32> to vector<1x16xf32>
      tpu.vector_store %arg25[%swap3A_187, %swap3A_188], %swap3A_191 {strides = array<i32>} : memref<500x16xf32, #tpu.memory_space<vmem>>, vector<1x16xf32>,
      %scan3A_192 = arith.constant 0 : i32
      %scan3A_193 = arith.constant 3 : i32
      %scan3A_194 = arith.addi %scan3A_163, %scan3A_193 : i32
      %broadcast_in_dim3A_195 = arith.constant 1.000000e+00 : f32
      %broadcast_in_dim3A_196 = vector.broadcast %broadcast_in_dim3A_195 : f32 to vector<16xf32>
      %swap3A_197 = arith.index_cast %scan3A_194 : i32 to index
      %swap3A_198 = arith.constant 0 : index
      %swap3A_199 = tpu.vector_load %arg25[%swap3A_197, %swap3A_198] {strides = array<i32>} : memref<500x16xf32, #tpu.memory_space<vmem>>, vector<1x16xf32>,
      %swap3A_200 = vector.shape_cast %swap3A_199 : vector<1x16xf32> to vector<16xf32>
      %swap3A_201 = vector.shape_cast %broadcast_in_dim3A_196 : vector<16xf32> to vector<1x16xf32>
      tpu.vector_store %arg25[%swap3A_197, %swap3A_198], %swap3A_201 {strides = array<i32>} : memref<500x16xf32, #tpu.memory_space<vmem>>, vector<1x16xf32>,
      %scan3A_202 = arith.constant 0 : i32
      %scan3A_203 = arith.constant 4 : i32
      %scan3A_204 = arith.addi %scan3A_163, %scan3A_203 : i32
      %broadcast_in_dim3A_205 = arith.constant 1.000000e+00 : f32
      %broadcast_in_dim3A_206 = vector.broadcast %broadcast_in_dim3A_205 : f32 to vector<16xf32>
      %swap3A_207 = arith.index_cast %scan3A_204 : i32 to index
      %swap3A_208 = arith.constant 0 : index
      %swap3A_209 = tpu.vector_load %arg25[%swap3A_207, %swap3A_208] {strides = array<i32>} : memref<500x16xf32, #tpu.memory_space<vmem>>, vector<1x16xf32>,
      %swap3A_210 = vector.shape_cast %swap3A_209 : vector<1x16xf32> to vector<16xf32>
      %swap3A_211 = vector.shape_cast %broadcast_in_dim3A_206 : vector<16xf32> to vector<1x16xf32>
      tpu.vector_store %arg25[%swap3A_207, %swap3A_208], %swap3A_211 {strides = array<i32>} : memref<500x16xf32, #tpu.memory_space<vmem>>, vector<1x16xf32>,
      %scan3A_212 = arith.constant 0 : i32
      %scan3A_213 = arith.constant 5 : i32
      %scan3A_214 = arith.addi %scan3A_163, %scan3A_213 : i32
      %broadcast_in_dim3A_215 = arith.constant 1.000000e+00 : f32
      %broadcast_in_dim3A_216 = vector.broadcast %broadcast_in_dim3A_215 : f32 to vector<16xf32>
      %swap3A_217 = arith.index_cast %scan3A_214 : i32 to index
      %swap3A_218 = arith.constant 0 : index
      %swap3A_219 = tpu.vector_load %arg25[%swap3A_217, %swap3A_218] {strides = array<i32>} : memref<500x16xf32, #tpu.memory_space<vmem>>, vector<1x16xf32>,
      %swap3A_220 = vector.shape_cast %swap3A_219 : vector<1x16xf32> to vector<16xf32>
      %swap3A_221 = vector.shape_cast %broadcast_in_dim3A_216 : vector<16xf32> to vector<1x16xf32>
      tpu.vector_store %arg25[%swap3A_217, %swap3A_218], %swap3A_221 {strides = array<i32>} : memref<500x16xf32, #tpu.memory_space<vmem>>, vector<1x16xf32>,
      %scan3A_222 = arith.constant 0 : i32
      %scan3A_223 = arith.constant 6 : i32
      %scan3A_224 = arith.addi %scan3A_163, %scan3A_223 : i32
      %broadcast_in_dim3A_225 = arith.constant 1.000000e+00 : f32
      %broadcast_in_dim3A_226 = vector.broadcast %broadcast_in_dim3A_225 : f32 to vector<16xf32>
      %swap3A_227 = arith.index_cast %scan3A_224 : i32 to index
      %swap3A_228 = arith.constant 0 : index
      %swap3A_229 = tpu.vector_load %arg25[%swap3A_227, %swap3A_228] {strides = array<i32>} : memref<500x16xf32, #tpu.memory_space<vmem>>, vector<1x16xf32>,
      %swap3A_230 = vector.shape_cast %swap3A_229 : vector<1x16xf32> to vector<16xf32>
      %swap3A_231 = vector.shape_cast %broadcast_in_dim3A_226 : vector<16xf32> to vector<1x16xf32>
      tpu.vector_store %arg25[%swap3A_227, %swap3A_228], %swap3A_231 {strides = array<i32>} : memref<500x16xf32, #tpu.memory_space<vmem>>, vector<1x16xf32>,
      %scan3A_232 = arith.constant 0 : i32
      %scan3A_233 = arith.constant 7 : i32
      %scan3A_234 = arith.addi %scan3A_163, %scan3A_233 : i32
      %broadcast_in_dim3A_235 = arith.constant 1.000000e+00 : f32
      %broadcast_in_dim3A_236 = vector.broadcast %broadcast_in_dim3A_235 : f32 to vector<16xf32>
      %swap3A_237 = arith.index_cast %scan3A_234 : i32 to index
      %swap3A_238 = arith.constant 0 : index
      %swap3A_239 = tpu.vector_load %arg25[%swap3A_237, %swap3A_238] {strides = array<i32>} : memref<500x16xf32, #tpu.memory_space<vmem>>, vector<1x16xf32>,
      %swap3A_240 = vector.shape_cast %swap3A_239 : vector<1x16xf32> to vector<16xf32>
      %swap3A_241 = vector.shape_cast %broadcast_in_dim3A_236 : vector<16xf32> to vector<1x16xf32>
      tpu.vector_store %arg25[%swap3A_237, %swap3A_238], %swap3A_241 {strides = array<i32>} : memref<500x16xf32, #tpu.memory_space<vmem>>, vector<1x16xf32>,
      %scan3A_242 = arith.constant 0 : i32
      scf.yield %scan3A_242 : i32
    }
    %scan3A_30 = arith.constant 496 : i32
    %scan3A_31 = arith.addi %scan3A_25, %scan3A_30 : i32
    %broadcast_in_dim3A = arith.constant 1.000000e+00 : f32
    %broadcast_in_dim3A_32 = vector.broadcast %broadcast_in_dim3A : f32 to vector<16xf32>
    %swap3A = arith.index_cast %scan3A_31 : i32 to index
    %swap3A_33 = arith.constant 0 : index
    %swap3A_34 = tpu.vector_load %arg25[%swap3A, %swap3A_33] {strides = array<i32>} : memref<500x16xf32, #tpu.memory_space<vmem>>, vector<1x16xf32>,
    %swap3A_35 = vector.shape_cast %swap3A_34 : vector<1x16xf32> to vector<16xf32>
    %swap3A_36 = vector.shape_cast %broadcast_in_dim3A_32 : vector<16xf32> to vector<1x16xf32>
    tpu.vector_store %arg25[%swap3A, %swap3A_33], %swap3A_36 {strides = array<i32>} : memref<500x16xf32, #tpu.memory_space<vmem>>, vector<1x16xf32>,
    %scan3A_37 = arith.constant 0 : i32
    %scan3A_38 = arith.constant 497 : i32
    %scan3A_39 = arith.addi %scan3A_25, %scan3A_38 : i32
    %broadcast_in_dim3A_40 = arith.constant 1.000000e+00 : f32
    %broadcast_in_dim3A_41 = vector.broadcast %broadcast_in_dim3A_40 : f32 to vector<16xf32>
    %swap3A_42 = arith.index_cast %scan3A_39 : i32 to index
    %swap3A_43 = arith.constant 0 : index
    %swap3A_44 = tpu.vector_load %arg25[%swap3A_42, %swap3A_43] {strides = array<i32>} : memref<500x16xf32, #tpu.memory_space<vmem>>, vector<1x16xf32>,
    %swap3A_45 = vector.shape_cast %swap3A_44 : vector<1x16xf32> to vector<16xf32>
    %swap3A_46 = vector.shape_cast %broadcast_in_dim3A_41 : vector<16xf32> to vector<1x16xf32>
    tpu.vector_store %arg25[%swap3A_42, %swap3A_43], %swap3A_46 {strides = array<i32>} : memref<500x16xf32, #tpu.memory_space<vmem>>, vector<1x16xf32>,
    %scan3A_47 = arith.constant 0 : i32
    %scan3A_48 = arith.constant 498 : i32
    %scan3A_49 = arith.addi %scan3A_25, %scan3A_48 : i32
    %broadcast_in_dim3A_50 = arith.constant 1.000000e+00 : f32
    %broadcast_in_dim3A_51 = vector.broadcast %broadcast_in_dim3A_50 : f32 to vector<16xf32>
    %swap3A_52 = arith.index_cast %scan3A_49 : i32 to index
    %swap3A_53 = arith.constant 0 : index
    %swap3A_54 = tpu.vector_load %arg25[%swap3A_52, %swap3A_53] {strides = array<i32>} : memref<500x16xf32, #tpu.memory_space<vmem>>, vector<1x16xf32>,
    %swap3A_55 = vector.shape_cast %swap3A_54 : vector<1x16xf32> to vector<16xf32>
    %swap3A_56 = vector.shape_cast %broadcast_in_dim3A_51 : vector<16xf32> to vector<1x16xf32>
    tpu.vector_store %arg25[%swap3A_52, %swap3A_53], %swap3A_56 {strides = array<i32>} : memref<500x16xf32, #tpu.memory_space<vmem>>, vector<1x16xf32>,
    %scan3A_57 = arith.constant 0 : i32
    %scan3A_58 = arith.constant 499 : i32
    %scan3A_59 = arith.addi %scan3A_25, %scan3A_58 : i32
    %broadcast_in_dim3A_60 = arith.constant 1.000000e+00 : f32
    %broadcast_in_dim3A_61 = vector.broadcast %broadcast_in_dim3A_60 : f32 to vector<16xf32>
    %swap3A_62 = arith.index_cast %scan3A_59 : i32 to index
    %swap3A_63 = arith.constant 0 : index
    %swap3A_64 = tpu.vector_load %arg25[%swap3A_62, %swap3A_63] {strides = array<i32>} : memref<500x16xf32, #tpu.memory_space<vmem>>, vector<1x16xf32>,
    %swap3A_65 = vector.shape_cast %swap3A_64 : vector<1x16xf32> to vector<16xf32>
    %swap3A_66 = vector.shape_cast %broadcast_in_dim3A_61 : vector<16xf32> to vector<1x16xf32>
    tpu.vector_store %arg25[%swap3A_62, %swap3A_63], %swap3A_66 {strides = array<i32>} : memref<500x16xf32, #tpu.memory_space<vmem>>, vector<1x16xf32>,
    %scan3A_67 = arith.constant 0 : i32
    %scan3A_68 = arith.constant 500 : i32
    %mul3A_69 = arith.constant 640 : i32
    %mul3A_70 = arith.muli %arg1, %mul3A_69 : i32
    "tpu.region"() ({
      %run_scoped3A = tpu.sem_alloc : memref<!tpu.dma_semaphore, #tpu.memory_space<semaphore_mem>>
      %dma_start3A_163 = arith.constant 0 : i32
      %dma_start3A_164 = tpu.memref_slice %arg14[%mul3A_70, %dma_start3A_163] : memref<10240x16xf32, #tpu.memory_space<vmem_shared>> -> memref<640x16xf32, #tpu.memory_space<vmem_shared>>
      %dma_start3A_165 = arith.constant 0 : i32
      %dma_start3A_166 = tpu.memref_slice %arg14[%mul3A_70, %dma_start3A_165] : memref<10240x16xf32, #tpu.memory_space<vmem_shared>> -> memref<640x16xf32, #tpu.memory_space<vmem_shared>>
      tpu.enqueue_dma source(%arg13 : memref<640x16xf32, #tpu.memory_space<vmem>>) target(%dma_start3A_166 : memref<640x16xf32, #tpu.memory_space<vmem_shared>>) target_semaphore(%run_scoped3A : memref<!tpu.dma_semaphore, #tpu.memory_space<semaphore_mem>>)
      %dma_wait3A_167 = arith.constant 0 : i32
      %dma_wait3A_168 = tpu.memref_slice %arg14[%mul3A_70, %dma_wait3A_167] : memref<10240x16xf32, #tpu.memory_space<vmem_shared>> -> memref<640x16xf32, #tpu.memory_space<vmem_shared>>
      %dma_wait3A_169 = arith.constant 0 : i32
      %dma_wait3A_170 = tpu.memref_slice %arg14[%mul3A_70, %dma_wait3A_169] : memref<10240x16xf32, #tpu.memory_space<vmem_shared>> -> memref<640x16xf32, #tpu.memory_space<vmem_shared>>
      tpu.wait_dma2 semaphore(%run_scoped3A : memref<!tpu.dma_semaphore, #tpu.memory_space<semaphore_mem>>) src(%arg13 : memref<640x16xf32, #tpu.memory_space<vmem>>) dst(%dma_wait3A_170 : memref<640x16xf32, #tpu.memory_space<vmem_shared>>)
      tpu.yield
    }) : () -> ()
    %mul3A_71 = arith.constant 640 : i32
    %mul3A_72 = arith.muli %arg1, %mul3A_71 : i32
    "tpu.region"() ({
      %run_scoped3A = tpu.sem_alloc : memref<!tpu.dma_semaphore, #tpu.memory_space<semaphore_mem>>
      %dma_start3A_163 = arith.constant 0 : i32
      %dma_start3A_164 = tpu.memref_slice %arg26[%mul3A_72, %dma_start3A_163] : memref<10240x16xf32, #tpu.memory_space<vmem_shared>> -> memref<640x16xf32, #tpu.memory_space<vmem_shared>>
      %dma_start3A_165 = arith.constant 0 : i32
      %dma_start3A_166 = tpu.memref_slice %arg26[%mul3A_72, %dma_start3A_165] : memref<10240x16xf32, #tpu.memory_space<vmem_shared>> -> memref<640x16xf32, #tpu.memory_space<vmem_shared>>
      tpu.enqueue_dma source(%arg13 : memref<640x16xf32, #tpu.memory_space<vmem>>) target(%dma_start3A_166 : memref<640x16xf32, #tpu.memory_space<vmem_shared>>) target_semaphore(%run_scoped3A : memref<!tpu.dma_semaphore, #tpu.memory_space<semaphore_mem>>)
      %dma_wait3A_167 = arith.constant 0 : i32
      %dma_wait3A_168 = tpu.memref_slice %arg26[%mul3A_72, %dma_wait3A_167] : memref<10240x16xf32, #tpu.memory_space<vmem_shared>> -> memref<640x16xf32, #tpu.memory_space<vmem_shared>>
      %dma_wait3A_169 = arith.constant 0 : i32
      %dma_wait3A_170 = tpu.memref_slice %arg26[%mul3A_72, %dma_wait3A_169] : memref<10240x16xf32, #tpu.memory_space<vmem_shared>> -> memref<640x16xf32, #tpu.memory_space<vmem_shared>>
      tpu.wait_dma2 semaphore(%run_scoped3A : memref<!tpu.dma_semaphore, #tpu.memory_space<semaphore_mem>>) src(%arg13 : memref<640x16xf32, #tpu.memory_space<vmem>>) dst(%dma_wait3A_170 : memref<640x16xf32, #tpu.memory_space<vmem_shared>>)
      tpu.yield
    }) : () -> ()
    %dma_wait3A = arith.constant 0 : i32
    %dma_wait3A_73 = arith.constant 0 : i32
    %dma_wait3A_74 = arith.constant 0 : i32
    %dma_wait3A_75 = tpu.memref_slice %arg3[%dma_wait3A, %add3A, %dma_wait3A_73, %dma_wait3A_74] : memref<2x32x10x500xi32, #tpu.memory_space<hbm>> -> memref<1x1x10x500xi32, #tpu.memory_space<hbm>>
    %dma_wait3A_76 = tpu.memref_squeeze %dma_wait3A_75 : memref<1x1x10x500xi32, #tpu.memory_space<hbm>> -> memref<10x500xi32, #tpu.memory_space<hbm>>
    %dma_wait3A_77 = arith.constant 0 : i32
    %dma_wait3A_78 = arith.constant 0 : i32
    %dma_wait3A_79 = tpu.memref_slice %arg3[%dma_wait3A, %add3A, %dma_wait3A_77, %dma_wait3A_78] : memref<2x32x10x500xi32, #tpu.memory_space<hbm>> -> memref<1x1x10x500xi32, #tpu.memory_space<hbm>>
    %dma_wait3A_80 = tpu.memref_squeeze %dma_wait3A_79 : memref<1x1x10x500xi32, #tpu.memory_space<hbm>> -> memref<10x500xi32, #tpu.memory_space<hbm>>
    tpu.wait_dma2 semaphore(%arg20 : memref<!tpu.dma_semaphore, #tpu.memory_space<semaphore_mem>>) src(%dma_wait3A_80 : memref<10x500xi32, #tpu.memory_space<hbm>>) dst(%arg6 : memref<10x500xi32, #tpu.memory_space<vmem>>)
    %dma_wait3A_81 = arith.constant 1 : i32
    %dma_wait3A_82 = arith.constant 0 : i32
    %dma_wait3A_83 = arith.constant 0 : i32
    %dma_wait3A_84 = tpu.memref_slice %arg3[%dma_wait3A_81, %add3A, %dma_wait3A_82, %dma_wait3A_83] : memref<2x32x10x500xi32, #tpu.memory_space<hbm>> -> memref<1x1x10x500xi32, #tpu.memory_space<hbm>>
    %dma_wait3A_85 = tpu.memref_squeeze %dma_wait3A_84 : memref<1x1x10x500xi32, #tpu.memory_space<hbm>> -> memref<10x500xi32, #tpu.memory_space<hbm>>
    %dma_wait3A_86 = arith.constant 0 : i32
    %dma_wait3A_87 = arith.constant 0 : i32
    %dma_wait3A_88 = tpu.memref_slice %arg3[%dma_wait3A_81, %add3A, %dma_wait3A_86, %dma_wait3A_87] : memref<2x32x10x500xi32, #tpu.memory_space<hbm>> -> memref<1x1x10x500xi32, #tpu.memory_space<hbm>>
    %dma_wait3A_89 = tpu.memref_squeeze %dma_wait3A_88 : memref<1x1x10x500xi32, #tpu.memory_space<hbm>> -> memref<10x500xi32, #tpu.memory_space<hbm>>
    tpu.wait_dma2 semaphore(%arg21 : memref<!tpu.dma_semaphore, #tpu.memory_space<semaphore_mem>>) src(%dma_wait3A_89 : memref<10x500xi32, #tpu.memory_space<hbm>>) dst(%arg7 : memref<10x500xi32, #tpu.memory_space<vmem>>)
    %barrier3A = arith.constant 0 : index
    tpu.barrier barrier_id(%barrier3A)
    %dma_start3A_90 = arith.constant 0 : i32
    %dma_start3A_91 = arith.constant 0 : i32
    %dma_start3A_92 = tpu.memref_slice %arg6[%dma_start3A_90, %dma_start3A_91] : memref<10x500xi32, #tpu.memory_space<vmem>> -> memref<1x500xi32, #tpu.memory_space<vmem>>
    %dma_start3A_93 = tpu.memref_squeeze %dma_start3A_92 : memref<1x500xi32, #tpu.memory_space<vmem>> -> memref<500xi32, #tpu.memory_space<vmem>>
    %dma_start3A_94 = arith.constant 0 : i32
    %dma_start3A_95 = arith.constant 0 : i32
    %dma_start3A_96 = tpu.memref_slice %arg2[%dma_start3A_94, %dma_start3A_95] : memref<10000x16xf32, #tpu.memory_space<hbm>> -> memref<10000x16xf32, #tpu.memory_space<hbm>>
    tpu.enqueue_indirect_dma source(%dma_start3A_96 : memref<10000x16xf32, #tpu.memory_space<hbm>>) target(%arg8 : memref<500x16xf32, #tpu.memory_space<vmem>>) offsets(%dma_start3A_93 : memref<500xi32, #tpu.memory_space<vmem>>) semaphore(%arg15 : memref<!tpu.dma_semaphore, #tpu.memory_space<semaphore_mem>>)
    %dma_start3A_97 = arith.constant 1 : i32
    %dma_start3A_98 = arith.constant 0 : i32
    %dma_start3A_99 = tpu.memref_slice %arg6[%dma_start3A_97, %dma_start3A_98] : memref<10x500xi32, #tpu.memory_space<vmem>> -> memref<1x500xi32, #tpu.memory_space<vmem>>
    %dma_start3A_100 = tpu.memref_squeeze %dma_start3A_99 : memref<1x500xi32, #tpu.memory_space<vmem>> -> memref<500xi32, #tpu.memory_space<vmem>>
    %dma_start3A_101 = arith.constant 0 : i32
    %dma_start3A_102 = arith.constant 0 : i32
    %dma_start3A_103 = tpu.memref_slice %arg2[%dma_start3A_101, %dma_start3A_102] : memref<10000x16xf32, #tpu.memory_space<hbm>> -> memref<10000x16xf32, #tpu.memory_space<hbm>>
    tpu.enqueue_indirect_dma source(%dma_start3A_103 : memref<10000x16xf32, #tpu.memory_space<hbm>>) target(%arg9 : memref<500x16xf32, #tpu.memory_space<vmem>>) offsets(%dma_start3A_100 : memref<500xi32, #tpu.memory_space<vmem>>) semaphore(%arg16 : memref<!tpu.dma_semaphore, #tpu.memory_space<semaphore_mem>>)
    %dma_start3A_104 = arith.constant 2 : i32
    %dma_start3A_105 = arith.constant 0 : i32
    %dma_start3A_106 = tpu.memref_slice %arg6[%dma_start3A_104, %dma_start3A_105] : memref<10x500xi32, #tpu.memory_space<vmem>> -> memref<1x500xi32, #tpu.memory_space<vmem>>
    %dma_start3A_107 = tpu.memref_squeeze %dma_start3A_106 : memref<1x500xi32, #tpu.memory_space<vmem>> -> memref<500xi32, #tpu.memory_space<vmem>>
    %dma_start3A_108 = arith.constant 0 : i32
    %dma_start3A_109 = arith.constant 0 : i32
    %dma_start3A_110 = tpu.memref_slice %arg2[%dma_start3A_108, %dma_start3A_109] : memref<10000x16xf32, #tpu.memory_space<hbm>> -> memref<10000x16xf32, #tpu.memory_space<hbm>>
    tpu.enqueue_indirect_dma source(%dma_start3A_110 : memref<10000x16xf32, #tpu.memory_space<hbm>>) target(%arg10 : memref<500x16xf32, #tpu.memory_space<vmem>>) offsets(%dma_start3A_107 : memref<500xi32, #tpu.memory_space<vmem>>) semaphore(%arg17 : memref<!tpu.dma_semaphore, #tpu.memory_space<semaphore_mem>>)
    %scan3A_111 = arith.constant 0 : i32
    %scan3A_112 = arith.constant 0 : i32
    %scan3A_113 = arith.constant 2 : i32
    %scan3A_114 = arith.addi %scan3A_112, %scan3A_113 : i32
    %scan3A_115 = arith.constant 1 : i32
    %scan3A_116 = scf.for %scan3A_163 = %scan3A_112 to %scan3A_114 step %scan3A_115 iter_args(%scan3A_164 = %scan3A_111) -> (i32)  : i32 {
      %mul3A_165 = arith.constant 5 : i32
      %mul3A_166 = arith.muli %scan3A_163, %mul3A_165 : i32
      %add3A_167 = arith.constant 0 : i32
      %add3A_168 = arith.addi %mul3A_166, %add3A_167 : i32
      %add3A_169 = arith.constant 3 : i32
      %add3A_170 = arith.addi %add3A_168, %add3A_169 : i32
      %lt3A = arith.constant 10 : i32
      %lt3A_171 = arith.cmpi slt, %add3A_170, %lt3A : i32
      %convert_element_type3A = arith.extui %lt3A_171 : i1 to i32
      %cond3A = arith.constant 0 : i32
      %cond3A_172 = arith.cmpi ne, %convert_element_type3A, %cond3A : i32
      scf.if %cond3A_172 {
        %ge3A = arith.constant 2 : i32
        %ge3A_308 = arith.cmpi sge, %add3A_168, %ge3A : i32
        %convert_element_type3A_309 = arith.extui %ge3A_308 : i1 to i32
        %cond3A_310 = arith.constant 0 : i32
        %cond3A_311 = arith.cmpi ne, %convert_element_type3A_309, %cond3A_310 : i32
        scf.if %cond3A_311 {
          %sub3A = arith.constant 2 : i32
          %sub3A_318 = arith.subi %add3A_168, %sub3A : i32
          %dma_wait3A_319 = arith.constant 0 : i32
          %dma_wait3A_320 = tpu.memref_slice %arg7[%sub3A_318, %dma_wait3A_319] : memref<10x500xi32, #tpu.memory_space<vmem>> -> memref<1x500xi32, #tpu.memory_space<vmem>>
          %dma_wait3A_321 = tpu.memref_squeeze %dma_wait3A_320 : memref<1x500xi32, #tpu.memory_space<vmem>> -> memref<500xi32, #tpu.memory_space<vmem>>
          %dma_wait3A_322 = arith.constant 0 : i32
          %dma_wait3A_323 = arith.constant 0 : i32
          %dma_wait3A_324 = tpu.memref_slice %arg14[%dma_wait3A_322, %dma_wait3A_323] : memref<10240x16xf32, #tpu.memory_space<vmem_shared>> -> memref<10240x16xf32, #tpu.memory_space<vmem_shared>>
          tpu.wait_indirect_dma semaphore(%arg23 : memref<!tpu.dma_semaphore, #tpu.memory_space<semaphore_mem>>) src(%arg11 : memref<500x16xf32, #tpu.memory_space<vmem>>) dst(%dma_wait3A_324 : memref<10240x16xf32, #tpu.memory_space<vmem_shared>>)
        } else {
        }
        %dma_start3A_312 = arith.constant 0 : i32
        %dma_start3A_313 = tpu.memref_slice %arg6[%add3A_170, %dma_start3A_312] : memref<10x500xi32, #tpu.memory_space<vmem>> -> memref<1x500xi32, #tpu.memory_space<vmem>>
        %dma_start3A_314 = tpu.memref_squeeze %dma_start3A_313 : memref<1x500xi32, #tpu.memory_space<vmem>> -> memref<500xi32, #tpu.memory_space<vmem>>
        %dma_start3A_315 = arith.constant 0 : i32
        %dma_start3A_316 = arith.constant 0 : i32
        %dma_start3A_317 = tpu.memref_slice %arg2[%dma_start3A_315, %dma_start3A_316] : memref<10000x16xf32, #tpu.memory_space<hbm>> -> memref<10000x16xf32, #tpu.memory_space<hbm>>
        tpu.enqueue_indirect_dma source(%dma_start3A_317 : memref<10000x16xf32, #tpu.memory_space<hbm>>) target(%arg11 : memref<500x16xf32, #tpu.memory_space<vmem>>) offsets(%dma_start3A_314 : memref<500xi32, #tpu.memory_space<vmem>>) semaphore(%arg18 : memref<!tpu.dma_semaphore, #tpu.memory_space<semaphore_mem>>)
      } else {
      }
      %dma_wait3A_173 = arith.constant 0 : i32
      %dma_wait3A_174 = tpu.memref_slice %arg6[%add3A_168, %dma_wait3A_173] : memref<10x500xi32, #tpu.memory_space<vmem>> -> memref<1x500xi32, #tpu.memory_space<vmem>>
      %dma_wait3A_175 = tpu.memref_squeeze %dma_wait3A_174 : memref<1x500xi32, #tpu.memory_space<vmem>> -> memref<500xi32, #tpu.memory_space<vmem>>
      %dma_wait3A_176 = arith.constant 0 : i32
      %dma_wait3A_177 = arith.constant 0 : i32
      %dma_wait3A_178 = tpu.memref_slice %arg2[%dma_wait3A_176, %dma_wait3A_177] : memref<10000x16xf32, #tpu.memory_space<hbm>> -> memref<10000x16xf32, #tpu.memory_space<hbm>>
      tpu.wait_indirect_dma semaphore(%arg15 : memref<!tpu.dma_semaphore, #tpu.memory_space<semaphore_mem>>) src(%dma_wait3A_178 : memref<10000x16xf32, #tpu.memory_space<hbm>>) dst(%arg8 : memref<500x16xf32, #tpu.memory_space<vmem>>)
      %dma_start3A_179 = arith.constant 0 : i32
      %dma_start3A_180 = tpu.memref_slice %arg7[%add3A_168, %dma_start3A_179] : memref<10x500xi32, #tpu.memory_space<vmem>> -> memref<1x500xi32, #tpu.memory_space<vmem>>
      %dma_start3A_181 = tpu.memref_squeeze %dma_start3A_180 : memref<1x500xi32, #tpu.memory_space<vmem>> -> memref<500xi32, #tpu.memory_space<vmem>>
      %dma_start3A_182 = arith.constant 0 : i32
      %dma_start3A_183 = arith.constant 0 : i32
      %dma_start3A_184 = tpu.memref_slice %arg14[%dma_start3A_182, %dma_start3A_183] : memref<10240x16xf32, #tpu.memory_space<vmem_shared>> -> memref<10240x16xf32, #tpu.memory_space<vmem_shared>>
      tpu.enqueue_indirect_dma source(%arg8 : memref<500x16xf32, #tpu.memory_space<vmem>>) target(%dma_start3A_184 : memref<10240x16xf32, #tpu.memory_space<vmem_shared>>) offsets(%dma_start3A_181 : memref<500xi32, #tpu.memory_space<vmem>>) semaphore(%arg20 : memref<!tpu.dma_semaphore, #tpu.memory_space<semaphore_mem>>) {add = true}
      %dma_start3A_185 = arith.constant 0 : i32
      %dma_start3A_186 = tpu.memref_slice %arg7[%add3A_168, %dma_start3A_185] : memref<10x500xi32, #tpu.memory_space<vmem>> -> memref<1x500xi32, #tpu.memory_space<vmem>>
      %dma_start3A_187 = tpu.memref_squeeze %dma_start3A_186 : memref<1x500xi32, #tpu.memory_space<vmem>> -> memref<500xi32, #tpu.memory_space<vmem>>
      %dma_start3A_188 = arith.constant 0 : i32
      %dma_start3A_189 = arith.constant 0 : i32
      %dma_start3A_190 = tpu.memref_slice %arg26[%dma_start3A_188, %dma_start3A_189] : memref<10240x16xf32, #tpu.memory_space<vmem_shared>> -> memref<10240x16xf32, #tpu.memory_space<vmem_shared>>
      tpu.enqueue_indirect_dma source(%arg25 : memref<500x16xf32, #tpu.memory_space<vmem>>) target(%dma_start3A_190 : memref<10240x16xf32, #tpu.memory_space<vmem_shared>>) offsets(%dma_start3A_187 : memref<500xi32, #tpu.memory_space<vmem>>) semaphore(%arg27 : memref<!tpu.dma_semaphore, #tpu.memory_space<semaphore_mem>>) {add = true}
      %mul3A_191 = arith.constant 5 : i32
      %mul3A_192 = arith.muli %scan3A_163, %mul3A_191 : i32
      %add3A_193 = arith.constant 1 : i32
      %add3A_194 = arith.addi %mul3A_192, %add3A_193 : i32
      %add3A_195 = arith.constant 3 : i32
      %add3A_196 = arith.addi %add3A_194, %add3A_195 : i32
      %lt3A_197 = arith.constant 10 : i32
      %lt3A_198 = arith.cmpi slt, %add3A_196, %lt3A_197 : i32
      %convert_element_type3A_199 = arith.extui %lt3A_198 : i1 to i32
      %cond3A_200 = arith.constant 0 : i32
      %cond3A_201 = arith.cmpi ne, %convert_element_type3A_199, %cond3A_200 : i32
      scf.if %cond3A_201 {
        %ge3A = arith.constant 2 : i32
        %ge3A_308 = arith.cmpi sge, %add3A_194, %ge3A : i32
        %convert_element_type3A_309 = arith.extui %ge3A_308 : i1 to i32
        %cond3A_310 = arith.constant 0 : i32
        %cond3A_311 = arith.cmpi ne, %convert_element_type3A_309, %cond3A_310 : i32
        scf.if %cond3A_311 {
          %sub3A = arith.constant 2 : i32
          %sub3A_318 = arith.subi %add3A_194, %sub3A : i32
          %dma_wait3A_319 = arith.constant 0 : i32
          %dma_wait3A_320 = tpu.memref_slice %arg7[%sub3A_318, %dma_wait3A_319] : memref<10x500xi32, #tpu.memory_space<vmem>> -> memref<1x500xi32, #tpu.memory_space<vmem>>
          %dma_wait3A_321 = tpu.memref_squeeze %dma_wait3A_320 : memref<1x500xi32, #tpu.memory_space<vmem>> -> memref<500xi32, #tpu.memory_space<vmem>>
          %dma_wait3A_322 = arith.constant 0 : i32
          %dma_wait3A_323 = arith.constant 0 : i32
          %dma_wait3A_324 = tpu.memref_slice %arg14[%dma_wait3A_322, %dma_wait3A_323] : memref<10240x16xf32, #tpu.memory_space<vmem_shared>> -> memref<10240x16xf32, #tpu.memory_space<vmem_shared>>
          tpu.wait_indirect_dma semaphore(%arg24 : memref<!tpu.dma_semaphore, #tpu.memory_space<semaphore_mem>>) src(%arg12 : memref<500x16xf32, #tpu.memory_space<vmem>>) dst(%dma_wait3A_324 : memref<10240x16xf32, #tpu.memory_space<vmem_shared>>)
        } else {
        }
        %dma_start3A_312 = arith.constant 0 : i32
        %dma_start3A_313 = tpu.memref_slice %arg6[%add3A_196, %dma_start3A_312] : memref<10x500xi32, #tpu.memory_space<vmem>> -> memref<1x500xi32, #tpu.memory_space<vmem>>
        %dma_start3A_314 = tpu.memref_squeeze %dma_start3A_313 : memref<1x500xi32, #tpu.memory_space<vmem>> -> memref<500xi32, #tpu.memory_space<vmem>>
        %dma_start3A_315 = arith.constant 0 : i32
        %dma_start3A_316 = arith.constant 0 : i32
        %dma_start3A_317 = tpu.memref_slice %arg2[%dma_start3A_315, %dma_start3A_316] : memref<10000x16xf32, #tpu.memory_space<hbm>> -> memref<10000x16xf32, #tpu.memory_space<hbm>>
        tpu.enqueue_indirect_dma source(%dma_start3A_317 : memref<10000x16xf32, #tpu.memory_space<hbm>>) target(%arg12 : memref<500x16xf32, #tpu.memory_space<vmem>>) offsets(%dma_start3A_314 : memref<500xi32, #tpu.memory_space<vmem>>) semaphore(%arg19 : memref<!tpu.dma_semaphore, #tpu.memory_space<semaphore_mem>>)
      } else {
      }
      %dma_wait3A_202 = arith.constant 0 : i32
      %dma_wait3A_203 = tpu.memref_slice %arg6[%add3A_194, %dma_wait3A_202] : memref<10x500xi32, #tpu.memory_space<vmem>> -> memref<1x500xi32, #tpu.memory_space<vmem>>
      %dma_wait3A_204 = tpu.memref_squeeze %dma_wait3A_203 : memref<1x500xi32, #tpu.memory_space<vmem>> -> memref<500xi32, #tpu.memory_space<vmem>>
      %dma_wait3A_205 = arith.constant 0 : i32
      %dma_wait3A_206 = arith.constant 0 : i32
      %dma_wait3A_207 = tpu.memref_slice %arg2[%dma_wait3A_205, %dma_wait3A_206] : memref<10000x16xf32, #tpu.memory_space<hbm>> -> memref<10000x16xf32, #tpu.memory_space<hbm>>
      tpu.wait_indirect_dma semaphore(%arg16 : memref<!tpu.dma_semaphore, #tpu.memory_space<semaphore_mem>>) src(%dma_wait3A_207 : memref<10000x16xf32, #tpu.memory_space<hbm>>) dst(%arg9 : memref<500x16xf32, #tpu.memory_space<vmem>>)
      %dma_start3A_208 = arith.constant 0 : i32
      %dma_start3A_209 = tpu.memref_slice %arg7[%add3A_194, %dma_start3A_208] : memref<10x500xi32, #tpu.memory_space<vmem>> -> memref<1x500xi32, #tpu.memory_space<vmem>>
      %dma_start3A_210 = tpu.memref_squeeze %dma_start3A_209 : memref<1x500xi32, #tpu.memory_space<vmem>> -> memref<500xi32, #tpu.memory_space<vmem>>
      %dma_start3A_211 = arith.constant 0 : i32
      %dma_start3A_212 = arith.constant 0 : i32
      %dma_start3A_213 = tpu.memref_slice %arg14[%dma_start3A_211, %dma_start3A_212] : memref<10240x16xf32, #tpu.memory_space<vmem_shared>> -> memref<10240x16xf32, #tpu.memory_space<vmem_shared>>
      tpu.enqueue_indirect_dma source(%arg9 : memref<500x16xf32, #tpu.memory_space<vmem>>) target(%dma_start3A_213 : memref<10240x16xf32, #tpu.memory_space<vmem_shared>>) offsets(%dma_start3A_210 : memref<500xi32, #tpu.memory_space<vmem>>) semaphore(%arg21 : memref<!tpu.dma_semaphore, #tpu.memory_space<semaphore_mem>>) {add = true}
      %dma_start3A_214 = arith.constant 0 : i32
      %dma_start3A_215 = tpu.memref_slice %arg7[%add3A_194, %dma_start3A_214] : memref<10x500xi32, #tpu.memory_space<vmem>> -> memref<1x500xi32, #tpu.memory_space<vmem>>
      %dma_start3A_216 = tpu.memref_squeeze %dma_start3A_215 : memref<1x500xi32, #tpu.memory_space<vmem>> -> memref<500xi32, #tpu.memory_space<vmem>>
      %dma_start3A_217 = arith.constant 0 : i32
      %dma_start3A_218 = arith.constant 0 : i32
      %dma_start3A_219 = tpu.memref_slice %arg26[%dma_start3A_217, %dma_start3A_218] : memref<10240x16xf32, #tpu.memory_space<vmem_shared>> -> memref<10240x16xf32, #tpu.memory_space<vmem_shared>>
      tpu.enqueue_indirect_dma source(%arg25 : memref<500x16xf32, #tpu.memory_space<vmem>>) target(%dma_start3A_219 : memref<10240x16xf32, #tpu.memory_space<vmem_shared>>) offsets(%dma_start3A_216 : memref<500xi32, #tpu.memory_space<vmem>>) semaphore(%arg27 : memref<!tpu.dma_semaphore, #tpu.memory_space<semaphore_mem>>) {add = true}
      %mul3A_220 = arith.constant 5 : i32
      %mul3A_221 = arith.muli %scan3A_163, %mul3A_220 : i32
      %add3A_222 = arith.constant 2 : i32
      %add3A_223 = arith.addi %mul3A_221, %add3A_222 : i32
      %add3A_224 = arith.constant 3 : i32
      %add3A_225 = arith.addi %add3A_223, %add3A_224 : i32
      %lt3A_226 = arith.constant 10 : i32
      %lt3A_227 = arith.cmpi slt, %add3A_225, %lt3A_226 : i32
      %convert_element_type3A_228 = arith.extui %lt3A_227 : i1 to i32
      %cond3A_229 = arith.constant 0 : i32
      %cond3A_230 = arith.cmpi ne, %convert_element_type3A_228, %cond3A_229 : i32
      scf.if %cond3A_230 {
        %ge3A = arith.constant 2 : i32
        %ge3A_308 = arith.cmpi sge, %add3A_223, %ge3A : i32
        %convert_element_type3A_309 = arith.extui %ge3A_308 : i1 to i32
        %cond3A_310 = arith.constant 0 : i32
        %cond3A_311 = arith.cmpi ne, %convert_element_type3A_309, %cond3A_310 : i32
        scf.if %cond3A_311 {
          %sub3A = arith.constant 2 : i32
          %sub3A_318 = arith.subi %add3A_223, %sub3A : i32
          %dma_wait3A_319 = arith.constant 0 : i32
          %dma_wait3A_320 = tpu.memref_slice %arg7[%sub3A_318, %dma_wait3A_319] : memref<10x500xi32, #tpu.memory_space<vmem>> -> memref<1x500xi32, #tpu.memory_space<vmem>>
          %dma_wait3A_321 = tpu.memref_squeeze %dma_wait3A_320 : memref<1x500xi32, #tpu.memory_space<vmem>> -> memref<500xi32, #tpu.memory_space<vmem>>
          %dma_wait3A_322 = arith.constant 0 : i32
          %dma_wait3A_323 = arith.constant 0 : i32
          %dma_wait3A_324 = tpu.memref_slice %arg14[%dma_wait3A_322, %dma_wait3A_323] : memref<10240x16xf32, #tpu.memory_space<vmem_shared>> -> memref<10240x16xf32, #tpu.memory_space<vmem_shared>>
          tpu.wait_indirect_dma semaphore(%arg20 : memref<!tpu.dma_semaphore, #tpu.memory_space<semaphore_mem>>) src(%arg8 : memref<500x16xf32, #tpu.memory_space<vmem>>) dst(%dma_wait3A_324 : memref<10240x16xf32, #tpu.memory_space<vmem_shared>>)
        } else {
        }
        %dma_start3A_312 = arith.constant 0 : i32
        %dma_start3A_313 = tpu.memref_slice %arg6[%add3A_225, %dma_start3A_312] : memref<10x500xi32, #tpu.memory_space<vmem>> -> memref<1x500xi32, #tpu.memory_space<vmem>>
        %dma_start3A_314 = tpu.memref_squeeze %dma_start3A_313 : memref<1x500xi32, #tpu.memory_space<vmem>> -> memref<500xi32, #tpu.memory_space<vmem>>
        %dma_start3A_315 = arith.constant 0 : i32
        %dma_start3A_316 = arith.constant 0 : i32
        %dma_start3A_317 = tpu.memref_slice %arg2[%dma_start3A_315, %dma_start3A_316] : memref<10000x16xf32, #tpu.memory_space<hbm>> -> memref<10000x16xf32, #tpu.memory_space<hbm>>
        tpu.enqueue_indirect_dma source(%dma_start3A_317 : memref<10000x16xf32, #tpu.memory_space<hbm>>) target(%arg8 : memref<500x16xf32, #tpu.memory_space<vmem>>) offsets(%dma_start3A_314 : memref<500xi32, #tpu.memory_space<vmem>>) semaphore(%arg15 : memref<!tpu.dma_semaphore, #tpu.memory_space<semaphore_mem>>)
      } else {
      }
      %dma_wait3A_231 = arith.constant 0 : i32
      %dma_wait3A_232 = tpu.memref_slice %arg6[%add3A_223, %dma_wait3A_231] : memref<10x500xi32, #tpu.memory_space<vmem>> -> memref<1x500xi32, #tpu.memory_space<vmem>>
      %dma_wait3A_233 = tpu.memref_squeeze %dma_wait3A_232 : memref<1x500xi32, #tpu.memory_space<vmem>> -> memref<500xi32, #tpu.memory_space<vmem>>
      %dma_wait3A_234 = arith.constant 0 : i32
      %dma_wait3A_235 = arith.constant 0 : i32
      %dma_wait3A_236 = tpu.memref_slice %arg2[%dma_wait3A_234, %dma_wait3A_235] : memref<10000x16xf32, #tpu.memory_space<hbm>> -> memref<10000x16xf32, #tpu.memory_space<hbm>>
      tpu.wait_indirect_dma semaphore(%arg17 : memref<!tpu.dma_semaphore, #tpu.memory_space<semaphore_mem>>) src(%dma_wait3A_236 : memref<10000x16xf32, #tpu.memory_space<hbm>>) dst(%arg10 : memref<500x16xf32, #tpu.memory_space<vmem>>)
      %dma_start3A_237 = arith.constant 0 : i32
      %dma_start3A_238 = tpu.memref_slice %arg7[%add3A_223, %dma_start3A_237] : memref<10x500xi32, #tpu.memory_space<vmem>> -> memref<1x500xi32, #tpu.memory_space<vmem>>
      %dma_start3A_239 = tpu.memref_squeeze %dma_start3A_238 : memref<1x500xi32, #tpu.memory_space<vmem>> -> memref<500xi32, #tpu.memory_space<vmem>>
      %dma_start3A_240 = arith.constant 0 : i32
      %dma_start3A_241 = arith.constant 0 : i32
      %dma_start3A_242 = tpu.memref_slice %arg14[%dma_start3A_240, %dma_start3A_241] : memref<10240x16xf32, #tpu.memory_space<vmem_shared>> -> memref<10240x16xf32, #tpu.memory_space<vmem_shared>>
      tpu.enqueue_indirect_dma source(%arg10 : memref<500x16xf32, #tpu.memory_space<vmem>>) target(%dma_start3A_242 : memref<10240x16xf32, #tpu.memory_space<vmem_shared>>) offsets(%dma_start3A_239 : memref<500xi32, #tpu.memory_space<vmem>>) semaphore(%arg22 : memref<!tpu.dma_semaphore, #tpu.memory_space<semaphore_mem>>) {add = true}
      %dma_start3A_243 = arith.constant 0 : i32
      %dma_start3A_244 = tpu.memref_slice %arg7[%add3A_223, %dma_start3A_243] : memref<10x500xi32, #tpu.memory_space<vmem>> -> memref<1x500xi32, #tpu.memory_space<vmem>>
      %dma_start3A_245 = tpu.memref_squeeze %dma_start3A_244 : memref<1x500xi32, #tpu.memory_space<vmem>> -> memref<500xi32, #tpu.memory_space<vmem>>
      %dma_start3A_246 = arith.constant 0 : i32
      %dma_start3A_247 = arith.constant 0 : i32
      %dma_start3A_248 = tpu.memref_slice %arg26[%dma_start3A_246, %dma_start3A_247] : memref<10240x16xf32, #tpu.memory_space<vmem_shared>> -> memref<10240x16xf32, #tpu.memory_space<vmem_shared>>
      tpu.enqueue_indirect_dma source(%arg25 : memref<500x16xf32, #tpu.memory_space<vmem>>) target(%dma_start3A_248 : memref<10240x16xf32, #tpu.memory_space<vmem_shared>>) offsets(%dma_start3A_245 : memref<500xi32, #tpu.memory_space<vmem>>) semaphore(%arg27 : memref<!tpu.dma_semaphore, #tpu.memory_space<semaphore_mem>>) {add = true}
      %mul3A_249 = arith.constant 5 : i32
      %mul3A_250 = arith.muli %scan3A_163, %mul3A_249 : i32
      %add3A_251 = arith.constant 3 : i32
      %add3A_252 = arith.addi %mul3A_250, %add3A_251 : i32
      %add3A_253 = arith.constant 3 : i32
      %add3A_254 = arith.addi %add3A_252, %add3A_253 : i32
      %lt3A_255 = arith.constant 10 : i32
      %lt3A_256 = arith.cmpi slt, %add3A_254, %lt3A_255 : i32
      %convert_element_type3A_257 = arith.extui %lt3A_256 : i1 to i32
      %cond3A_258 = arith.constant 0 : i32
      %cond3A_259 = arith.cmpi ne, %convert_element_type3A_257, %cond3A_258 : i32
      scf.if %cond3A_259 {
        %ge3A = arith.constant 2 : i32
        %ge3A_308 = arith.cmpi sge, %add3A_252, %ge3A : i32
        %convert_element_type3A_309 = arith.extui %ge3A_308 : i1 to i32
        %cond3A_310 = arith.constant 0 : i32
        %cond3A_311 = arith.cmpi ne, %convert_element_type3A_309, %cond3A_310 : i32
        scf.if %cond3A_311 {
          %sub3A = arith.constant 2 : i32
          %sub3A_318 = arith.subi %add3A_252, %sub3A : i32
          %dma_wait3A_319 = arith.constant 0 : i32
          %dma_wait3A_320 = tpu.memref_slice %arg7[%sub3A_318, %dma_wait3A_319] : memref<10x500xi32, #tpu.memory_space<vmem>> -> memref<1x500xi32, #tpu.memory_space<vmem>>
          %dma_wait3A_321 = tpu.memref_squeeze %dma_wait3A_320 : memref<1x500xi32, #tpu.memory_space<vmem>> -> memref<500xi32, #tpu.memory_space<vmem>>
          %dma_wait3A_322 = arith.constant 0 : i32
          %dma_wait3A_323 = arith.constant 0 : i32
          %dma_wait3A_324 = tpu.memref_slice %arg14[%dma_wait3A_322, %dma_wait3A_323] : memref<10240x16xf32, #tpu.memory_space<vmem_shared>> -> memref<10240x16xf32, #tpu.memory_space<vmem_shared>>
          tpu.wait_indirect_dma semaphore(%arg21 : memref<!tpu.dma_semaphore, #tpu.memory_space<semaphore_mem>>) src(%arg9 : memref<500x16xf32, #tpu.memory_space<vmem>>) dst(%dma_wait3A_324 : memref<10240x16xf32, #tpu.memory_space<vmem_shared>>)
        } else {
        }
        %dma_start3A_312 = arith.constant 0 : i32
        %dma_start3A_313 = tpu.memref_slice %arg6[%add3A_254, %dma_start3A_312] : memref<10x500xi32, #tpu.memory_space<vmem>> -> memref<1x500xi32, #tpu.memory_space<vmem>>
        %dma_start3A_314 = tpu.memref_squeeze %dma_start3A_313 : memref<1x500xi32, #tpu.memory_space<vmem>> -> memref<500xi32, #tpu.memory_space<vmem>>
        %dma_start3A_315 = arith.constant 0 : i32
        %dma_start3A_316 = arith.constant 0 : i32
        %dma_start3A_317 = tpu.memref_slice %arg2[%dma_start3A_315, %dma_start3A_316] : memref<10000x16xf32, #tpu.memory_space<hbm>> -> memref<10000x16xf32, #tpu.memory_space<hbm>>
        tpu.enqueue_indirect_dma source(%dma_start3A_317 : memref<10000x16xf32, #tpu.memory_space<hbm>>) target(%arg9 : memref<500x16xf32, #tpu.memory_space<vmem>>) offsets(%dma_start3A_314 : memref<500xi32, #tpu.memory_space<vmem>>) semaphore(%arg16 : memref<!tpu.dma_semaphore, #tpu.memory_space<semaphore_mem>>)
      } else {
      }
      %dma_wait3A_260 = arith.constant 0 : i32
      %dma_wait3A_261 = tpu.memref_slice %arg6[%add3A_252, %dma_wait3A_260] : memref<10x500xi32, #tpu.memory_space<vmem>> -> memref<1x500xi32, #tpu.memory_space<vmem>>
      %dma_wait3A_262 = tpu.memref_squeeze %dma_wait3A_261 : memref<1x500xi32, #tpu.memory_space<vmem>> -> memref<500xi32, #tpu.memory_space<vmem>>
      %dma_wait3A_263 = arith.constant 0 : i32
      %dma_wait3A_264 = arith.constant 0 : i32
      %dma_wait3A_265 = tpu.memref_slice %arg2[%dma_wait3A_263, %dma_wait3A_264] : memref<10000x16xf32, #tpu.memory_space<hbm>> -> memref<10000x16xf32, #tpu.memory_space<hbm>>
      tpu.wait_indirect_dma semaphore(%arg18 : memref<!tpu.dma_semaphore, #tpu.memory_space<semaphore_mem>>) src(%dma_wait3A_265 : memref<10000x16xf32, #tpu.memory_space<hbm>>) dst(%arg11 : memref<500x16xf32, #tpu.memory_space<vmem>>)
      %dma_start3A_266 = arith.constant 0 : i32
      %dma_start3A_267 = tpu.memref_slice %arg7[%add3A_252, %dma_start3A_266] : memref<10x500xi32, #tpu.memory_space<vmem>> -> memref<1x500xi32, #tpu.memory_space<vmem>>
      %dma_start3A_268 = tpu.memref_squeeze %dma_start3A_267 : memref<1x500xi32, #tpu.memory_space<vmem>> -> memref<500xi32, #tpu.memory_space<vmem>>
      %dma_start3A_269 = arith.constant 0 : i32
      %dma_start3A_270 = arith.constant 0 : i32
      %dma_start3A_271 = tpu.memref_slice %arg14[%dma_start3A_269, %dma_start3A_270] : memref<10240x16xf32, #tpu.memory_space<vmem_shared>> -> memref<10240x16xf32, #tpu.memory_space<vmem_shared>>
      tpu.enqueue_indirect_dma source(%arg11 : memref<500x16xf32, #tpu.memory_space<vmem>>) target(%dma_start3A_271 : memref<10240x16xf32, #tpu.memory_space<vmem_shared>>) offsets(%dma_start3A_268 : memref<500xi32, #tpu.memory_space<vmem>>) semaphore(%arg23 : memref<!tpu.dma_semaphore, #tpu.memory_space<semaphore_mem>>) {add = true}
      %dma_start3A_272 = arith.constant 0 : i32
      %dma_start3A_273 = tpu.memref_slice %arg7[%add3A_252, %dma_start3A_272] : memref<10x500xi32, #tpu.memory_space<vmem>> -> memref<1x500xi32, #tpu.memory_space<vmem>>
      %dma_start3A_274 = tpu.memref_squeeze %dma_start3A_273 : memref<1x500xi32, #tpu.memory_space<vmem>> -> memref<500xi32, #tpu.memory_space<vmem>>
      %dma_start3A_275 = arith.constant 0 : i32
      %dma_start3A_276 = arith.constant 0 : i32
      %dma_start3A_277 = tpu.memref_slice %arg26[%dma_start3A_275, %dma_start3A_276] : memref<10240x16xf32, #tpu.memory_space<vmem_shared>> -> memref<10240x16xf32, #tpu.memory_space<vmem_shared>>
      tpu.enqueue_indirect_dma source(%arg25 : memref<500x16xf32, #tpu.memory_space<vmem>>) target(%dma_start3A_277 : memref<10240x16xf32, #tpu.memory_space<vmem_shared>>) offsets(%dma_start3A_274 : memref<500xi32, #tpu.memory_space<vmem>>) semaphore(%arg27 : memref<!tpu.dma_semaphore, #tpu.memory_space<semaphore_mem>>) {add = true}
      %mul3A_278 = arith.constant 5 : i32
      %mul3A_279 = arith.muli %scan3A_163, %mul3A_278 : i32
      %add3A_280 = arith.constant 4 : i32
      %add3A_281 = arith.addi %mul3A_279, %add3A_280 : i32
      %add3A_282 = arith.constant 3 : i32
      %add3A_283 = arith.addi %add3A_281, %add3A_282 : i32
      %lt3A_284 = arith.constant 10 : i32
      %lt3A_285 = arith.cmpi slt, %add3A_283, %lt3A_284 : i32
      %convert_element_type3A_286 = arith.extui %lt3A_285 : i1 to i32
      %cond3A_287 = arith.constant 0 : i32
      %cond3A_288 = arith.cmpi ne, %convert_element_type3A_286, %cond3A_287 : i32
      scf.if %cond3A_288 {
        %ge3A = arith.constant 2 : i32
        %ge3A_308 = arith.cmpi sge, %add3A_281, %ge3A : i32
        %convert_element_type3A_309 = arith.extui %ge3A_308 : i1 to i32
        %cond3A_310 = arith.constant 0 : i32
        %cond3A_311 = arith.cmpi ne, %convert_element_type3A_309, %cond3A_310 : i32
        scf.if %cond3A_311 {
          %sub3A = arith.constant 2 : i32
          %sub3A_318 = arith.subi %add3A_281, %sub3A : i32
          %dma_wait3A_319 = arith.constant 0 : i32
          %dma_wait3A_320 = tpu.memref_slice %arg7[%sub3A_318, %dma_wait3A_319] : memref<10x500xi32, #tpu.memory_space<vmem>> -> memref<1x500xi32, #tpu.memory_space<vmem>>
          %dma_wait3A_321 = tpu.memref_squeeze %dma_wait3A_320 : memref<1x500xi32, #tpu.memory_space<vmem>> -> memref<500xi32, #tpu.memory_space<vmem>>
          %dma_wait3A_322 = arith.constant 0 : i32
          %dma_wait3A_323 = arith.constant 0 : i32
          %dma_wait3A_324 = tpu.memref_slice %arg14[%dma_wait3A_322, %dma_wait3A_323] : memref<10240x16xf32, #tpu.memory_space<vmem_shared>> -> memref<10240x16xf32, #tpu.memory_space<vmem_shared>>
          tpu.wait_indirect_dma semaphore(%arg22 : memref<!tpu.dma_semaphore, #tpu.memory_space<semaphore_mem>>) src(%arg10 : memref<500x16xf32, #tpu.memory_space<vmem>>) dst(%dma_wait3A_324 : memref<10240x16xf32, #tpu.memory_space<vmem_shared>>)
        } else {
        }
        %dma_start3A_312 = arith.constant 0 : i32
        %dma_start3A_313 = tpu.memref_slice %arg6[%add3A_283, %dma_start3A_312] : memref<10x500xi32, #tpu.memory_space<vmem>> -> memref<1x500xi32, #tpu.memory_space<vmem>>
        %dma_start3A_314 = tpu.memref_squeeze %dma_start3A_313 : memref<1x500xi32, #tpu.memory_space<vmem>> -> memref<500xi32, #tpu.memory_space<vmem>>
        %dma_start3A_315 = arith.constant 0 : i32
        %dma_start3A_316 = arith.constant 0 : i32
        %dma_start3A_317 = tpu.memref_slice %arg2[%dma_start3A_315, %dma_start3A_316] : memref<10000x16xf32, #tpu.memory_space<hbm>> -> memref<10000x16xf32, #tpu.memory_space<hbm>>
        tpu.enqueue_indirect_dma source(%dma_start3A_317 : memref<10000x16xf32, #tpu.memory_space<hbm>>) target(%arg10 : memref<500x16xf32, #tpu.memory_space<vmem>>) offsets(%dma_start3A_314 : memref<500xi32, #tpu.memory_space<vmem>>) semaphore(%arg17 : memref<!tpu.dma_semaphore, #tpu.memory_space<semaphore_mem>>)
      } else {
      }
      %dma_wait3A_289 = arith.constant 0 : i32
      %dma_wait3A_290 = tpu.memref_slice %arg6[%add3A_281, %dma_wait3A_289] : memref<10x500xi32, #tpu.memory_space<vmem>> -> memref<1x500xi32, #tpu.memory_space<vmem>>
      %dma_wait3A_291 = tpu.memref_squeeze %dma_wait3A_290 : memref<1x500xi32, #tpu.memory_space<vmem>> -> memref<500xi32, #tpu.memory_space<vmem>>
      %dma_wait3A_292 = arith.constant 0 : i32
      %dma_wait3A_293 = arith.constant 0 : i32
      %dma_wait3A_294 = tpu.memref_slice %arg2[%dma_wait3A_292, %dma_wait3A_293] : memref<10000x16xf32, #tpu.memory_space<hbm>> -> memref<10000x16xf32, #tpu.memory_space<hbm>>
      tpu.wait_indirect_dma semaphore(%arg19 : memref<!tpu.dma_semaphore, #tpu.memory_space<semaphore_mem>>) src(%dma_wait3A_294 : memref<10000x16xf32, #tpu.memory_space<hbm>>) dst(%arg12 : memref<500x16xf32, #tpu.memory_space<vmem>>)
      %dma_start3A_295 = arith.constant 0 : i32
      %dma_start3A_296 = tpu.memref_slice %arg7[%add3A_281, %dma_start3A_295] : memref<10x500xi32, #tpu.memory_space<vmem>> -> memref<1x500xi32, #tpu.memory_space<vmem>>
      %dma_start3A_297 = tpu.memref_squeeze %dma_start3A_296 : memref<1x500xi32, #tpu.memory_space<vmem>> -> memref<500xi32, #tpu.memory_space<vmem>>
      %dma_start3A_298 = arith.constant 0 : i32
      %dma_start3A_299 = arith.constant 0 : i32
      %dma_start3A_300 = tpu.memref_slice %arg14[%dma_start3A_298, %dma_start3A_299] : memref<10240x16xf32, #tpu.memory_space<vmem_shared>> -> memref<10240x16xf32, #tpu.memory_space<vmem_shared>>
      tpu.enqueue_indirect_dma source(%arg12 : memref<500x16xf32, #tpu.memory_space<vmem>>) target(%dma_start3A_300 : memref<10240x16xf32, #tpu.memory_space<vmem_shared>>) offsets(%dma_start3A_297 : memref<500xi32, #tpu.memory_space<vmem>>) semaphore(%arg24 : memref<!tpu.dma_semaphore, #tpu.memory_space<semaphore_mem>>) {add = true}
      %dma_start3A_301 = arith.constant 0 : i32
      %dma_start3A_302 = tpu.memref_slice %arg7[%add3A_281, %dma_start3A_301] : memref<10x500xi32, #tpu.memory_space<vmem>> -> memref<1x500xi32, #tpu.memory_space<vmem>>
      %dma_start3A_303 = tpu.memref_squeeze %dma_start3A_302 : memref<1x500xi32, #tpu.memory_space<vmem>> -> memref<500xi32, #tpu.memory_space<vmem>>
      %dma_start3A_304 = arith.constant 0 : i32
      %dma_start3A_305 = arith.constant 0 : i32
      %dma_start3A_306 = tpu.memref_slice %arg26[%dma_start3A_304, %dma_start3A_305] : memref<10240x16xf32, #tpu.memory_space<vmem_shared>> -> memref<10240x16xf32, #tpu.memory_space<vmem_shared>>
      tpu.enqueue_indirect_dma source(%arg25 : memref<500x16xf32, #tpu.memory_space<vmem>>) target(%dma_start3A_306 : memref<10240x16xf32, #tpu.memory_space<vmem_shared>>) offsets(%dma_start3A_303 : memref<500xi32, #tpu.memory_space<vmem>>) semaphore(%arg27 : memref<!tpu.dma_semaphore, #tpu.memory_space<semaphore_mem>>) {add = true}
      %scan3A_307 = arith.constant 0 : i32
      scf.yield %scan3A_307 : i32
    }
    %scan3A_117 = arith.constant 2 : i32
    %dma_wait3A_118 = arith.constant 5 : i32
    %dma_wait3A_119 = arith.constant 0 : i32
    %dma_wait3A_120 = tpu.memref_slice %arg7[%dma_wait3A_118, %dma_wait3A_119] : memref<10x500xi32, #tpu.memory_space<vmem>> -> memref<1x500xi32, #tpu.memory_space<vmem>>
    %dma_wait3A_121 = tpu.memref_squeeze %dma_wait3A_120 : memref<1x500xi32, #tpu.memory_space<vmem>> -> memref<500xi32, #tpu.memory_space<vmem>>
    %dma_wait3A_122 = arith.constant 0 : i32
    %dma_wait3A_123 = arith.constant 0 : i32
    %dma_wait3A_124 = tpu.memref_slice %arg14[%dma_wait3A_122, %dma_wait3A_123] : memref<10240x16xf32, #tpu.memory_space<vmem_shared>> -> memref<10240x16xf32, #tpu.memory_space<vmem_shared>>
    tpu.wait_indirect_dma semaphore(%arg20 : memref<!tpu.dma_semaphore, #tpu.memory_space<semaphore_mem>>) src(%arg8 : memref<500x16xf32, #tpu.memory_space<vmem>>) dst(%dma_wait3A_124 : memref<10240x16xf32, #tpu.memory_space<vmem_shared>>)
    %dma_wait3A_125 = arith.constant 6 : i32
    %dma_wait3A_126 = arith.constant 0 : i32
    %dma_wait3A_127 = tpu.memref_slice %arg7[%dma_wait3A_125, %dma_wait3A_126] : memref<10x500xi32, #tpu.memory_space<vmem>> -> memref<1x500xi32, #tpu.memory_space<vmem>>
    %dma_wait3A_128 = tpu.memref_squeeze %dma_wait3A_127 : memref<1x500xi32, #tpu.memory_space<vmem>> -> memref<500xi32, #tpu.memory_space<vmem>>
    %dma_wait3A_129 = arith.constant 0 : i32
    %dma_wait3A_130 = arith.constant 0 : i32
    %dma_wait3A_131 = tpu.memref_slice %arg14[%dma_wait3A_129, %dma_wait3A_130] : memref<10240x16xf32, #tpu.memory_space<vmem_shared>> -> memref<10240x16xf32, #tpu.memory_space<vmem_shared>>
    tpu.wait_indirect_dma semaphore(%arg21 : memref<!tpu.dma_semaphore, #tpu.memory_space<semaphore_mem>>) src(%arg9 : memref<500x16xf32, #tpu.memory_space<vmem>>) dst(%dma_wait3A_131 : memref<10240x16xf32, #tpu.memory_space<vmem_shared>>)
    %dma_wait3A_132 = arith.constant 7 : i32
    %dma_wait3A_133 = arith.constant 0 : i32
    %dma_wait3A_134 = tpu.memref_slice %arg7[%dma_wait3A_132, %dma_wait3A_133] : memref<10x500xi32, #tpu.memory_space<vmem>> -> memref<1x500xi32, #tpu.memory_space<vmem>>
    %dma_wait3A_135 = tpu.memref_squeeze %dma_wait3A_134 : memref<1x500xi32, #tpu.memory_space<vmem>> -> memref<500xi32, #tpu.memory_space<vmem>>
    %dma_wait3A_136 = arith.constant 0 : i32
    %dma_wait3A_137 = arith.constant 0 : i32
    %dma_wait3A_138 = tpu.memref_slice %arg14[%dma_wait3A_136, %dma_wait3A_137] : memref<10240x16xf32, #tpu.memory_space<vmem_shared>> -> memref<10240x16xf32, #tpu.memory_space<vmem_shared>>
    tpu.wait_indirect_dma semaphore(%arg22 : memref<!tpu.dma_semaphore, #tpu.memory_space<semaphore_mem>>) src(%arg10 : memref<500x16xf32, #tpu.memory_space<vmem>>) dst(%dma_wait3A_138 : memref<10240x16xf32, #tpu.memory_space<vmem_shared>>)
    %dma_wait3A_139 = arith.constant 8 : i32
    %dma_wait3A_140 = arith.constant 0 : i32
    %dma_wait3A_141 = tpu.memref_slice %arg7[%dma_wait3A_139, %dma_wait3A_140] : memref<10x500xi32, #tpu.memory_space<vmem>> -> memref<1x500xi32, #tpu.memory_space<vmem>>
    %dma_wait3A_142 = tpu.memref_squeeze %dma_wait3A_141 : memref<1x500xi32, #tpu.memory_space<vmem>> -> memref<500xi32, #tpu.memory_space<vmem>>
    %dma_wait3A_143 = arith.constant 0 : i32
    %dma_wait3A_144 = arith.constant 0 : i32
    %dma_wait3A_145 = tpu.memref_slice %arg14[%dma_wait3A_143, %dma_wait3A_144] : memref<10240x16xf32, #tpu.memory_space<vmem_shared>> -> memref<10240x16xf32, #tpu.memory_space<vmem_shared>>
    tpu.wait_indirect_dma semaphore(%arg23 : memref<!tpu.dma_semaphore, #tpu.memory_space<semaphore_mem>>) src(%arg11 : memref<500x16xf32, #tpu.memory_space<vmem>>) dst(%dma_wait3A_145 : memref<10240x16xf32, #tpu.memory_space<vmem_shared>>)
    %dma_wait3A_146 = arith.constant 9 : i32
    %dma_wait3A_147 = arith.constant 0 : i32
    %dma_wait3A_148 = tpu.memref_slice %arg7[%dma_wait3A_146, %dma_wait3A_147] : memref<10x500xi32, #tpu.memory_space<vmem>> -> memref<1x500xi32, #tpu.memory_space<vmem>>
    %dma_wait3A_149 = tpu.memref_squeeze %dma_wait3A_148 : memref<1x500xi32, #tpu.memory_space<vmem>> -> memref<500xi32, #tpu.memory_space<vmem>>
    %dma_wait3A_150 = arith.constant 0 : i32
    %dma_wait3A_151 = arith.constant 0 : i32
    %dma_wait3A_152 = tpu.memref_slice %arg14[%dma_wait3A_150, %dma_wait3A_151] : memref<10240x16xf32, #tpu.memory_space<vmem_shared>> -> memref<10240x16xf32, #tpu.memory_space<vmem_shared>>
    tpu.wait_indirect_dma semaphore(%arg24 : memref<!tpu.dma_semaphore, #tpu.memory_space<semaphore_mem>>) src(%arg12 : memref<500x16xf32, #tpu.memory_space<vmem>>) dst(%dma_wait3A_152 : memref<10240x16xf32, #tpu.memory_space<vmem_shared>>)
    %scan3A_153 = arith.constant 0 : i32
    %scan3A_154 = arith.constant 0 : i32
    %scan3A_155 = arith.constant 10 : i32
    %scan3A_156 = arith.addi %scan3A_154, %scan3A_155 : i32
    %scan3A_157 = arith.constant 1 : i32
    %scan3A_158 = scf.for %scan3A_163 = %scan3A_154 to %scan3A_156 step %scan3A_157 iter_args(%scan3A_164 = %scan3A_153) -> (i32)  : i32 {
      %dma_wait3A_165 = arith.constant 0 : i32
      %dma_wait3A_166 = tpu.memref_slice %arg7[%scan3A_163, %dma_wait3A_165] : memref<10x500xi32, #tpu.memory_space<vmem>> -> memref<1x500xi32, #tpu.memory_space<vmem>>
      %dma_wait3A_167 = tpu.memref_squeeze %dma_wait3A_166 : memref<1x500xi32, #tpu.memory_space<vmem>> -> memref<500xi32, #tpu.memory_space<vmem>>
      %dma_wait3A_168 = arith.constant 0 : i32
      %dma_wait3A_169 = arith.constant 0 : i32
      %dma_wait3A_170 = tpu.memref_slice %arg26[%dma_wait3A_168, %dma_wait3A_169] : memref<10240x16xf32, #tpu.memory_space<vmem_shared>> -> memref<10240x16xf32, #tpu.memory_space<vmem_shared>>
      tpu.wait_indirect_dma semaphore(%arg27 : memref<!tpu.dma_semaphore, #tpu.memory_space<semaphore_mem>>) src(%arg25 : memref<500x16xf32, #tpu.memory_space<vmem>>) dst(%dma_wait3A_170 : memref<10240x16xf32, #tpu.memory_space<vmem_shared>>)
      %scan3A_171 = arith.constant 0 : i32
      scf.yield %scan3A_171 : i32
    }
    %scan3A_159 = arith.constant 10 : i32
    %barrier3A_160 = arith.constant 0 : index
    tpu.barrier barrier_id(%barrier3A_160)
    %mul3A_161 = arith.constant 640 : i32
    %mul3A_162 = arith.muli %arg1, %mul3A_161 : i32
    "tpu.region"() ({
      %run_scoped3A = tpu.sem_alloc : memref<!tpu.dma_semaphore, #tpu.memory_space<semaphore_mem>>
      %dma_start3A_163 = arith.constant 0 : i32
      %dma_start3A_164 = tpu.memref_slice %arg4[%arg0, %mul3A_162, %dma_start3A_163] : memref<2x10240x16xf32, #tpu.memory_space<hbm>> -> memref<1x640x16xf32, #tpu.memory_space<hbm>>
      %dma_start3A_165 = tpu.memref_squeeze %dma_start3A_164 : memref<1x640x16xf32, #tpu.memory_space<hbm>> -> memref<640x16xf32, #tpu.memory_space<hbm>>
      %dma_start3A_166 = arith.constant 0 : i32
      %dma_start3A_167 = tpu.memref_slice %arg14[%mul3A_162, %dma_start3A_166] : memref<10240x16xf32, #tpu.memory_space<vmem_shared>> -> memref<640x16xf32, #tpu.memory_space<vmem_shared>>
      tpu.enqueue_dma source(%dma_start3A_167 : memref<640x16xf32, #tpu.memory_space<vmem_shared>>) target(%dma_start3A_165 : memref<640x16xf32, #tpu.memory_space<hbm>>) target_semaphore(%run_scoped3A : memref<!tpu.dma_semaphore, #tpu.memory_space<semaphore_mem>>)
      %dma_wait3A_168 = arith.constant 0 : i32
      %dma_wait3A_169 = tpu.memref_slice %arg4[%arg0, %mul3A_162, %dma_wait3A_168] : memref<2x10240x16xf32, #tpu.memory_space<hbm>> -> memref<1x640x16xf32, #tpu.memory_space<hbm>>
      %dma_wait3A_170 = tpu.memref_squeeze %dma_wait3A_169 : memref<1x640x16xf32, #tpu.memory_space<hbm>> -> memref<640x16xf32, #tpu.memory_space<hbm>>
      %dma_wait3A_171 = arith.constant 0 : i32
      %dma_wait3A_172 = tpu.memref_slice %arg14[%mul3A_162, %dma_wait3A_171] : memref<10240x16xf32, #tpu.memory_space<vmem_shared>> -> memref<640x16xf32, #tpu.memory_space<vmem_shared>>
      tpu.wait_dma2 semaphore(%run_scoped3A : memref<!tpu.dma_semaphore, #tpu.memory_space<semaphore_mem>>) src(%dma_wait3A_172 : memref<640x16xf32, #tpu.memory_space<vmem_shared>>) dst(%dma_wait3A_170 : memref<640x16xf32, #tpu.memory_space<hbm>>)
      tpu.yield
    }) : () -> ()
    "tpu.region"() ({
      %run_scoped3A = tpu.sem_alloc : memref<!tpu.dma_semaphore, #tpu.memory_space<semaphore_mem>>
      %dma_start3A_163 = arith.constant 0 : i32
      %dma_start3A_164 = tpu.memref_slice %arg5[%arg0, %mul3A_162, %dma_start3A_163] : memref<2x10240x16xf32, #tpu.memory_space<hbm>> -> memref<1x640x16xf32, #tpu.memory_space<hbm>>
      %dma_start3A_165 = tpu.memref_squeeze %dma_start3A_164 : memref<1x640x16xf32, #tpu.memory_space<hbm>> -> memref<640x16xf32, #tpu.memory_space<hbm>>
      %dma_start3A_166 = arith.constant 0 : i32
      %dma_start3A_167 = tpu.memref_slice %arg26[%mul3A_162, %dma_start3A_166] : memref<10240x16xf32, #tpu.memory_space<vmem_shared>> -> memref<640x16xf32, #tpu.memory_space<vmem_shared>>
      tpu.enqueue_dma source(%dma_start3A_167 : memref<640x16xf32, #tpu.memory_space<vmem_shared>>) target(%dma_start3A_165 : memref<640x16xf32, #tpu.memory_space<hbm>>) target_semaphore(%run_scoped3A : memref<!tpu.dma_semaphore, #tpu.memory_space<semaphore_mem>>)
      %dma_wait3A_168 = arith.constant 0 : i32
      %dma_wait3A_169 = tpu.memref_slice %arg5[%arg0, %mul3A_162, %dma_wait3A_168] : memref<2x10240x16xf32, #tpu.memory_space<hbm>> -> memref<1x640x16xf32, #tpu.memory_space<hbm>>
      %dma_wait3A_170 = tpu.memref_squeeze %dma_wait3A_169 : memref<1x640x16xf32, #tpu.memory_space<hbm>> -> memref<640x16xf32, #tpu.memory_space<hbm>>
      %dma_wait3A_171 = arith.constant 0 : i32
      %dma_wait3A_172 = tpu.memref_slice %arg26[%mul3A_162, %dma_wait3A_171] : memref<10240x16xf32, #tpu.memory_space<vmem_shared>> -> memref<640x16xf32, #tpu.memory_space<vmem_shared>>
      tpu.wait_dma2 semaphore(%run_scoped3A : memref<!tpu.dma_semaphore, #tpu.memory_space<semaphore_mem>>) src(%dma_wait3A_172 : memref<640x16xf32, #tpu.memory_space<vmem_shared>>) dst(%dma_wait3A_170 : memref<640x16xf32, #tpu.memory_space<hbm>>)
      tpu.yield
    }) : () -> ()
    return
  }
}

#map = affine_map<(d0, d1) -> (0, 0, 0)>
#map1 = affine_map<(d0, d1) -> (0, 0)>
#map2 = affine_map<(d0, d1) -> (0, 0, 0, 0)>
module attributes {stable_mosaic.version = 14 : i64} {
  func.func @body(%arg0: i32, %arg1: i32, %arg2: memref<2x10240x16xf32, #tpu.memory_space<hbm>>, %arg3: memref<2x10240x16xf32, #tpu.memory_space<hbm>>, %arg4: memref<10000x16xf32, #tpu.memory_space<hbm>>, %arg5: memref<2x32x10x500xi32, #tpu.memory_space<hbm>>, %arg6: memref<10000x16xf32, #tpu.memory_space<hbm>>, %arg7: memref<2x10240x16xf32, #tpu.memory_space<hbm>>, %arg8: memref<10x500xi32, #tpu.memory_space<vmem>>, %arg9: memref<10x500xi32, #tpu.memory_space<vmem>>, %arg10: memref<500x16xf32, #tpu.memory_space<vmem>>, %arg11: memref<500x16xf32, #tpu.memory_space<vmem>>, %arg12: memref<500x16xf32, #tpu.memory_space<vmem>>, %arg13: memref<500x16xf32, #tpu.memory_space<vmem>>, %arg14: memref<500x16xf32, #tpu.memory_space<vmem>>, %arg15: memref<625x16xf32, #tpu.memory_space<vmem>>, %arg16: memref<625x16xf32, #tpu.memory_space<vmem>>, %arg17: memref<625x16xf32, #tpu.memory_space<vmem>>, %arg18: memref<625x16xf32, #tpu.memory_space<vmem>>, %arg19: memref<625x16xf32, #tpu.memory_space<vmem>>, %arg20: memref<640x16xf32, #tpu.memory_space<vmem>>, %arg21: memref<10240x16xf32, #tpu.memory_space<vmem_shared>>, %arg22: memref<10240x16xf32, #tpu.memory_space<vmem_shared>>, %arg23: memref<!tpu.dma_semaphore, #tpu.memory_space<semaphore_mem>>, %arg24: memref<!tpu.dma_semaphore, #tpu.memory_space<semaphore_mem>>, %arg25: memref<!tpu.dma_semaphore, #tpu.memory_space<semaphore_mem>>, %arg26: memref<!tpu.dma_semaphore, #tpu.memory_space<semaphore_mem>>, %arg27: memref<!tpu.dma_semaphore, #tpu.memory_space<semaphore_mem>>, %arg28: memref<!tpu.dma_semaphore, #tpu.memory_space<semaphore_mem>>, %arg29: memref<!tpu.dma_semaphore, #tpu.memory_space<semaphore_mem>>, %arg30: memref<!tpu.dma_semaphore, #tpu.memory_space<semaphore_mem>>, %arg31: memref<!tpu.dma_semaphore, #tpu.memory_space<semaphore_mem>>, %arg32: memref<!tpu.dma_semaphore, #tpu.memory_space<semaphore_mem>>) attributes {dimension_semantics = [#tpu.dimension_semantics<core_parallel>, #tpu.dimension_semantics<subcore_parallel>], iteration_bounds = array<i64: 2, 16>, scalar_prefetch = 0 : i64, scratch_operands = 25 : i64, tpu.core_type = #tpu.core_type<sc_vector_subcore>, window_params = [{transform_indices = #map}, {transform_indices = #map}, {transform_indices = #map1}, {transform_indices = #map2}, {transform_indices = #map1}, {transform_indices = #map}]} {
    %mul3A = arith.constant 2 : i32
    %mul3A_0 = arith.muli %arg1, %mul3A : i32
    %add3A = arith.addi %mul3A_0, %arg0 : i32
    %mul3A_1 = arith.constant 625 : i32
    %mul3A_2 = arith.muli %arg1, %mul3A_1 : i32
    %dma_start3A = arith.constant 0 : i32
    %dma_start3A_3 = arith.constant 0 : i32
    %dma_start3A_4 = arith.constant 0 : i32
    %dma_start3A_5 = tpu.memref_slice %arg5[%dma_start3A, %add3A, %dma_start3A_3, %dma_start3A_4] : memref<2x32x10x500xi32, #tpu.memory_space<hbm>> -> memref<1x1x10x500xi32, #tpu.memory_space<hbm>>
    %dma_start3A_6 = tpu.memref_squeeze %dma_start3A_5 : memref<1x1x10x500xi32, #tpu.memory_space<hbm>> -> memref<10x500xi32, #tpu.memory_space<hbm>>
    %dma_start3A_7 = arith.constant 0 : i32
    %dma_start3A_8 = arith.constant 0 : i32
    %dma_start3A_9 = tpu.memref_slice %arg5[%dma_start3A, %add3A, %dma_start3A_7, %dma_start3A_8] : memref<2x32x10x500xi32, #tpu.memory_space<hbm>> -> memref<1x1x10x500xi32, #tpu.memory_space<hbm>>
    %dma_start3A_10 = tpu.memref_squeeze %dma_start3A_9 : memref<1x1x10x500xi32, #tpu.memory_space<hbm>> -> memref<10x500xi32, #tpu.memory_space<hbm>>
    tpu.enqueue_dma source(%dma_start3A_10 : memref<10x500xi32, #tpu.memory_space<hbm>>) target(%arg8 : memref<10x500xi32, #tpu.memory_space<vmem>>) target_semaphore(%arg28 : memref<!tpu.dma_semaphore, #tpu.memory_space<semaphore_mem>>)
    %dma_start3A_11 = arith.constant 1 : i32
    %dma_start3A_12 = arith.constant 0 : i32
    %dma_start3A_13 = arith.constant 0 : i32
    %dma_start3A_14 = tpu.memref_slice %arg5[%dma_start3A_11, %add3A, %dma_start3A_12, %dma_start3A_13] : memref<2x32x10x500xi32, #tpu.memory_space<hbm>> -> memref<1x1x10x500xi32, #tpu.memory_space<hbm>>
    %dma_start3A_15 = tpu.memref_squeeze %dma_start3A_14 : memref<1x1x10x500xi32, #tpu.memory_space<hbm>> -> memref<10x500xi32, #tpu.memory_space<hbm>>
    %dma_start3A_16 = arith.constant 0 : i32
    %dma_start3A_17 = arith.constant 0 : i32
    %dma_start3A_18 = tpu.memref_slice %arg5[%dma_start3A_11, %add3A, %dma_start3A_16, %dma_start3A_17] : memref<2x32x10x500xi32, #tpu.memory_space<hbm>> -> memref<1x1x10x500xi32, #tpu.memory_space<hbm>>
    %dma_start3A_19 = tpu.memref_squeeze %dma_start3A_18 : memref<1x1x10x500xi32, #tpu.memory_space<hbm>> -> memref<10x500xi32, #tpu.memory_space<hbm>>
    tpu.enqueue_dma source(%dma_start3A_19 : memref<10x500xi32, #tpu.memory_space<hbm>>) target(%arg9 : memref<10x500xi32, #tpu.memory_space<vmem>>) target_semaphore(%arg29 : memref<!tpu.dma_semaphore, #tpu.memory_space<semaphore_mem>>)
    %dma_start3A_20 = arith.constant 0 : i32
    %dma_start3A_21 = arith.constant 0 : i32
    %dma_start3A_22 = tpu.memref_slice %arg2[%dma_start3A_20, %mul3A_2, %dma_start3A_21] : memref<2x10240x16xf32, #tpu.memory_space<hbm>> -> memref<1x625x16xf32, #tpu.memory_space<hbm>>
    %dma_start3A_23 = tpu.memref_squeeze %dma_start3A_22 : memref<1x625x16xf32, #tpu.memory_space<hbm>> -> memref<625x16xf32, #tpu.memory_space<hbm>>
    %dma_start3A_24 = arith.constant 0 : i32
    %dma_start3A_25 = tpu.memref_slice %arg2[%dma_start3A_20, %mul3A_2, %dma_start3A_24] : memref<2x10240x16xf32, #tpu.memory_space<hbm>> -> memref<1x625x16xf32, #tpu.memory_space<hbm>>
    %dma_start3A_26 = tpu.memref_squeeze %dma_start3A_25 : memref<1x625x16xf32, #tpu.memory_space<hbm>> -> memref<625x16xf32, #tpu.memory_space<hbm>>
    tpu.enqueue_dma source(%dma_start3A_26 : memref<625x16xf32, #tpu.memory_space<hbm>>) target(%arg15 : memref<625x16xf32, #tpu.memory_space<vmem>>) target_semaphore(%arg23 : memref<!tpu.dma_semaphore, #tpu.memory_space<semaphore_mem>>)
    %dma_start3A_27 = arith.constant 1 : i32
    %dma_start3A_28 = arith.constant 0 : i32
    %dma_start3A_29 = tpu.memref_slice %arg2[%dma_start3A_27, %mul3A_2, %dma_start3A_28] : memref<2x10240x16xf32, #tpu.memory_space<hbm>> -> memref<1x625x16xf32, #tpu.memory_space<hbm>>
    %dma_start3A_30 = tpu.memref_squeeze %dma_start3A_29 : memref<1x625x16xf32, #tpu.memory_space<hbm>> -> memref<625x16xf32, #tpu.memory_space<hbm>>
    %dma_start3A_31 = arith.constant 0 : i32
    %dma_start3A_32 = tpu.memref_slice %arg2[%dma_start3A_27, %mul3A_2, %dma_start3A_31] : memref<2x10240x16xf32, #tpu.memory_space<hbm>> -> memref<1x625x16xf32, #tpu.memory_space<hbm>>
    %dma_start3A_33 = tpu.memref_squeeze %dma_start3A_32 : memref<1x625x16xf32, #tpu.memory_space<hbm>> -> memref<625x16xf32, #tpu.memory_space<hbm>>
    tpu.enqueue_dma source(%dma_start3A_33 : memref<625x16xf32, #tpu.memory_space<hbm>>) target(%arg16 : memref<625x16xf32, #tpu.memory_space<vmem>>) target_semaphore(%arg24 : memref<!tpu.dma_semaphore, #tpu.memory_space<semaphore_mem>>)
    %dma_start3A_34 = arith.constant 0 : i32
    %dma_start3A_35 = arith.constant 0 : i32
    %dma_start3A_36 = tpu.memref_slice %arg3[%dma_start3A_34, %mul3A_2, %dma_start3A_35] : memref<2x10240x16xf32, #tpu.memory_space<hbm>> -> memref<1x625x16xf32, #tpu.memory_space<hbm>>
    %dma_start3A_37 = tpu.memref_squeeze %dma_start3A_36 : memref<1x625x16xf32, #tpu.memory_space<hbm>> -> memref<625x16xf32, #tpu.memory_space<hbm>>
    %dma_start3A_38 = arith.constant 0 : i32
    %dma_start3A_39 = tpu.memref_slice %arg3[%dma_start3A_34, %mul3A_2, %dma_start3A_38] : memref<2x10240x16xf32, #tpu.memory_space<hbm>> -> memref<1x625x16xf32, #tpu.memory_space<hbm>>
    %dma_start3A_40 = tpu.memref_squeeze %dma_start3A_39 : memref<1x625x16xf32, #tpu.memory_space<hbm>> -> memref<625x16xf32, #tpu.memory_space<hbm>>
    tpu.enqueue_dma source(%dma_start3A_40 : memref<625x16xf32, #tpu.memory_space<hbm>>) target(%arg17 : memref<625x16xf32, #tpu.memory_space<vmem>>) target_semaphore(%arg25 : memref<!tpu.dma_semaphore, #tpu.memory_space<semaphore_mem>>)
    %dma_start3A_41 = arith.constant 1 : i32
    %dma_start3A_42 = arith.constant 0 : i32
    %dma_start3A_43 = tpu.memref_slice %arg3[%dma_start3A_41, %mul3A_2, %dma_start3A_42] : memref<2x10240x16xf32, #tpu.memory_space<hbm>> -> memref<1x625x16xf32, #tpu.memory_space<hbm>>
    %dma_start3A_44 = tpu.memref_squeeze %dma_start3A_43 : memref<1x625x16xf32, #tpu.memory_space<hbm>> -> memref<625x16xf32, #tpu.memory_space<hbm>>
    %dma_start3A_45 = arith.constant 0 : i32
    %dma_start3A_46 = tpu.memref_slice %arg3[%dma_start3A_41, %mul3A_2, %dma_start3A_45] : memref<2x10240x16xf32, #tpu.memory_space<hbm>> -> memref<1x625x16xf32, #tpu.memory_space<hbm>>
    %dma_start3A_47 = tpu.memref_squeeze %dma_start3A_46 : memref<1x625x16xf32, #tpu.memory_space<hbm>> -> memref<625x16xf32, #tpu.memory_space<hbm>>
    tpu.enqueue_dma source(%dma_start3A_47 : memref<625x16xf32, #tpu.memory_space<hbm>>) target(%arg18 : memref<625x16xf32, #tpu.memory_space<vmem>>) target_semaphore(%arg26 : memref<!tpu.dma_semaphore, #tpu.memory_space<semaphore_mem>>)
    %dma_start3A_48 = arith.constant 0 : i32
    %dma_start3A_49 = tpu.memref_slice %arg4[%mul3A_2, %dma_start3A_48] : memref<10000x16xf32, #tpu.memory_space<hbm>> -> memref<625x16xf32, #tpu.memory_space<hbm>>
    %dma_start3A_50 = arith.constant 0 : i32
    %dma_start3A_51 = tpu.memref_slice %arg4[%mul3A_2, %dma_start3A_50] : memref<10000x16xf32, #tpu.memory_space<hbm>> -> memref<625x16xf32, #tpu.memory_space<hbm>>
    tpu.enqueue_dma source(%dma_start3A_51 : memref<625x16xf32, #tpu.memory_space<hbm>>) target(%arg19 : memref<625x16xf32, #tpu.memory_space<vmem>>) target_semaphore(%arg27 : memref<!tpu.dma_semaphore, #tpu.memory_space<semaphore_mem>>)
    %dma_wait3A = arith.constant 0 : i32
    %dma_wait3A_52 = arith.constant 0 : i32
    %dma_wait3A_53 = tpu.memref_slice %arg2[%dma_wait3A, %mul3A_2, %dma_wait3A_52] : memref<2x10240x16xf32, #tpu.memory_space<hbm>> -> memref<1x625x16xf32, #tpu.memory_space<hbm>>
    %dma_wait3A_54 = tpu.memref_squeeze %dma_wait3A_53 : memref<1x625x16xf32, #tpu.memory_space<hbm>> -> memref<625x16xf32, #tpu.memory_space<hbm>>
    %dma_wait3A_55 = arith.constant 0 : i32
    %dma_wait3A_56 = tpu.memref_slice %arg2[%dma_wait3A, %mul3A_2, %dma_wait3A_55] : memref<2x10240x16xf32, #tpu.memory_space<hbm>> -> memref<1x625x16xf32, #tpu.memory_space<hbm>>
    %dma_wait3A_57 = tpu.memref_squeeze %dma_wait3A_56 : memref<1x625x16xf32, #tpu.memory_space<hbm>> -> memref<625x16xf32, #tpu.memory_space<hbm>>
    tpu.wait_dma2 semaphore(%arg23 : memref<!tpu.dma_semaphore, #tpu.memory_space<semaphore_mem>>) src(%dma_wait3A_57 : memref<625x16xf32, #tpu.memory_space<hbm>>) dst(%arg15 : memref<625x16xf32, #tpu.memory_space<vmem>>)
    %dma_wait3A_58 = arith.constant 1 : i32
    %dma_wait3A_59 = arith.constant 0 : i32
    %dma_wait3A_60 = tpu.memref_slice %arg2[%dma_wait3A_58, %mul3A_2, %dma_wait3A_59] : memref<2x10240x16xf32, #tpu.memory_space<hbm>> -> memref<1x625x16xf32, #tpu.memory_space<hbm>>
    %dma_wait3A_61 = tpu.memref_squeeze %dma_wait3A_60 : memref<1x625x16xf32, #tpu.memory_space<hbm>> -> memref<625x16xf32, #tpu.memory_space<hbm>>
    %dma_wait3A_62 = arith.constant 0 : i32
    %dma_wait3A_63 = tpu.memref_slice %arg2[%dma_wait3A_58, %mul3A_2, %dma_wait3A_62] : memref<2x10240x16xf32, #tpu.memory_space<hbm>> -> memref<1x625x16xf32, #tpu.memory_space<hbm>>
    %dma_wait3A_64 = tpu.memref_squeeze %dma_wait3A_63 : memref<1x625x16xf32, #tpu.memory_space<hbm>> -> memref<625x16xf32, #tpu.memory_space<hbm>>
    tpu.wait_dma2 semaphore(%arg24 : memref<!tpu.dma_semaphore, #tpu.memory_space<semaphore_mem>>) src(%dma_wait3A_64 : memref<625x16xf32, #tpu.memory_space<hbm>>) dst(%arg16 : memref<625x16xf32, #tpu.memory_space<vmem>>)
    %dma_wait3A_65 = arith.constant 0 : i32
    %dma_wait3A_66 = arith.constant 0 : i32
    %dma_wait3A_67 = tpu.memref_slice %arg3[%dma_wait3A_65, %mul3A_2, %dma_wait3A_66] : memref<2x10240x16xf32, #tpu.memory_space<hbm>> -> memref<1x625x16xf32, #tpu.memory_space<hbm>>
    %dma_wait3A_68 = tpu.memref_squeeze %dma_wait3A_67 : memref<1x625x16xf32, #tpu.memory_space<hbm>> -> memref<625x16xf32, #tpu.memory_space<hbm>>
    %dma_wait3A_69 = arith.constant 0 : i32
    %dma_wait3A_70 = tpu.memref_slice %arg3[%dma_wait3A_65, %mul3A_2, %dma_wait3A_69] : memref<2x10240x16xf32, #tpu.memory_space<hbm>> -> memref<1x625x16xf32, #tpu.memory_space<hbm>>
    %dma_wait3A_71 = tpu.memref_squeeze %dma_wait3A_70 : memref<1x625x16xf32, #tpu.memory_space<hbm>> -> memref<625x16xf32, #tpu.memory_space<hbm>>
    tpu.wait_dma2 semaphore(%arg25 : memref<!tpu.dma_semaphore, #tpu.memory_space<semaphore_mem>>) src(%dma_wait3A_71 : memref<625x16xf32, #tpu.memory_space<hbm>>) dst(%arg17 : memref<625x16xf32, #tpu.memory_space<vmem>>)
    %dma_wait3A_72 = arith.constant 1 : i32
    %dma_wait3A_73 = arith.constant 0 : i32
    %dma_wait3A_74 = tpu.memref_slice %arg3[%dma_wait3A_72, %mul3A_2, %dma_wait3A_73] : memref<2x10240x16xf32, #tpu.memory_space<hbm>> -> memref<1x625x16xf32, #tpu.memory_space<hbm>>
    %dma_wait3A_75 = tpu.memref_squeeze %dma_wait3A_74 : memref<1x625x16xf32, #tpu.memory_space<hbm>> -> memref<625x16xf32, #tpu.memory_space<hbm>>
    %dma_wait3A_76 = arith.constant 0 : i32
    %dma_wait3A_77 = tpu.memref_slice %arg3[%dma_wait3A_72, %mul3A_2, %dma_wait3A_76] : memref<2x10240x16xf32, #tpu.memory_space<hbm>> -> memref<1x625x16xf32, #tpu.memory_space<hbm>>
    %dma_wait3A_78 = tpu.memref_squeeze %dma_wait3A_77 : memref<1x625x16xf32, #tpu.memory_space<hbm>> -> memref<625x16xf32, #tpu.memory_space<hbm>>
    tpu.wait_dma2 semaphore(%arg26 : memref<!tpu.dma_semaphore, #tpu.memory_space<semaphore_mem>>) src(%dma_wait3A_78 : memref<625x16xf32, #tpu.memory_space<hbm>>) dst(%arg18 : memref<625x16xf32, #tpu.memory_space<vmem>>)
    %dma_wait3A_79 = arith.constant 0 : i32
    %dma_wait3A_80 = tpu.memref_slice %arg4[%mul3A_2, %dma_wait3A_79] : memref<10000x16xf32, #tpu.memory_space<hbm>> -> memref<625x16xf32, #tpu.memory_space<hbm>>
    %dma_wait3A_81 = arith.constant 0 : i32
    %dma_wait3A_82 = tpu.memref_slice %arg4[%mul3A_2, %dma_wait3A_81] : memref<10000x16xf32, #tpu.memory_space<hbm>> -> memref<625x16xf32, #tpu.memory_space<hbm>>
    tpu.wait_dma2 semaphore(%arg27 : memref<!tpu.dma_semaphore, #tpu.memory_space<semaphore_mem>>) src(%dma_wait3A_82 : memref<625x16xf32, #tpu.memory_space<hbm>>) dst(%arg19 : memref<625x16xf32, #tpu.memory_space<vmem>>)
    %scan3A = arith.constant 0 : i32
    %scan3A_83 = arith.constant 0 : i32
    %scan3A_84 = arith.constant 625 : i32
    %scan3A_85 = arith.addi %scan3A_83, %scan3A_84 : i32
    %scan3A_86 = arith.constant 5 : i32
    %scan3A_87 = scf.for %scan3A_189 = %scan3A_83 to %scan3A_85 step %scan3A_86 iter_args(%scan3A_190 = %scan3A) -> (i32)  : i32 {
      %get3A = arith.index_cast %scan3A_189 : i32 to index
      %get3A_191 = arith.constant 0 : index
      %get3A_192 = tpu.vector_load %arg17[%get3A, %get3A_191] {strides = array<i32>} : memref<625x16xf32, #tpu.memory_space<vmem>>, vector<1x16xf32>,
      %get3A_193 = vector.shape_cast %get3A_192 : vector<1x16xf32> to vector<16xf32>
      %get3A_194 = arith.index_cast %scan3A_189 : i32 to index
      %get3A_195 = arith.constant 0 : index
      %get3A_196 = tpu.vector_load %arg18[%get3A_194, %get3A_195] {strides = array<i32>} : memref<625x16xf32, #tpu.memory_space<vmem>>, vector<1x16xf32>,
      %get3A_197 = vector.shape_cast %get3A_196 : vector<1x16xf32> to vector<16xf32>
      %add3A_198 = arith.addf %get3A_193, %get3A_197 : vector<16xf32>
      %max3A = arith.constant 1.000000e+00 : f32
      %max3A_199 = vector.broadcast %max3A : f32 to vector<16xf32>
      %max3A_200 = arith.maximumf %add3A_198, %max3A_199 : vector<16xf32>
      %div3A = arith.constant 1.000000e+00 : f32
      %div3A_201 = vector.broadcast %div3A : f32 to vector<16xf32>
      %div3A_202 = arith.divf %div3A_201, %max3A_200 : vector<16xf32>
      %get3A_203 = arith.index_cast %scan3A_189 : i32 to index
      %get3A_204 = arith.constant 0 : index
      %get3A_205 = tpu.vector_load %arg15[%get3A_203, %get3A_204] {strides = array<i32>} : memref<625x16xf32, #tpu.memory_space<vmem>>, vector<1x16xf32>,
      %get3A_206 = vector.shape_cast %get3A_205 : vector<1x16xf32> to vector<16xf32>
      %get3A_207 = arith.index_cast %scan3A_189 : i32 to index
      %get3A_208 = arith.constant 0 : index
      %get3A_209 = tpu.vector_load %arg16[%get3A_207, %get3A_208] {strides = array<i32>} : memref<625x16xf32, #tpu.memory_space<vmem>>, vector<1x16xf32>,
      %get3A_210 = vector.shape_cast %get3A_209 : vector<1x16xf32> to vector<16xf32>
      %add3A_211 = arith.addf %get3A_206, %get3A_210 : vector<16xf32>
      %mul3A_212 = arith.mulf %add3A_211, %div3A_202 : vector<16xf32>
      %get3A_213 = arith.index_cast %scan3A_189 : i32 to index
      %get3A_214 = arith.constant 0 : index
      %get3A_215 = tpu.vector_load %arg19[%get3A_213, %get3A_214] {strides = array<i32>} : memref<625x16xf32, #tpu.memory_space<vmem>>, vector<1x16xf32>,
      %get3A_216 = vector.shape_cast %get3A_215 : vector<1x16xf32> to vector<16xf32>
      %add3A_217 = arith.addf %mul3A_212, %get3A_216 : vector<16xf32>
      %max3A_218 = arith.constant 0.000000e+00 : f32
      %max3A_219 = vector.broadcast %max3A_218 : f32 to vector<16xf32>
      %max3A_220 = arith.maximumf %add3A_217, %max3A_219 : vector<16xf32>
      %swap3A = arith.index_cast %scan3A_189 : i32 to index
      %swap3A_221 = arith.constant 0 : index
      %swap3A_222 = tpu.vector_load %arg19[%swap3A, %swap3A_221] {strides = array<i32>} : memref<625x16xf32, #tpu.memory_space<vmem>>, vector<1x16xf32>,
      %swap3A_223 = vector.shape_cast %swap3A_222 : vector<1x16xf32> to vector<16xf32>
      %swap3A_224 = vector.shape_cast %max3A_220 : vector<16xf32> to vector<1x16xf32>
      tpu.vector_store %arg19[%swap3A, %swap3A_221], %swap3A_224 {strides = array<i32>} : memref<625x16xf32, #tpu.memory_space<vmem>>, vector<1x16xf32>,
      %swap3A_225 = arith.index_cast %scan3A_189 : i32 to index
      %swap3A_226 = arith.constant 0 : index
      %swap3A_227 = tpu.vector_load %arg17[%swap3A_225, %swap3A_226] {strides = array<i32>} : memref<625x16xf32, #tpu.memory_space<vmem>>, vector<1x16xf32>,
      %swap3A_228 = vector.shape_cast %swap3A_227 : vector<1x16xf32> to vector<16xf32>
      %swap3A_229 = vector.shape_cast %div3A_202 : vector<16xf32> to vector<1x16xf32>
      tpu.vector_store %arg17[%swap3A_225, %swap3A_226], %swap3A_229 {strides = array<i32>} : memref<625x16xf32, #tpu.memory_space<vmem>>, vector<1x16xf32>,
      %scan3A_230 = arith.constant 0 : i32
      %scan3A_231 = arith.constant 1 : i32
      %scan3A_232 = arith.addi %scan3A_189, %scan3A_231 : i32
      %get3A_233 = arith.index_cast %scan3A_232 : i32 to index
      %get3A_234 = arith.constant 0 : index
      %get3A_235 = tpu.vector_load %arg17[%get3A_233, %get3A_234] {strides = array<i32>} : memref<625x16xf32, #tpu.memory_space<vmem>>, vector<1x16xf32>,
      %get3A_236 = vector.shape_cast %get3A_235 : vector<1x16xf32> to vector<16xf32>
      %get3A_237 = arith.index_cast %scan3A_232 : i32 to index
      %get3A_238 = arith.constant 0 : index
      %get3A_239 = tpu.vector_load %arg18[%get3A_237, %get3A_238] {strides = array<i32>} : memref<625x16xf32, #tpu.memory_space<vmem>>, vector<1x16xf32>,
      %get3A_240 = vector.shape_cast %get3A_239 : vector<1x16xf32> to vector<16xf32>
      %add3A_241 = arith.addf %get3A_236, %get3A_240 : vector<16xf32>
      %max3A_242 = arith.constant 1.000000e+00 : f32
      %max3A_243 = vector.broadcast %max3A_242 : f32 to vector<16xf32>
      %max3A_244 = arith.maximumf %add3A_241, %max3A_243 : vector<16xf32>
      %div3A_245 = arith.constant 1.000000e+00 : f32
      %div3A_246 = vector.broadcast %div3A_245 : f32 to vector<16xf32>
      %div3A_247 = arith.divf %div3A_246, %max3A_244 : vector<16xf32>
      %get3A_248 = arith.index_cast %scan3A_232 : i32 to index
      %get3A_249 = arith.constant 0 : index
      %get3A_250 = tpu.vector_load %arg15[%get3A_248, %get3A_249] {strides = array<i32>} : memref<625x16xf32, #tpu.memory_space<vmem>>, vector<1x16xf32>,
      %get3A_251 = vector.shape_cast %get3A_250 : vector<1x16xf32> to vector<16xf32>
      %get3A_252 = arith.index_cast %scan3A_232 : i32 to index
      %get3A_253 = arith.constant 0 : index
      %get3A_254 = tpu.vector_load %arg16[%get3A_252, %get3A_253] {strides = array<i32>} : memref<625x16xf32, #tpu.memory_space<vmem>>, vector<1x16xf32>,
      %get3A_255 = vector.shape_cast %get3A_254 : vector<1x16xf32> to vector<16xf32>
      %add3A_256 = arith.addf %get3A_251, %get3A_255 : vector<16xf32>
      %mul3A_257 = arith.mulf %add3A_256, %div3A_247 : vector<16xf32>
      %get3A_258 = arith.index_cast %scan3A_232 : i32 to index
      %get3A_259 = arith.constant 0 : index
      %get3A_260 = tpu.vector_load %arg19[%get3A_258, %get3A_259] {strides = array<i32>} : memref<625x16xf32, #tpu.memory_space<vmem>>, vector<1x16xf32>,
      %get3A_261 = vector.shape_cast %get3A_260 : vector<1x16xf32> to vector<16xf32>
      %add3A_262 = arith.addf %mul3A_257, %get3A_261 : vector<16xf32>
      %max3A_263 = arith.constant 0.000000e+00 : f32
      %max3A_264 = vector.broadcast %max3A_263 : f32 to vector<16xf32>
      %max3A_265 = arith.maximumf %add3A_262, %max3A_264 : vector<16xf32>
      %swap3A_266 = arith.index_cast %scan3A_232 : i32 to index
      %swap3A_267 = arith.constant 0 : index
      %swap3A_268 = tpu.vector_load %arg19[%swap3A_266, %swap3A_267] {strides = array<i32>} : memref<625x16xf32, #tpu.memory_space<vmem>>, vector<1x16xf32>,
      %swap3A_269 = vector.shape_cast %swap3A_268 : vector<1x16xf32> to vector<16xf32>
      %swap3A_270 = vector.shape_cast %max3A_265 : vector<16xf32> to vector<1x16xf32>
      tpu.vector_store %arg19[%swap3A_266, %swap3A_267], %swap3A_270 {strides = array<i32>} : memref<625x16xf32, #tpu.memory_space<vmem>>, vector<1x16xf32>,
      %swap3A_271 = arith.index_cast %scan3A_232 : i32 to index
      %swap3A_272 = arith.constant 0 : index
      %swap3A_273 = tpu.vector_load %arg17[%swap3A_271, %swap3A_272] {strides = array<i32>} : memref<625x16xf32, #tpu.memory_space<vmem>>, vector<1x16xf32>,
      %swap3A_274 = vector.shape_cast %swap3A_273 : vector<1x16xf32> to vector<16xf32>
      %swap3A_275 = vector.shape_cast %div3A_247 : vector<16xf32> to vector<1x16xf32>
      tpu.vector_store %arg17[%swap3A_271, %swap3A_272], %swap3A_275 {strides = array<i32>} : memref<625x16xf32, #tpu.memory_space<vmem>>, vector<1x16xf32>,
      %scan3A_276 = arith.constant 0 : i32
      %scan3A_277 = arith.constant 2 : i32
      %scan3A_278 = arith.addi %scan3A_189, %scan3A_277 : i32
      %get3A_279 = arith.index_cast %scan3A_278 : i32 to index
      %get3A_280 = arith.constant 0 : index
      %get3A_281 = tpu.vector_load %arg17[%get3A_279, %get3A_280] {strides = array<i32>} : memref<625x16xf32, #tpu.memory_space<vmem>>, vector<1x16xf32>,
      %get3A_282 = vector.shape_cast %get3A_281 : vector<1x16xf32> to vector<16xf32>
      %get3A_283 = arith.index_cast %scan3A_278 : i32 to index
      %get3A_284 = arith.constant 0 : index
      %get3A_285 = tpu.vector_load %arg18[%get3A_283, %get3A_284] {strides = array<i32>} : memref<625x16xf32, #tpu.memory_space<vmem>>, vector<1x16xf32>,
      %get3A_286 = vector.shape_cast %get3A_285 : vector<1x16xf32> to vector<16xf32>
      %add3A_287 = arith.addf %get3A_282, %get3A_286 : vector<16xf32>
      %max3A_288 = arith.constant 1.000000e+00 : f32
      %max3A_289 = vector.broadcast %max3A_288 : f32 to vector<16xf32>
      %max3A_290 = arith.maximumf %add3A_287, %max3A_289 : vector<16xf32>
      %div3A_291 = arith.constant 1.000000e+00 : f32
      %div3A_292 = vector.broadcast %div3A_291 : f32 to vector<16xf32>
      %div3A_293 = arith.divf %div3A_292, %max3A_290 : vector<16xf32>
      %get3A_294 = arith.index_cast %scan3A_278 : i32 to index
      %get3A_295 = arith.constant 0 : index
      %get3A_296 = tpu.vector_load %arg15[%get3A_294, %get3A_295] {strides = array<i32>} : memref<625x16xf32, #tpu.memory_space<vmem>>, vector<1x16xf32>,
      %get3A_297 = vector.shape_cast %get3A_296 : vector<1x16xf32> to vector<16xf32>
      %get3A_298 = arith.index_cast %scan3A_278 : i32 to index
      %get3A_299 = arith.constant 0 : index
      %get3A_300 = tpu.vector_load %arg16[%get3A_298, %get3A_299] {strides = array<i32>} : memref<625x16xf32, #tpu.memory_space<vmem>>, vector<1x16xf32>,
      %get3A_301 = vector.shape_cast %get3A_300 : vector<1x16xf32> to vector<16xf32>
      %add3A_302 = arith.addf %get3A_297, %get3A_301 : vector<16xf32>
      %mul3A_303 = arith.mulf %add3A_302, %div3A_293 : vector<16xf32>
      %get3A_304 = arith.index_cast %scan3A_278 : i32 to index
      %get3A_305 = arith.constant 0 : index
      %get3A_306 = tpu.vector_load %arg19[%get3A_304, %get3A_305] {strides = array<i32>} : memref<625x16xf32, #tpu.memory_space<vmem>>, vector<1x16xf32>,
      %get3A_307 = vector.shape_cast %get3A_306 : vector<1x16xf32> to vector<16xf32>
      %add3A_308 = arith.addf %mul3A_303, %get3A_307 : vector<16xf32>
      %max3A_309 = arith.constant 0.000000e+00 : f32
      %max3A_310 = vector.broadcast %max3A_309 : f32 to vector<16xf32>
      %max3A_311 = arith.maximumf %add3A_308, %max3A_310 : vector<16xf32>
      %swap3A_312 = arith.index_cast %scan3A_278 : i32 to index
      %swap3A_313 = arith.constant 0 : index
      %swap3A_314 = tpu.vector_load %arg19[%swap3A_312, %swap3A_313] {strides = array<i32>} : memref<625x16xf32, #tpu.memory_space<vmem>>, vector<1x16xf32>,
      %swap3A_315 = vector.shape_cast %swap3A_314 : vector<1x16xf32> to vector<16xf32>
      %swap3A_316 = vector.shape_cast %max3A_311 : vector<16xf32> to vector<1x16xf32>
      tpu.vector_store %arg19[%swap3A_312, %swap3A_313], %swap3A_316 {strides = array<i32>} : memref<625x16xf32, #tpu.memory_space<vmem>>, vector<1x16xf32>,
      %swap3A_317 = arith.index_cast %scan3A_278 : i32 to index
      %swap3A_318 = arith.constant 0 : index
      %swap3A_319 = tpu.vector_load %arg17[%swap3A_317, %swap3A_318] {strides = array<i32>} : memref<625x16xf32, #tpu.memory_space<vmem>>, vector<1x16xf32>,
      %swap3A_320 = vector.shape_cast %swap3A_319 : vector<1x16xf32> to vector<16xf32>
      %swap3A_321 = vector.shape_cast %div3A_293 : vector<16xf32> to vector<1x16xf32>
      tpu.vector_store %arg17[%swap3A_317, %swap3A_318], %swap3A_321 {strides = array<i32>} : memref<625x16xf32, #tpu.memory_space<vmem>>, vector<1x16xf32>,
      %scan3A_322 = arith.constant 0 : i32
      %scan3A_323 = arith.constant 3 : i32
      %scan3A_324 = arith.addi %scan3A_189, %scan3A_323 : i32
      %get3A_325 = arith.index_cast %scan3A_324 : i32 to index
      %get3A_326 = arith.constant 0 : index
      %get3A_327 = tpu.vector_load %arg17[%get3A_325, %get3A_326] {strides = array<i32>} : memref<625x16xf32, #tpu.memory_space<vmem>>, vector<1x16xf32>,
      %get3A_328 = vector.shape_cast %get3A_327 : vector<1x16xf32> to vector<16xf32>
      %get3A_329 = arith.index_cast %scan3A_324 : i32 to index
      %get3A_330 = arith.constant 0 : index
      %get3A_331 = tpu.vector_load %arg18[%get3A_329, %get3A_330] {strides = array<i32>} : memref<625x16xf32, #tpu.memory_space<vmem>>, vector<1x16xf32>,
      %get3A_332 = vector.shape_cast %get3A_331 : vector<1x16xf32> to vector<16xf32>
      %add3A_333 = arith.addf %get3A_328, %get3A_332 : vector<16xf32>
      %max3A_334 = arith.constant 1.000000e+00 : f32
      %max3A_335 = vector.broadcast %max3A_334 : f32 to vector<16xf32>
      %max3A_336 = arith.maximumf %add3A_333, %max3A_335 : vector<16xf32>
      %div3A_337 = arith.constant 1.000000e+00 : f32
      %div3A_338 = vector.broadcast %div3A_337 : f32 to vector<16xf32>
      %div3A_339 = arith.divf %div3A_338, %max3A_336 : vector<16xf32>
      %get3A_340 = arith.index_cast %scan3A_324 : i32 to index
      %get3A_341 = arith.constant 0 : index
      %get3A_342 = tpu.vector_load %arg15[%get3A_340, %get3A_341] {strides = array<i32>} : memref<625x16xf32, #tpu.memory_space<vmem>>, vector<1x16xf32>,
      %get3A_343 = vector.shape_cast %get3A_342 : vector<1x16xf32> to vector<16xf32>
      %get3A_344 = arith.index_cast %scan3A_324 : i32 to index
      %get3A_345 = arith.constant 0 : index
      %get3A_346 = tpu.vector_load %arg16[%get3A_344, %get3A_345] {strides = array<i32>} : memref<625x16xf32, #tpu.memory_space<vmem>>, vector<1x16xf32>,
      %get3A_347 = vector.shape_cast %get3A_346 : vector<1x16xf32> to vector<16xf32>
      %add3A_348 = arith.addf %get3A_343, %get3A_347 : vector<16xf32>
      %mul3A_349 = arith.mulf %add3A_348, %div3A_339 : vector<16xf32>
      %get3A_350 = arith.index_cast %scan3A_324 : i32 to index
      %get3A_351 = arith.constant 0 : index
      %get3A_352 = tpu.vector_load %arg19[%get3A_350, %get3A_351] {strides = array<i32>} : memref<625x16xf32, #tpu.memory_space<vmem>>, vector<1x16xf32>,
      %get3A_353 = vector.shape_cast %get3A_352 : vector<1x16xf32> to vector<16xf32>
      %add3A_354 = arith.addf %mul3A_349, %get3A_353 : vector<16xf32>
      %max3A_355 = arith.constant 0.000000e+00 : f32
      %max3A_356 = vector.broadcast %max3A_355 : f32 to vector<16xf32>
      %max3A_357 = arith.maximumf %add3A_354, %max3A_356 : vector<16xf32>
      %swap3A_358 = arith.index_cast %scan3A_324 : i32 to index
      %swap3A_359 = arith.constant 0 : index
      %swap3A_360 = tpu.vector_load %arg19[%swap3A_358, %swap3A_359] {strides = array<i32>} : memref<625x16xf32, #tpu.memory_space<vmem>>, vector<1x16xf32>,
      %swap3A_361 = vector.shape_cast %swap3A_360 : vector<1x16xf32> to vector<16xf32>
      %swap3A_362 = vector.shape_cast %max3A_357 : vector<16xf32> to vector<1x16xf32>
      tpu.vector_store %arg19[%swap3A_358, %swap3A_359], %swap3A_362 {strides = array<i32>} : memref<625x16xf32, #tpu.memory_space<vmem>>, vector<1x16xf32>,
      %swap3A_363 = arith.index_cast %scan3A_324 : i32 to index
      %swap3A_364 = arith.constant 0 : index
      %swap3A_365 = tpu.vector_load %arg17[%swap3A_363, %swap3A_364] {strides = array<i32>} : memref<625x16xf32, #tpu.memory_space<vmem>>, vector<1x16xf32>,
      %swap3A_366 = vector.shape_cast %swap3A_365 : vector<1x16xf32> to vector<16xf32>
      %swap3A_367 = vector.shape_cast %div3A_339 : vector<16xf32> to vector<1x16xf32>
      tpu.vector_store %arg17[%swap3A_363, %swap3A_364], %swap3A_367 {strides = array<i32>} : memref<625x16xf32, #tpu.memory_space<vmem>>, vector<1x16xf32>,
      %scan3A_368 = arith.constant 0 : i32
      %scan3A_369 = arith.constant 4 : i32
      %scan3A_370 = arith.addi %scan3A_189, %scan3A_369 : i32
      %get3A_371 = arith.index_cast %scan3A_370 : i32 to index
      %get3A_372 = arith.constant 0 : index
      %get3A_373 = tpu.vector_load %arg17[%get3A_371, %get3A_372] {strides = array<i32>} : memref<625x16xf32, #tpu.memory_space<vmem>>, vector<1x16xf32>,
      %get3A_374 = vector.shape_cast %get3A_373 : vector<1x16xf32> to vector<16xf32>
      %get3A_375 = arith.index_cast %scan3A_370 : i32 to index
      %get3A_376 = arith.constant 0 : index
      %get3A_377 = tpu.vector_load %arg18[%get3A_375, %get3A_376] {strides = array<i32>} : memref<625x16xf32, #tpu.memory_space<vmem>>, vector<1x16xf32>,
      %get3A_378 = vector.shape_cast %get3A_377 : vector<1x16xf32> to vector<16xf32>
      %add3A_379 = arith.addf %get3A_374, %get3A_378 : vector<16xf32>
      %max3A_380 = arith.constant 1.000000e+00 : f32
      %max3A_381 = vector.broadcast %max3A_380 : f32 to vector<16xf32>
      %max3A_382 = arith.maximumf %add3A_379, %max3A_381 : vector<16xf32>
      %div3A_383 = arith.constant 1.000000e+00 : f32
      %div3A_384 = vector.broadcast %div3A_383 : f32 to vector<16xf32>
      %div3A_385 = arith.divf %div3A_384, %max3A_382 : vector<16xf32>
      %get3A_386 = arith.index_cast %scan3A_370 : i32 to index
      %get3A_387 = arith.constant 0 : index
      %get3A_388 = tpu.vector_load %arg15[%get3A_386, %get3A_387] {strides = array<i32>} : memref<625x16xf32, #tpu.memory_space<vmem>>, vector<1x16xf32>,
      %get3A_389 = vector.shape_cast %get3A_388 : vector<1x16xf32> to vector<16xf32>
      %get3A_390 = arith.index_cast %scan3A_370 : i32 to index
      %get3A_391 = arith.constant 0 : index
      %get3A_392 = tpu.vector_load %arg16[%get3A_390, %get3A_391] {strides = array<i32>} : memref<625x16xf32, #tpu.memory_space<vmem>>, vector<1x16xf32>,
      %get3A_393 = vector.shape_cast %get3A_392 : vector<1x16xf32> to vector<16xf32>
      %add3A_394 = arith.addf %get3A_389, %get3A_393 : vector<16xf32>
      %mul3A_395 = arith.mulf %add3A_394, %div3A_385 : vector<16xf32>
      %get3A_396 = arith.index_cast %scan3A_370 : i32 to index
      %get3A_397 = arith.constant 0 : index
      %get3A_398 = tpu.vector_load %arg19[%get3A_396, %get3A_397] {strides = array<i32>} : memref<625x16xf32, #tpu.memory_space<vmem>>, vector<1x16xf32>,
      %get3A_399 = vector.shape_cast %get3A_398 : vector<1x16xf32> to vector<16xf32>
      %add3A_400 = arith.addf %mul3A_395, %get3A_399 : vector<16xf32>
      %max3A_401 = arith.constant 0.000000e+00 : f32
      %max3A_402 = vector.broadcast %max3A_401 : f32 to vector<16xf32>
      %max3A_403 = arith.maximumf %add3A_400, %max3A_402 : vector<16xf32>
      %swap3A_404 = arith.index_cast %scan3A_370 : i32 to index
      %swap3A_405 = arith.constant 0 : index
      %swap3A_406 = tpu.vector_load %arg19[%swap3A_404, %swap3A_405] {strides = array<i32>} : memref<625x16xf32, #tpu.memory_space<vmem>>, vector<1x16xf32>,
      %swap3A_407 = vector.shape_cast %swap3A_406 : vector<1x16xf32> to vector<16xf32>
      %swap3A_408 = vector.shape_cast %max3A_403 : vector<16xf32> to vector<1x16xf32>
      tpu.vector_store %arg19[%swap3A_404, %swap3A_405], %swap3A_408 {strides = array<i32>} : memref<625x16xf32, #tpu.memory_space<vmem>>, vector<1x16xf32>,
      %swap3A_409 = arith.index_cast %scan3A_370 : i32 to index
      %swap3A_410 = arith.constant 0 : index
      %swap3A_411 = tpu.vector_load %arg17[%swap3A_409, %swap3A_410] {strides = array<i32>} : memref<625x16xf32, #tpu.memory_space<vmem>>, vector<1x16xf32>,
      %swap3A_412 = vector.shape_cast %swap3A_411 : vector<1x16xf32> to vector<16xf32>
      %swap3A_413 = vector.shape_cast %div3A_385 : vector<16xf32> to vector<1x16xf32>
      tpu.vector_store %arg17[%swap3A_409, %swap3A_410], %swap3A_413 {strides = array<i32>} : memref<625x16xf32, #tpu.memory_space<vmem>>, vector<1x16xf32>,
      %scan3A_414 = arith.constant 0 : i32
      scf.yield %scan3A_414 : i32
    }
    %scan3A_88 = arith.constant 625 : i32
    "tpu.region"() ({
      %run_scoped3A = tpu.sem_alloc : memref<!tpu.dma_semaphore, #tpu.memory_space<semaphore_mem>>
      %dma_start3A_189 = arith.constant 0 : i32
      %dma_start3A_190 = tpu.memref_slice %arg21[%mul3A_2, %dma_start3A_189] : memref<10240x16xf32, #tpu.memory_space<vmem_shared>> -> memref<625x16xf32, #tpu.memory_space<vmem_shared>>
      %dma_start3A_191 = arith.constant 0 : i32
      %dma_start3A_192 = tpu.memref_slice %arg21[%mul3A_2, %dma_start3A_191] : memref<10240x16xf32, #tpu.memory_space<vmem_shared>> -> memref<625x16xf32, #tpu.memory_space<vmem_shared>>
      tpu.enqueue_dma source(%arg19 : memref<625x16xf32, #tpu.memory_space<vmem>>) target(%dma_start3A_192 : memref<625x16xf32, #tpu.memory_space<vmem_shared>>) target_semaphore(%run_scoped3A : memref<!tpu.dma_semaphore, #tpu.memory_space<semaphore_mem>>)
      %dma_wait3A_193 = arith.constant 0 : i32
      %dma_wait3A_194 = tpu.memref_slice %arg21[%mul3A_2, %dma_wait3A_193] : memref<10240x16xf32, #tpu.memory_space<vmem_shared>> -> memref<625x16xf32, #tpu.memory_space<vmem_shared>>
      %dma_wait3A_195 = arith.constant 0 : i32
      %dma_wait3A_196 = tpu.memref_slice %arg21[%mul3A_2, %dma_wait3A_195] : memref<10240x16xf32, #tpu.memory_space<vmem_shared>> -> memref<625x16xf32, #tpu.memory_space<vmem_shared>>
      tpu.wait_dma2 semaphore(%run_scoped3A : memref<!tpu.dma_semaphore, #tpu.memory_space<semaphore_mem>>) src(%arg19 : memref<625x16xf32, #tpu.memory_space<vmem>>) dst(%dma_wait3A_196 : memref<625x16xf32, #tpu.memory_space<vmem_shared>>)
      tpu.yield
    }) : () -> ()
    %eq3A = arith.constant 0 : i32
    %eq3A_89 = arith.cmpi eq, %arg0, %eq3A : i32
    %convert_element_type3A = arith.extui %eq3A_89 : i1 to i32
    %cond3A = arith.constant 0 : i32
    %cond3A_90 = arith.cmpi ne, %convert_element_type3A, %cond3A : i32
    scf.if %cond3A_90 {
      "tpu.region"() ({
        %run_scoped3A = tpu.sem_alloc : memref<!tpu.dma_semaphore, #tpu.memory_space<semaphore_mem>>
        %dma_start3A_189 = arith.constant 0 : i32
        %dma_start3A_190 = tpu.memref_slice %arg6[%mul3A_2, %dma_start3A_189] : memref<10000x16xf32, #tpu.memory_space<hbm>> -> memref<625x16xf32, #tpu.memory_space<hbm>>
        %dma_start3A_191 = arith.constant 0 : i32
        %dma_start3A_192 = tpu.memref_slice %arg6[%mul3A_2, %dma_start3A_191] : memref<10000x16xf32, #tpu.memory_space<hbm>> -> memref<625x16xf32, #tpu.memory_space<hbm>>
        tpu.enqueue_dma source(%arg19 : memref<625x16xf32, #tpu.memory_space<vmem>>) target(%dma_start3A_192 : memref<625x16xf32, #tpu.memory_space<hbm>>) target_semaphore(%run_scoped3A : memref<!tpu.dma_semaphore, #tpu.memory_space<semaphore_mem>>)
        %dma_wait3A_193 = arith.constant 0 : i32
        %dma_wait3A_194 = tpu.memref_slice %arg6[%mul3A_2, %dma_wait3A_193] : memref<10000x16xf32, #tpu.memory_space<hbm>> -> memref<625x16xf32, #tpu.memory_space<hbm>>
        %dma_wait3A_195 = arith.constant 0 : i32
        %dma_wait3A_196 = tpu.memref_slice %arg6[%mul3A_2, %dma_wait3A_195] : memref<10000x16xf32, #tpu.memory_space<hbm>> -> memref<625x16xf32, #tpu.memory_space<hbm>>
        tpu.wait_dma2 semaphore(%run_scoped3A : memref<!tpu.dma_semaphore, #tpu.memory_space<semaphore_mem>>) src(%arg19 : memref<625x16xf32, #tpu.memory_space<vmem>>) dst(%dma_wait3A_196 : memref<625x16xf32, #tpu.memory_space<hbm>>)
        tpu.yield
      }) : () -> ()
    } else {
    }
    %scan3A_91 = arith.constant 0 : i32
    %scan3A_92 = arith.constant 0 : i32
    %scan3A_93 = arith.constant 640 : i32
    %scan3A_94 = arith.addi %scan3A_92, %scan3A_93 : i32
    %scan3A_95 = arith.constant 8 : i32
    %scan3A_96 = scf.for %scan3A_189 = %scan3A_92 to %scan3A_94 step %scan3A_95 iter_args(%scan3A_190 = %scan3A_91) -> (i32)  : i32 {
      %broadcast_in_dim3A = arith.constant 0.000000e+00 : f32
      %broadcast_in_dim3A_191 = vector.broadcast %broadcast_in_dim3A : f32 to vector<16xf32>
      %swap3A = arith.index_cast %scan3A_189 : i32 to index
      %swap3A_192 = arith.constant 0 : index
      %swap3A_193 = tpu.vector_load %arg20[%swap3A, %swap3A_192] {strides = array<i32>} : memref<640x16xf32, #tpu.memory_space<vmem>>, vector<1x16xf32>,
      %swap3A_194 = vector.shape_cast %swap3A_193 : vector<1x16xf32> to vector<16xf32>
      %swap3A_195 = vector.shape_cast %broadcast_in_dim3A_191 : vector<16xf32> to vector<1x16xf32>
      tpu.vector_store %arg20[%swap3A, %swap3A_192], %swap3A_195 {strides = array<i32>} : memref<640x16xf32, #tpu.memory_space<vmem>>, vector<1x16xf32>,
      %scan3A_196 = arith.constant 0 : i32
      %scan3A_197 = arith.constant 1 : i32
      %scan3A_198 = arith.addi %scan3A_189, %scan3A_197 : i32
      %broadcast_in_dim3A_199 = arith.constant 0.000000e+00 : f32
      %broadcast_in_dim3A_200 = vector.broadcast %broadcast_in_dim3A_199 : f32 to vector<16xf32>
      %swap3A_201 = arith.index_cast %scan3A_198 : i32 to index
      %swap3A_202 = arith.constant 0 : index
      %swap3A_203 = tpu.vector_load %arg20[%swap3A_201, %swap3A_202] {strides = array<i32>} : memref<640x16xf32, #tpu.memory_space<vmem>>, vector<1x16xf32>,
      %swap3A_204 = vector.shape_cast %swap3A_203 : vector<1x16xf32> to vector<16xf32>
      %swap3A_205 = vector.shape_cast %broadcast_in_dim3A_200 : vector<16xf32> to vector<1x16xf32>
      tpu.vector_store %arg20[%swap3A_201, %swap3A_202], %swap3A_205 {strides = array<i32>} : memref<640x16xf32, #tpu.memory_space<vmem>>, vector<1x16xf32>,
      %scan3A_206 = arith.constant 0 : i32
      %scan3A_207 = arith.constant 2 : i32
      %scan3A_208 = arith.addi %scan3A_189, %scan3A_207 : i32
      %broadcast_in_dim3A_209 = arith.constant 0.000000e+00 : f32
      %broadcast_in_dim3A_210 = vector.broadcast %broadcast_in_dim3A_209 : f32 to vector<16xf32>
      %swap3A_211 = arith.index_cast %scan3A_208 : i32 to index
      %swap3A_212 = arith.constant 0 : index
      %swap3A_213 = tpu.vector_load %arg20[%swap3A_211, %swap3A_212] {strides = array<i32>} : memref<640x16xf32, #tpu.memory_space<vmem>>, vector<1x16xf32>,
      %swap3A_214 = vector.shape_cast %swap3A_213 : vector<1x16xf32> to vector<16xf32>
      %swap3A_215 = vector.shape_cast %broadcast_in_dim3A_210 : vector<16xf32> to vector<1x16xf32>
      tpu.vector_store %arg20[%swap3A_211, %swap3A_212], %swap3A_215 {strides = array<i32>} : memref<640x16xf32, #tpu.memory_space<vmem>>, vector<1x16xf32>,
      %scan3A_216 = arith.constant 0 : i32
      %scan3A_217 = arith.constant 3 : i32
      %scan3A_218 = arith.addi %scan3A_189, %scan3A_217 : i32
      %broadcast_in_dim3A_219 = arith.constant 0.000000e+00 : f32
      %broadcast_in_dim3A_220 = vector.broadcast %broadcast_in_dim3A_219 : f32 to vector<16xf32>
      %swap3A_221 = arith.index_cast %scan3A_218 : i32 to index
      %swap3A_222 = arith.constant 0 : index
      %swap3A_223 = tpu.vector_load %arg20[%swap3A_221, %swap3A_222] {strides = array<i32>} : memref<640x16xf32, #tpu.memory_space<vmem>>, vector<1x16xf32>,
      %swap3A_224 = vector.shape_cast %swap3A_223 : vector<1x16xf32> to vector<16xf32>
      %swap3A_225 = vector.shape_cast %broadcast_in_dim3A_220 : vector<16xf32> to vector<1x16xf32>
      tpu.vector_store %arg20[%swap3A_221, %swap3A_222], %swap3A_225 {strides = array<i32>} : memref<640x16xf32, #tpu.memory_space<vmem>>, vector<1x16xf32>,
      %scan3A_226 = arith.constant 0 : i32
      %scan3A_227 = arith.constant 4 : i32
      %scan3A_228 = arith.addi %scan3A_189, %scan3A_227 : i32
      %broadcast_in_dim3A_229 = arith.constant 0.000000e+00 : f32
      %broadcast_in_dim3A_230 = vector.broadcast %broadcast_in_dim3A_229 : f32 to vector<16xf32>
      %swap3A_231 = arith.index_cast %scan3A_228 : i32 to index
      %swap3A_232 = arith.constant 0 : index
      %swap3A_233 = tpu.vector_load %arg20[%swap3A_231, %swap3A_232] {strides = array<i32>} : memref<640x16xf32, #tpu.memory_space<vmem>>, vector<1x16xf32>,
      %swap3A_234 = vector.shape_cast %swap3A_233 : vector<1x16xf32> to vector<16xf32>
      %swap3A_235 = vector.shape_cast %broadcast_in_dim3A_230 : vector<16xf32> to vector<1x16xf32>
      tpu.vector_store %arg20[%swap3A_231, %swap3A_232], %swap3A_235 {strides = array<i32>} : memref<640x16xf32, #tpu.memory_space<vmem>>, vector<1x16xf32>,
      %scan3A_236 = arith.constant 0 : i32
      %scan3A_237 = arith.constant 5 : i32
      %scan3A_238 = arith.addi %scan3A_189, %scan3A_237 : i32
      %broadcast_in_dim3A_239 = arith.constant 0.000000e+00 : f32
      %broadcast_in_dim3A_240 = vector.broadcast %broadcast_in_dim3A_239 : f32 to vector<16xf32>
      %swap3A_241 = arith.index_cast %scan3A_238 : i32 to index
      %swap3A_242 = arith.constant 0 : index
      %swap3A_243 = tpu.vector_load %arg20[%swap3A_241, %swap3A_242] {strides = array<i32>} : memref<640x16xf32, #tpu.memory_space<vmem>>, vector<1x16xf32>,
      %swap3A_244 = vector.shape_cast %swap3A_243 : vector<1x16xf32> to vector<16xf32>
      %swap3A_245 = vector.shape_cast %broadcast_in_dim3A_240 : vector<16xf32> to vector<1x16xf32>
      tpu.vector_store %arg20[%swap3A_241, %swap3A_242], %swap3A_245 {strides = array<i32>} : memref<640x16xf32, #tpu.memory_space<vmem>>, vector<1x16xf32>,
      %scan3A_246 = arith.constant 0 : i32
      %scan3A_247 = arith.constant 6 : i32
      %scan3A_248 = arith.addi %scan3A_189, %scan3A_247 : i32
      %broadcast_in_dim3A_249 = arith.constant 0.000000e+00 : f32
      %broadcast_in_dim3A_250 = vector.broadcast %broadcast_in_dim3A_249 : f32 to vector<16xf32>
      %swap3A_251 = arith.index_cast %scan3A_248 : i32 to index
      %swap3A_252 = arith.constant 0 : index
      %swap3A_253 = tpu.vector_load %arg20[%swap3A_251, %swap3A_252] {strides = array<i32>} : memref<640x16xf32, #tpu.memory_space<vmem>>, vector<1x16xf32>,
      %swap3A_254 = vector.shape_cast %swap3A_253 : vector<1x16xf32> to vector<16xf32>
      %swap3A_255 = vector.shape_cast %broadcast_in_dim3A_250 : vector<16xf32> to vector<1x16xf32>
      tpu.vector_store %arg20[%swap3A_251, %swap3A_252], %swap3A_255 {strides = array<i32>} : memref<640x16xf32, #tpu.memory_space<vmem>>, vector<1x16xf32>,
      %scan3A_256 = arith.constant 0 : i32
      %scan3A_257 = arith.constant 7 : i32
      %scan3A_258 = arith.addi %scan3A_189, %scan3A_257 : i32
      %broadcast_in_dim3A_259 = arith.constant 0.000000e+00 : f32
      %broadcast_in_dim3A_260 = vector.broadcast %broadcast_in_dim3A_259 : f32 to vector<16xf32>
      %swap3A_261 = arith.index_cast %scan3A_258 : i32 to index
      %swap3A_262 = arith.constant 0 : index
      %swap3A_263 = tpu.vector_load %arg20[%swap3A_261, %swap3A_262] {strides = array<i32>} : memref<640x16xf32, #tpu.memory_space<vmem>>, vector<1x16xf32>,
      %swap3A_264 = vector.shape_cast %swap3A_263 : vector<1x16xf32> to vector<16xf32>
      %swap3A_265 = vector.shape_cast %broadcast_in_dim3A_260 : vector<16xf32> to vector<1x16xf32>
      tpu.vector_store %arg20[%swap3A_261, %swap3A_262], %swap3A_265 {strides = array<i32>} : memref<640x16xf32, #tpu.memory_space<vmem>>, vector<1x16xf32>,
      %scan3A_266 = arith.constant 0 : i32
      scf.yield %scan3A_266 : i32
    }
    %scan3A_97 = arith.constant 640 : i32
    %mul3A_98 = arith.constant 640 : i32
    %mul3A_99 = arith.muli %arg1, %mul3A_98 : i32
    "tpu.region"() ({
      %run_scoped3A = tpu.sem_alloc : memref<!tpu.dma_semaphore, #tpu.memory_space<semaphore_mem>>
      %dma_start3A_189 = arith.constant 0 : i32
      %dma_start3A_190 = tpu.memref_slice %arg22[%mul3A_99, %dma_start3A_189] : memref<10240x16xf32, #tpu.memory_space<vmem_shared>> -> memref<640x16xf32, #tpu.memory_space<vmem_shared>>
      %dma_start3A_191 = arith.constant 0 : i32
      %dma_start3A_192 = tpu.memref_slice %arg22[%mul3A_99, %dma_start3A_191] : memref<10240x16xf32, #tpu.memory_space<vmem_shared>> -> memref<640x16xf32, #tpu.memory_space<vmem_shared>>
      tpu.enqueue_dma source(%arg20 : memref<640x16xf32, #tpu.memory_space<vmem>>) target(%dma_start3A_192 : memref<640x16xf32, #tpu.memory_space<vmem_shared>>) target_semaphore(%run_scoped3A : memref<!tpu.dma_semaphore, #tpu.memory_space<semaphore_mem>>)
      %dma_wait3A_193 = arith.constant 0 : i32
      %dma_wait3A_194 = tpu.memref_slice %arg22[%mul3A_99, %dma_wait3A_193] : memref<10240x16xf32, #tpu.memory_space<vmem_shared>> -> memref<640x16xf32, #tpu.memory_space<vmem_shared>>
      %dma_wait3A_195 = arith.constant 0 : i32
      %dma_wait3A_196 = tpu.memref_slice %arg22[%mul3A_99, %dma_wait3A_195] : memref<10240x16xf32, #tpu.memory_space<vmem_shared>> -> memref<640x16xf32, #tpu.memory_space<vmem_shared>>
      tpu.wait_dma2 semaphore(%run_scoped3A : memref<!tpu.dma_semaphore, #tpu.memory_space<semaphore_mem>>) src(%arg20 : memref<640x16xf32, #tpu.memory_space<vmem>>) dst(%dma_wait3A_196 : memref<640x16xf32, #tpu.memory_space<vmem_shared>>)
      tpu.yield
    }) : () -> ()
    %barrier3A = arith.constant 0 : index
    tpu.barrier barrier_id(%barrier3A)
    %dma_wait3A_100 = arith.constant 0 : i32
    %dma_wait3A_101 = arith.constant 0 : i32
    %dma_wait3A_102 = arith.constant 0 : i32
    %dma_wait3A_103 = tpu.memref_slice %arg5[%dma_wait3A_100, %add3A, %dma_wait3A_101, %dma_wait3A_102] : memref<2x32x10x500xi32, #tpu.memory_space<hbm>> -> memref<1x1x10x500xi32, #tpu.memory_space<hbm>>
    %dma_wait3A_104 = tpu.memref_squeeze %dma_wait3A_103 : memref<1x1x10x500xi32, #tpu.memory_space<hbm>> -> memref<10x500xi32, #tpu.memory_space<hbm>>
    %dma_wait3A_105 = arith.constant 0 : i32
    %dma_wait3A_106 = arith.constant 0 : i32
    %dma_wait3A_107 = tpu.memref_slice %arg5[%dma_wait3A_100, %add3A, %dma_wait3A_105, %dma_wait3A_106] : memref<2x32x10x500xi32, #tpu.memory_space<hbm>> -> memref<1x1x10x500xi32, #tpu.memory_space<hbm>>
    %dma_wait3A_108 = tpu.memref_squeeze %dma_wait3A_107 : memref<1x1x10x500xi32, #tpu.memory_space<hbm>> -> memref<10x500xi32, #tpu.memory_space<hbm>>
    tpu.wait_dma2 semaphore(%arg28 : memref<!tpu.dma_semaphore, #tpu.memory_space<semaphore_mem>>) src(%dma_wait3A_108 : memref<10x500xi32, #tpu.memory_space<hbm>>) dst(%arg8 : memref<10x500xi32, #tpu.memory_space<vmem>>)
    %dma_wait3A_109 = arith.constant 1 : i32
    %dma_wait3A_110 = arith.constant 0 : i32
    %dma_wait3A_111 = arith.constant 0 : i32
    %dma_wait3A_112 = tpu.memref_slice %arg5[%dma_wait3A_109, %add3A, %dma_wait3A_110, %dma_wait3A_111] : memref<2x32x10x500xi32, #tpu.memory_space<hbm>> -> memref<1x1x10x500xi32, #tpu.memory_space<hbm>>
    %dma_wait3A_113 = tpu.memref_squeeze %dma_wait3A_112 : memref<1x1x10x500xi32, #tpu.memory_space<hbm>> -> memref<10x500xi32, #tpu.memory_space<hbm>>
    %dma_wait3A_114 = arith.constant 0 : i32
    %dma_wait3A_115 = arith.constant 0 : i32
    %dma_wait3A_116 = tpu.memref_slice %arg5[%dma_wait3A_109, %add3A, %dma_wait3A_114, %dma_wait3A_115] : memref<2x32x10x500xi32, #tpu.memory_space<hbm>> -> memref<1x1x10x500xi32, #tpu.memory_space<hbm>>
    %dma_wait3A_117 = tpu.memref_squeeze %dma_wait3A_116 : memref<1x1x10x500xi32, #tpu.memory_space<hbm>> -> memref<10x500xi32, #tpu.memory_space<hbm>>
    tpu.wait_dma2 semaphore(%arg29 : memref<!tpu.dma_semaphore, #tpu.memory_space<semaphore_mem>>) src(%dma_wait3A_117 : memref<10x500xi32, #tpu.memory_space<hbm>>) dst(%arg9 : memref<10x500xi32, #tpu.memory_space<vmem>>)
    %dma_start3A_118 = arith.constant 0 : i32
    %dma_start3A_119 = arith.constant 0 : i32
    %dma_start3A_120 = tpu.memref_slice %arg8[%dma_start3A_118, %dma_start3A_119] : memref<10x500xi32, #tpu.memory_space<vmem>> -> memref<1x500xi32, #tpu.memory_space<vmem>>
    %dma_start3A_121 = tpu.memref_squeeze %dma_start3A_120 : memref<1x500xi32, #tpu.memory_space<vmem>> -> memref<500xi32, #tpu.memory_space<vmem>>
    %dma_start3A_122 = arith.constant 0 : i32
    %dma_start3A_123 = arith.constant 0 : i32
    %dma_start3A_124 = tpu.memref_slice %arg21[%dma_start3A_122, %dma_start3A_123] : memref<10240x16xf32, #tpu.memory_space<vmem_shared>> -> memref<10240x16xf32, #tpu.memory_space<vmem_shared>>
    tpu.enqueue_indirect_dma source(%dma_start3A_124 : memref<10240x16xf32, #tpu.memory_space<vmem_shared>>) target(%arg10 : memref<500x16xf32, #tpu.memory_space<vmem>>) offsets(%dma_start3A_121 : memref<500xi32, #tpu.memory_space<vmem>>) semaphore(%arg23 : memref<!tpu.dma_semaphore, #tpu.memory_space<semaphore_mem>>)
    %dma_start3A_125 = arith.constant 1 : i32
    %dma_start3A_126 = arith.constant 0 : i32
    %dma_start3A_127 = tpu.memref_slice %arg8[%dma_start3A_125, %dma_start3A_126] : memref<10x500xi32, #tpu.memory_space<vmem>> -> memref<1x500xi32, #tpu.memory_space<vmem>>
    %dma_start3A_128 = tpu.memref_squeeze %dma_start3A_127 : memref<1x500xi32, #tpu.memory_space<vmem>> -> memref<500xi32, #tpu.memory_space<vmem>>
    %dma_start3A_129 = arith.constant 0 : i32
    %dma_start3A_130 = arith.constant 0 : i32
    %dma_start3A_131 = tpu.memref_slice %arg21[%dma_start3A_129, %dma_start3A_130] : memref<10240x16xf32, #tpu.memory_space<vmem_shared>> -> memref<10240x16xf32, #tpu.memory_space<vmem_shared>>
    tpu.enqueue_indirect_dma source(%dma_start3A_131 : memref<10240x16xf32, #tpu.memory_space<vmem_shared>>) target(%arg11 : memref<500x16xf32, #tpu.memory_space<vmem>>) offsets(%dma_start3A_128 : memref<500xi32, #tpu.memory_space<vmem>>) semaphore(%arg24 : memref<!tpu.dma_semaphore, #tpu.memory_space<semaphore_mem>>)
    %dma_start3A_132 = arith.constant 2 : i32
    %dma_start3A_133 = arith.constant 0 : i32
    %dma_start3A_134 = tpu.memref_slice %arg8[%dma_start3A_132, %dma_start3A_133] : memref<10x500xi32, #tpu.memory_space<vmem>> -> memref<1x500xi32, #tpu.memory_space<vmem>>
    %dma_start3A_135 = tpu.memref_squeeze %dma_start3A_134 : memref<1x500xi32, #tpu.memory_space<vmem>> -> memref<500xi32, #tpu.memory_space<vmem>>
    %dma_start3A_136 = arith.constant 0 : i32
    %dma_start3A_137 = arith.constant 0 : i32
    %dma_start3A_138 = tpu.memref_slice %arg21[%dma_start3A_136, %dma_start3A_137] : memref<10240x16xf32, #tpu.memory_space<vmem_shared>> -> memref<10240x16xf32, #tpu.memory_space<vmem_shared>>
    tpu.enqueue_indirect_dma source(%dma_start3A_138 : memref<10240x16xf32, #tpu.memory_space<vmem_shared>>) target(%arg12 : memref<500x16xf32, #tpu.memory_space<vmem>>) offsets(%dma_start3A_135 : memref<500xi32, #tpu.memory_space<vmem>>) semaphore(%arg25 : memref<!tpu.dma_semaphore, #tpu.memory_space<semaphore_mem>>)
    %scan3A_139 = arith.constant 0 : i32
    %scan3A_140 = arith.constant 0 : i32
    %scan3A_141 = arith.constant 2 : i32
    %scan3A_142 = arith.addi %scan3A_140, %scan3A_141 : i32
    %scan3A_143 = arith.constant 1 : i32
    %scan3A_144 = scf.for %scan3A_189 = %scan3A_140 to %scan3A_142 step %scan3A_143 iter_args(%scan3A_190 = %scan3A_139) -> (i32)  : i32 {
      %mul3A_191 = arith.constant 5 : i32
      %mul3A_192 = arith.muli %scan3A_189, %mul3A_191 : i32
      %add3A_193 = arith.constant 0 : i32
      %add3A_194 = arith.addi %mul3A_192, %add3A_193 : i32
      %add3A_195 = arith.constant 3 : i32
      %add3A_196 = arith.addi %add3A_194, %add3A_195 : i32
      %lt3A = arith.constant 10 : i32
      %lt3A_197 = arith.cmpi slt, %add3A_196, %lt3A : i32
      %convert_element_type3A_198 = arith.extui %lt3A_197 : i1 to i32
      %cond3A_199 = arith.constant 0 : i32
      %cond3A_200 = arith.cmpi ne, %convert_element_type3A_198, %cond3A_199 : i32
      scf.if %cond3A_200 {
        %ge3A = arith.constant 2 : i32
        %ge3A_306 = arith.cmpi sge, %add3A_194, %ge3A : i32
        %convert_element_type3A_307 = arith.extui %ge3A_306 : i1 to i32
        %cond3A_308 = arith.constant 0 : i32
        %cond3A_309 = arith.cmpi ne, %convert_element_type3A_307, %cond3A_308 : i32
        scf.if %cond3A_309 {
          %sub3A = arith.constant 2 : i32
          %sub3A_316 = arith.subi %add3A_194, %sub3A : i32
          %dma_wait3A_317 = arith.constant 0 : i32
          %dma_wait3A_318 = tpu.memref_slice %arg9[%sub3A_316, %dma_wait3A_317] : memref<10x500xi32, #tpu.memory_space<vmem>> -> memref<1x500xi32, #tpu.memory_space<vmem>>
          %dma_wait3A_319 = tpu.memref_squeeze %dma_wait3A_318 : memref<1x500xi32, #tpu.memory_space<vmem>> -> memref<500xi32, #tpu.memory_space<vmem>>
          %dma_wait3A_320 = arith.constant 0 : i32
          %dma_wait3A_321 = arith.constant 0 : i32
          %dma_wait3A_322 = tpu.memref_slice %arg22[%dma_wait3A_320, %dma_wait3A_321] : memref<10240x16xf32, #tpu.memory_space<vmem_shared>> -> memref<10240x16xf32, #tpu.memory_space<vmem_shared>>
          tpu.wait_indirect_dma semaphore(%arg31 : memref<!tpu.dma_semaphore, #tpu.memory_space<semaphore_mem>>) src(%arg13 : memref<500x16xf32, #tpu.memory_space<vmem>>) dst(%dma_wait3A_322 : memref<10240x16xf32, #tpu.memory_space<vmem_shared>>)
        } else {
        }
        %dma_start3A_310 = arith.constant 0 : i32
        %dma_start3A_311 = tpu.memref_slice %arg8[%add3A_196, %dma_start3A_310] : memref<10x500xi32, #tpu.memory_space<vmem>> -> memref<1x500xi32, #tpu.memory_space<vmem>>
        %dma_start3A_312 = tpu.memref_squeeze %dma_start3A_311 : memref<1x500xi32, #tpu.memory_space<vmem>> -> memref<500xi32, #tpu.memory_space<vmem>>
        %dma_start3A_313 = arith.constant 0 : i32
        %dma_start3A_314 = arith.constant 0 : i32
        %dma_start3A_315 = tpu.memref_slice %arg21[%dma_start3A_313, %dma_start3A_314] : memref<10240x16xf32, #tpu.memory_space<vmem_shared>> -> memref<10240x16xf32, #tpu.memory_space<vmem_shared>>
        tpu.enqueue_indirect_dma source(%dma_start3A_315 : memref<10240x16xf32, #tpu.memory_space<vmem_shared>>) target(%arg13 : memref<500x16xf32, #tpu.memory_space<vmem>>) offsets(%dma_start3A_312 : memref<500xi32, #tpu.memory_space<vmem>>) semaphore(%arg26 : memref<!tpu.dma_semaphore, #tpu.memory_space<semaphore_mem>>)
      } else {
      }
      %dma_wait3A_201 = arith.constant 0 : i32
      %dma_wait3A_202 = tpu.memref_slice %arg8[%add3A_194, %dma_wait3A_201] : memref<10x500xi32, #tpu.memory_space<vmem>> -> memref<1x500xi32, #tpu.memory_space<vmem>>
      %dma_wait3A_203 = tpu.memref_squeeze %dma_wait3A_202 : memref<1x500xi32, #tpu.memory_space<vmem>> -> memref<500xi32, #tpu.memory_space<vmem>>
      %dma_wait3A_204 = arith.constant 0 : i32
      %dma_wait3A_205 = arith.constant 0 : i32
      %dma_wait3A_206 = tpu.memref_slice %arg21[%dma_wait3A_204, %dma_wait3A_205] : memref<10240x16xf32, #tpu.memory_space<vmem_shared>> -> memref<10240x16xf32, #tpu.memory_space<vmem_shared>>
      tpu.wait_indirect_dma semaphore(%arg23 : memref<!tpu.dma_semaphore, #tpu.memory_space<semaphore_mem>>) src(%dma_wait3A_206 : memref<10240x16xf32, #tpu.memory_space<vmem_shared>>) dst(%arg10 : memref<500x16xf32, #tpu.memory_space<vmem>>)
      %dma_start3A_207 = arith.constant 0 : i32
      %dma_start3A_208 = tpu.memref_slice %arg9[%add3A_194, %dma_start3A_207] : memref<10x500xi32, #tpu.memory_space<vmem>> -> memref<1x500xi32, #tpu.memory_space<vmem>>
      %dma_start3A_209 = tpu.memref_squeeze %dma_start3A_208 : memref<1x500xi32, #tpu.memory_space<vmem>> -> memref<500xi32, #tpu.memory_space<vmem>>
      %dma_start3A_210 = arith.constant 0 : i32
      %dma_start3A_211 = arith.constant 0 : i32
      %dma_start3A_212 = tpu.memref_slice %arg22[%dma_start3A_210, %dma_start3A_211] : memref<10240x16xf32, #tpu.memory_space<vmem_shared>> -> memref<10240x16xf32, #tpu.memory_space<vmem_shared>>
      tpu.enqueue_indirect_dma source(%arg10 : memref<500x16xf32, #tpu.memory_space<vmem>>) target(%dma_start3A_212 : memref<10240x16xf32, #tpu.memory_space<vmem_shared>>) offsets(%dma_start3A_209 : memref<500xi32, #tpu.memory_space<vmem>>) semaphore(%arg28 : memref<!tpu.dma_semaphore, #tpu.memory_space<semaphore_mem>>) {add = true}
      %mul3A_213 = arith.constant 5 : i32
      %mul3A_214 = arith.muli %scan3A_189, %mul3A_213 : i32
      %add3A_215 = arith.constant 1 : i32
      %add3A_216 = arith.addi %mul3A_214, %add3A_215 : i32
      %add3A_217 = arith.constant 3 : i32
      %add3A_218 = arith.addi %add3A_216, %add3A_217 : i32
      %lt3A_219 = arith.constant 10 : i32
      %lt3A_220 = arith.cmpi slt, %add3A_218, %lt3A_219 : i32
      %convert_element_type3A_221 = arith.extui %lt3A_220 : i1 to i32
      %cond3A_222 = arith.constant 0 : i32
      %cond3A_223 = arith.cmpi ne, %convert_element_type3A_221, %cond3A_222 : i32
      scf.if %cond3A_223 {
        %ge3A = arith.constant 2 : i32
        %ge3A_306 = arith.cmpi sge, %add3A_216, %ge3A : i32
        %convert_element_type3A_307 = arith.extui %ge3A_306 : i1 to i32
        %cond3A_308 = arith.constant 0 : i32
        %cond3A_309 = arith.cmpi ne, %convert_element_type3A_307, %cond3A_308 : i32
        scf.if %cond3A_309 {
          %sub3A = arith.constant 2 : i32
          %sub3A_316 = arith.subi %add3A_216, %sub3A : i32
          %dma_wait3A_317 = arith.constant 0 : i32
          %dma_wait3A_318 = tpu.memref_slice %arg9[%sub3A_316, %dma_wait3A_317] : memref<10x500xi32, #tpu.memory_space<vmem>> -> memref<1x500xi32, #tpu.memory_space<vmem>>
          %dma_wait3A_319 = tpu.memref_squeeze %dma_wait3A_318 : memref<1x500xi32, #tpu.memory_space<vmem>> -> memref<500xi32, #tpu.memory_space<vmem>>
          %dma_wait3A_320 = arith.constant 0 : i32
          %dma_wait3A_321 = arith.constant 0 : i32
          %dma_wait3A_322 = tpu.memref_slice %arg22[%dma_wait3A_320, %dma_wait3A_321] : memref<10240x16xf32, #tpu.memory_space<vmem_shared>> -> memref<10240x16xf32, #tpu.memory_space<vmem_shared>>
          tpu.wait_indirect_dma semaphore(%arg32 : memref<!tpu.dma_semaphore, #tpu.memory_space<semaphore_mem>>) src(%arg14 : memref<500x16xf32, #tpu.memory_space<vmem>>) dst(%dma_wait3A_322 : memref<10240x16xf32, #tpu.memory_space<vmem_shared>>)
        } else {
        }
        %dma_start3A_310 = arith.constant 0 : i32
        %dma_start3A_311 = tpu.memref_slice %arg8[%add3A_218, %dma_start3A_310] : memref<10x500xi32, #tpu.memory_space<vmem>> -> memref<1x500xi32, #tpu.memory_space<vmem>>
        %dma_start3A_312 = tpu.memref_squeeze %dma_start3A_311 : memref<1x500xi32, #tpu.memory_space<vmem>> -> memref<500xi32, #tpu.memory_space<vmem>>
        %dma_start3A_313 = arith.constant 0 : i32
        %dma_start3A_314 = arith.constant 0 : i32
        %dma_start3A_315 = tpu.memref_slice %arg21[%dma_start3A_313, %dma_start3A_314] : memref<10240x16xf32, #tpu.memory_space<vmem_shared>> -> memref<10240x16xf32, #tpu.memory_space<vmem_shared>>
        tpu.enqueue_indirect_dma source(%dma_start3A_315 : memref<10240x16xf32, #tpu.memory_space<vmem_shared>>) target(%arg14 : memref<500x16xf32, #tpu.memory_space<vmem>>) offsets(%dma_start3A_312 : memref<500xi32, #tpu.memory_space<vmem>>) semaphore(%arg27 : memref<!tpu.dma_semaphore, #tpu.memory_space<semaphore_mem>>)
      } else {
      }
      %dma_wait3A_224 = arith.constant 0 : i32
      %dma_wait3A_225 = tpu.memref_slice %arg8[%add3A_216, %dma_wait3A_224] : memref<10x500xi32, #tpu.memory_space<vmem>> -> memref<1x500xi32, #tpu.memory_space<vmem>>
      %dma_wait3A_226 = tpu.memref_squeeze %dma_wait3A_225 : memref<1x500xi32, #tpu.memory_space<vmem>> -> memref<500xi32, #tpu.memory_space<vmem>>
      %dma_wait3A_227 = arith.constant 0 : i32
      %dma_wait3A_228 = arith.constant 0 : i32
      %dma_wait3A_229 = tpu.memref_slice %arg21[%dma_wait3A_227, %dma_wait3A_228] : memref<10240x16xf32, #tpu.memory_space<vmem_shared>> -> memref<10240x16xf32, #tpu.memory_space<vmem_shared>>
      tpu.wait_indirect_dma semaphore(%arg24 : memref<!tpu.dma_semaphore, #tpu.memory_space<semaphore_mem>>) src(%dma_wait3A_229 : memref<10240x16xf32, #tpu.memory_space<vmem_shared>>) dst(%arg11 : memref<500x16xf32, #tpu.memory_space<vmem>>)
      %dma_start3A_230 = arith.constant 0 : i32
      %dma_start3A_231 = tpu.memref_slice %arg9[%add3A_216, %dma_start3A_230] : memref<10x500xi32, #tpu.memory_space<vmem>> -> memref<1x500xi32, #tpu.memory_space<vmem>>
      %dma_start3A_232 = tpu.memref_squeeze %dma_start3A_231 : memref<1x500xi32, #tpu.memory_space<vmem>> -> memref<500xi32, #tpu.memory_space<vmem>>
      %dma_start3A_233 = arith.constant 0 : i32
      %dma_start3A_234 = arith.constant 0 : i32
      %dma_start3A_235 = tpu.memref_slice %arg22[%dma_start3A_233, %dma_start3A_234] : memref<10240x16xf32, #tpu.memory_space<vmem_shared>> -> memref<10240x16xf32, #tpu.memory_space<vmem_shared>>
      tpu.enqueue_indirect_dma source(%arg11 : memref<500x16xf32, #tpu.memory_space<vmem>>) target(%dma_start3A_235 : memref<10240x16xf32, #tpu.memory_space<vmem_shared>>) offsets(%dma_start3A_232 : memref<500xi32, #tpu.memory_space<vmem>>) semaphore(%arg29 : memref<!tpu.dma_semaphore, #tpu.memory_space<semaphore_mem>>) {add = true}
      %mul3A_236 = arith.constant 5 : i32
      %mul3A_237 = arith.muli %scan3A_189, %mul3A_236 : i32
      %add3A_238 = arith.constant 2 : i32
      %add3A_239 = arith.addi %mul3A_237, %add3A_238 : i32
      %add3A_240 = arith.constant 3 : i32
      %add3A_241 = arith.addi %add3A_239, %add3A_240 : i32
      %lt3A_242 = arith.constant 10 : i32
      %lt3A_243 = arith.cmpi slt, %add3A_241, %lt3A_242 : i32
      %convert_element_type3A_244 = arith.extui %lt3A_243 : i1 to i32
      %cond3A_245 = arith.constant 0 : i32
      %cond3A_246 = arith.cmpi ne, %convert_element_type3A_244, %cond3A_245 : i32
      scf.if %cond3A_246 {
        %ge3A = arith.constant 2 : i32
        %ge3A_306 = arith.cmpi sge, %add3A_239, %ge3A : i32
        %convert_element_type3A_307 = arith.extui %ge3A_306 : i1 to i32
        %cond3A_308 = arith.constant 0 : i32
        %cond3A_309 = arith.cmpi ne, %convert_element_type3A_307, %cond3A_308 : i32
        scf.if %cond3A_309 {
          %sub3A = arith.constant 2 : i32
          %sub3A_316 = arith.subi %add3A_239, %sub3A : i32
          %dma_wait3A_317 = arith.constant 0 : i32
          %dma_wait3A_318 = tpu.memref_slice %arg9[%sub3A_316, %dma_wait3A_317] : memref<10x500xi32, #tpu.memory_space<vmem>> -> memref<1x500xi32, #tpu.memory_space<vmem>>
          %dma_wait3A_319 = tpu.memref_squeeze %dma_wait3A_318 : memref<1x500xi32, #tpu.memory_space<vmem>> -> memref<500xi32, #tpu.memory_space<vmem>>
          %dma_wait3A_320 = arith.constant 0 : i32
          %dma_wait3A_321 = arith.constant 0 : i32
          %dma_wait3A_322 = tpu.memref_slice %arg22[%dma_wait3A_320, %dma_wait3A_321] : memref<10240x16xf32, #tpu.memory_space<vmem_shared>> -> memref<10240x16xf32, #tpu.memory_space<vmem_shared>>
          tpu.wait_indirect_dma semaphore(%arg28 : memref<!tpu.dma_semaphore, #tpu.memory_space<semaphore_mem>>) src(%arg10 : memref<500x16xf32, #tpu.memory_space<vmem>>) dst(%dma_wait3A_322 : memref<10240x16xf32, #tpu.memory_space<vmem_shared>>)
        } else {
        }
        %dma_start3A_310 = arith.constant 0 : i32
        %dma_start3A_311 = tpu.memref_slice %arg8[%add3A_241, %dma_start3A_310] : memref<10x500xi32, #tpu.memory_space<vmem>> -> memref<1x500xi32, #tpu.memory_space<vmem>>
        %dma_start3A_312 = tpu.memref_squeeze %dma_start3A_311 : memref<1x500xi32, #tpu.memory_space<vmem>> -> memref<500xi32, #tpu.memory_space<vmem>>
        %dma_start3A_313 = arith.constant 0 : i32
        %dma_start3A_314 = arith.constant 0 : i32
        %dma_start3A_315 = tpu.memref_slice %arg21[%dma_start3A_313, %dma_start3A_314] : memref<10240x16xf32, #tpu.memory_space<vmem_shared>> -> memref<10240x16xf32, #tpu.memory_space<vmem_shared>>
        tpu.enqueue_indirect_dma source(%dma_start3A_315 : memref<10240x16xf32, #tpu.memory_space<vmem_shared>>) target(%arg10 : memref<500x16xf32, #tpu.memory_space<vmem>>) offsets(%dma_start3A_312 : memref<500xi32, #tpu.memory_space<vmem>>) semaphore(%arg23 : memref<!tpu.dma_semaphore, #tpu.memory_space<semaphore_mem>>)
      } else {
      }
      %dma_wait3A_247 = arith.constant 0 : i32
      %dma_wait3A_248 = tpu.memref_slice %arg8[%add3A_239, %dma_wait3A_247] : memref<10x500xi32, #tpu.memory_space<vmem>> -> memref<1x500xi32, #tpu.memory_space<vmem>>
      %dma_wait3A_249 = tpu.memref_squeeze %dma_wait3A_248 : memref<1x500xi32, #tpu.memory_space<vmem>> -> memref<500xi32, #tpu.memory_space<vmem>>
      %dma_wait3A_250 = arith.constant 0 : i32
      %dma_wait3A_251 = arith.constant 0 : i32
      %dma_wait3A_252 = tpu.memref_slice %arg21[%dma_wait3A_250, %dma_wait3A_251] : memref<10240x16xf32, #tpu.memory_space<vmem_shared>> -> memref<10240x16xf32, #tpu.memory_space<vmem_shared>>
      tpu.wait_indirect_dma semaphore(%arg25 : memref<!tpu.dma_semaphore, #tpu.memory_space<semaphore_mem>>) src(%dma_wait3A_252 : memref<10240x16xf32, #tpu.memory_space<vmem_shared>>) dst(%arg12 : memref<500x16xf32, #tpu.memory_space<vmem>>)
      %dma_start3A_253 = arith.constant 0 : i32
      %dma_start3A_254 = tpu.memref_slice %arg9[%add3A_239, %dma_start3A_253] : memref<10x500xi32, #tpu.memory_space<vmem>> -> memref<1x500xi32, #tpu.memory_space<vmem>>
      %dma_start3A_255 = tpu.memref_squeeze %dma_start3A_254 : memref<1x500xi32, #tpu.memory_space<vmem>> -> memref<500xi32, #tpu.memory_space<vmem>>
      %dma_start3A_256 = arith.constant 0 : i32
      %dma_start3A_257 = arith.constant 0 : i32
      %dma_start3A_258 = tpu.memref_slice %arg22[%dma_start3A_256, %dma_start3A_257] : memref<10240x16xf32, #tpu.memory_space<vmem_shared>> -> memref<10240x16xf32, #tpu.memory_space<vmem_shared>>
      tpu.enqueue_indirect_dma source(%arg12 : memref<500x16xf32, #tpu.memory_space<vmem>>) target(%dma_start3A_258 : memref<10240x16xf32, #tpu.memory_space<vmem_shared>>) offsets(%dma_start3A_255 : memref<500xi32, #tpu.memory_space<vmem>>) semaphore(%arg30 : memref<!tpu.dma_semaphore, #tpu.memory_space<semaphore_mem>>) {add = true}
      %mul3A_259 = arith.constant 5 : i32
      %mul3A_260 = arith.muli %scan3A_189, %mul3A_259 : i32
      %add3A_261 = arith.constant 3 : i32
      %add3A_262 = arith.addi %mul3A_260, %add3A_261 : i32
      %add3A_263 = arith.constant 3 : i32
      %add3A_264 = arith.addi %add3A_262, %add3A_263 : i32
      %lt3A_265 = arith.constant 10 : i32
      %lt3A_266 = arith.cmpi slt, %add3A_264, %lt3A_265 : i32
      %convert_element_type3A_267 = arith.extui %lt3A_266 : i1 to i32
      %cond3A_268 = arith.constant 0 : i32
      %cond3A_269 = arith.cmpi ne, %convert_element_type3A_267, %cond3A_268 : i32
      scf.if %cond3A_269 {
        %ge3A = arith.constant 2 : i32
        %ge3A_306 = arith.cmpi sge, %add3A_262, %ge3A : i32
        %convert_element_type3A_307 = arith.extui %ge3A_306 : i1 to i32
        %cond3A_308 = arith.constant 0 : i32
        %cond3A_309 = arith.cmpi ne, %convert_element_type3A_307, %cond3A_308 : i32
        scf.if %cond3A_309 {
          %sub3A = arith.constant 2 : i32
          %sub3A_316 = arith.subi %add3A_262, %sub3A : i32
          %dma_wait3A_317 = arith.constant 0 : i32
          %dma_wait3A_318 = tpu.memref_slice %arg9[%sub3A_316, %dma_wait3A_317] : memref<10x500xi32, #tpu.memory_space<vmem>> -> memref<1x500xi32, #tpu.memory_space<vmem>>
          %dma_wait3A_319 = tpu.memref_squeeze %dma_wait3A_318 : memref<1x500xi32, #tpu.memory_space<vmem>> -> memref<500xi32, #tpu.memory_space<vmem>>
          %dma_wait3A_320 = arith.constant 0 : i32
          %dma_wait3A_321 = arith.constant 0 : i32
          %dma_wait3A_322 = tpu.memref_slice %arg22[%dma_wait3A_320, %dma_wait3A_321] : memref<10240x16xf32, #tpu.memory_space<vmem_shared>> -> memref<10240x16xf32, #tpu.memory_space<vmem_shared>>
          tpu.wait_indirect_dma semaphore(%arg29 : memref<!tpu.dma_semaphore, #tpu.memory_space<semaphore_mem>>) src(%arg11 : memref<500x16xf32, #tpu.memory_space<vmem>>) dst(%dma_wait3A_322 : memref<10240x16xf32, #tpu.memory_space<vmem_shared>>)
        } else {
        }
        %dma_start3A_310 = arith.constant 0 : i32
        %dma_start3A_311 = tpu.memref_slice %arg8[%add3A_264, %dma_start3A_310] : memref<10x500xi32, #tpu.memory_space<vmem>> -> memref<1x500xi32, #tpu.memory_space<vmem>>
        %dma_start3A_312 = tpu.memref_squeeze %dma_start3A_311 : memref<1x500xi32, #tpu.memory_space<vmem>> -> memref<500xi32, #tpu.memory_space<vmem>>
        %dma_start3A_313 = arith.constant 0 : i32
        %dma_start3A_314 = arith.constant 0 : i32
        %dma_start3A_315 = tpu.memref_slice %arg21[%dma_start3A_313, %dma_start3A_314] : memref<10240x16xf32, #tpu.memory_space<vmem_shared>> -> memref<10240x16xf32, #tpu.memory_space<vmem_shared>>
        tpu.enqueue_indirect_dma source(%dma_start3A_315 : memref<10240x16xf32, #tpu.memory_space<vmem_shared>>) target(%arg11 : memref<500x16xf32, #tpu.memory_space<vmem>>) offsets(%dma_start3A_312 : memref<500xi32, #tpu.memory_space<vmem>>) semaphore(%arg24 : memref<!tpu.dma_semaphore, #tpu.memory_space<semaphore_mem>>)
      } else {
      }
      %dma_wait3A_270 = arith.constant 0 : i32
      %dma_wait3A_271 = tpu.memref_slice %arg8[%add3A_262, %dma_wait3A_270] : memref<10x500xi32, #tpu.memory_space<vmem>> -> memref<1x500xi32, #tpu.memory_space<vmem>>
      %dma_wait3A_272 = tpu.memref_squeeze %dma_wait3A_271 : memref<1x500xi32, #tpu.memory_space<vmem>> -> memref<500xi32, #tpu.memory_space<vmem>>
      %dma_wait3A_273 = arith.constant 0 : i32
      %dma_wait3A_274 = arith.constant 0 : i32
      %dma_wait3A_275 = tpu.memref_slice %arg21[%dma_wait3A_273, %dma_wait3A_274] : memref<10240x16xf32, #tpu.memory_space<vmem_shared>> -> memref<10240x16xf32, #tpu.memory_space<vmem_shared>>
      tpu.wait_indirect_dma semaphore(%arg26 : memref<!tpu.dma_semaphore, #tpu.memory_space<semaphore_mem>>) src(%dma_wait3A_275 : memref<10240x16xf32, #tpu.memory_space<vmem_shared>>) dst(%arg13 : memref<500x16xf32, #tpu.memory_space<vmem>>)
      %dma_start3A_276 = arith.constant 0 : i32
      %dma_start3A_277 = tpu.memref_slice %arg9[%add3A_262, %dma_start3A_276] : memref<10x500xi32, #tpu.memory_space<vmem>> -> memref<1x500xi32, #tpu.memory_space<vmem>>
      %dma_start3A_278 = tpu.memref_squeeze %dma_start3A_277 : memref<1x500xi32, #tpu.memory_space<vmem>> -> memref<500xi32, #tpu.memory_space<vmem>>
      %dma_start3A_279 = arith.constant 0 : i32
      %dma_start3A_280 = arith.constant 0 : i32
      %dma_start3A_281 = tpu.memref_slice %arg22[%dma_start3A_279, %dma_start3A_280] : memref<10240x16xf32, #tpu.memory_space<vmem_shared>> -> memref<10240x16xf32, #tpu.memory_space<vmem_shared>>
      tpu.enqueue_indirect_dma source(%arg13 : memref<500x16xf32, #tpu.memory_space<vmem>>) target(%dma_start3A_281 : memref<10240x16xf32, #tpu.memory_space<vmem_shared>>) offsets(%dma_start3A_278 : memref<500xi32, #tpu.memory_space<vmem>>) semaphore(%arg31 : memref<!tpu.dma_semaphore, #tpu.memory_space<semaphore_mem>>) {add = true}
      %mul3A_282 = arith.constant 5 : i32
      %mul3A_283 = arith.muli %scan3A_189, %mul3A_282 : i32
      %add3A_284 = arith.constant 4 : i32
      %add3A_285 = arith.addi %mul3A_283, %add3A_284 : i32
      %add3A_286 = arith.constant 3 : i32
      %add3A_287 = arith.addi %add3A_285, %add3A_286 : i32
      %lt3A_288 = arith.constant 10 : i32
      %lt3A_289 = arith.cmpi slt, %add3A_287, %lt3A_288 : i32
      %convert_element_type3A_290 = arith.extui %lt3A_289 : i1 to i32
      %cond3A_291 = arith.constant 0 : i32
      %cond3A_292 = arith.cmpi ne, %convert_element_type3A_290, %cond3A_291 : i32
      scf.if %cond3A_292 {
        %ge3A = arith.constant 2 : i32
        %ge3A_306 = arith.cmpi sge, %add3A_285, %ge3A : i32
        %convert_element_type3A_307 = arith.extui %ge3A_306 : i1 to i32
        %cond3A_308 = arith.constant 0 : i32
        %cond3A_309 = arith.cmpi ne, %convert_element_type3A_307, %cond3A_308 : i32
        scf.if %cond3A_309 {
          %sub3A = arith.constant 2 : i32
          %sub3A_316 = arith.subi %add3A_285, %sub3A : i32
          %dma_wait3A_317 = arith.constant 0 : i32
          %dma_wait3A_318 = tpu.memref_slice %arg9[%sub3A_316, %dma_wait3A_317] : memref<10x500xi32, #tpu.memory_space<vmem>> -> memref<1x500xi32, #tpu.memory_space<vmem>>
          %dma_wait3A_319 = tpu.memref_squeeze %dma_wait3A_318 : memref<1x500xi32, #tpu.memory_space<vmem>> -> memref<500xi32, #tpu.memory_space<vmem>>
          %dma_wait3A_320 = arith.constant 0 : i32
          %dma_wait3A_321 = arith.constant 0 : i32
          %dma_wait3A_322 = tpu.memref_slice %arg22[%dma_wait3A_320, %dma_wait3A_321] : memref<10240x16xf32, #tpu.memory_space<vmem_shared>> -> memref<10240x16xf32, #tpu.memory_space<vmem_shared>>
          tpu.wait_indirect_dma semaphore(%arg30 : memref<!tpu.dma_semaphore, #tpu.memory_space<semaphore_mem>>) src(%arg12 : memref<500x16xf32, #tpu.memory_space<vmem>>) dst(%dma_wait3A_322 : memref<10240x16xf32, #tpu.memory_space<vmem_shared>>)
        } else {
        }
        %dma_start3A_310 = arith.constant 0 : i32
        %dma_start3A_311 = tpu.memref_slice %arg8[%add3A_287, %dma_start3A_310] : memref<10x500xi32, #tpu.memory_space<vmem>> -> memref<1x500xi32, #tpu.memory_space<vmem>>
        %dma_start3A_312 = tpu.memref_squeeze %dma_start3A_311 : memref<1x500xi32, #tpu.memory_space<vmem>> -> memref<500xi32, #tpu.memory_space<vmem>>
        %dma_start3A_313 = arith.constant 0 : i32
        %dma_start3A_314 = arith.constant 0 : i32
        %dma_start3A_315 = tpu.memref_slice %arg21[%dma_start3A_313, %dma_start3A_314] : memref<10240x16xf32, #tpu.memory_space<vmem_shared>> -> memref<10240x16xf32, #tpu.memory_space<vmem_shared>>
        tpu.enqueue_indirect_dma source(%dma_start3A_315 : memref<10240x16xf32, #tpu.memory_space<vmem_shared>>) target(%arg12 : memref<500x16xf32, #tpu.memory_space<vmem>>) offsets(%dma_start3A_312 : memref<500xi32, #tpu.memory_space<vmem>>) semaphore(%arg25 : memref<!tpu.dma_semaphore, #tpu.memory_space<semaphore_mem>>)
      } else {
      }
      %dma_wait3A_293 = arith.constant 0 : i32
      %dma_wait3A_294 = tpu.memref_slice %arg8[%add3A_285, %dma_wait3A_293] : memref<10x500xi32, #tpu.memory_space<vmem>> -> memref<1x500xi32, #tpu.memory_space<vmem>>
      %dma_wait3A_295 = tpu.memref_squeeze %dma_wait3A_294 : memref<1x500xi32, #tpu.memory_space<vmem>> -> memref<500xi32, #tpu.memory_space<vmem>>
      %dma_wait3A_296 = arith.constant 0 : i32
      %dma_wait3A_297 = arith.constant 0 : i32
      %dma_wait3A_298 = tpu.memref_slice %arg21[%dma_wait3A_296, %dma_wait3A_297] : memref<10240x16xf32, #tpu.memory_space<vmem_shared>> -> memref<10240x16xf32, #tpu.memory_space<vmem_shared>>
      tpu.wait_indirect_dma semaphore(%arg27 : memref<!tpu.dma_semaphore, #tpu.memory_space<semaphore_mem>>) src(%dma_wait3A_298 : memref<10240x16xf32, #tpu.memory_space<vmem_shared>>) dst(%arg14 : memref<500x16xf32, #tpu.memory_space<vmem>>)
      %dma_start3A_299 = arith.constant 0 : i32
      %dma_start3A_300 = tpu.memref_slice %arg9[%add3A_285, %dma_start3A_299] : memref<10x500xi32, #tpu.memory_space<vmem>> -> memref<1x500xi32, #tpu.memory_space<vmem>>
      %dma_start3A_301 = tpu.memref_squeeze %dma_start3A_300 : memref<1x500xi32, #tpu.memory_space<vmem>> -> memref<500xi32, #tpu.memory_space<vmem>>
      %dma_start3A_302 = arith.constant 0 : i32
      %dma_start3A_303 = arith.constant 0 : i32
      %dma_start3A_304 = tpu.memref_slice %arg22[%dma_start3A_302, %dma_start3A_303] : memref<10240x16xf32, #tpu.memory_space<vmem_shared>> -> memref<10240x16xf32, #tpu.memory_space<vmem_shared>>
      tpu.enqueue_indirect_dma source(%arg14 : memref<500x16xf32, #tpu.memory_space<vmem>>) target(%dma_start3A_304 : memref<10240x16xf32, #tpu.memory_space<vmem_shared>>) offsets(%dma_start3A_301 : memref<500xi32, #tpu.memory_space<vmem>>) semaphore(%arg32 : memref<!tpu.dma_semaphore, #tpu.memory_space<semaphore_mem>>) {add = true}
      %scan3A_305 = arith.constant 0 : i32
      scf.yield %scan3A_305 : i32
    }
    %scan3A_145 = arith.constant 2 : i32
    %dma_wait3A_146 = arith.constant 5 : i32
    %dma_wait3A_147 = arith.constant 0 : i32
    %dma_wait3A_148 = tpu.memref_slice %arg9[%dma_wait3A_146, %dma_wait3A_147] : memref<10x500xi32, #tpu.memory_space<vmem>> -> memref<1x500xi32, #tpu.memory_space<vmem>>
    %dma_wait3A_149 = tpu.memref_squeeze %dma_wait3A_148 : memref<1x500xi32, #tpu.memory_space<vmem>> -> memref<500xi32, #tpu.memory_space<vmem>>
    %dma_wait3A_150 = arith.constant 0 : i32
    %dma_wait3A_151 = arith.constant 0 : i32
    %dma_wait3A_152 = tpu.memref_slice %arg22[%dma_wait3A_150, %dma_wait3A_151] : memref<10240x16xf32, #tpu.memory_space<vmem_shared>> -> memref<10240x16xf32, #tpu.memory_space<vmem_shared>>
    tpu.wait_indirect_dma semaphore(%arg28 : memref<!tpu.dma_semaphore, #tpu.memory_space<semaphore_mem>>) src(%arg10 : memref<500x16xf32, #tpu.memory_space<vmem>>) dst(%dma_wait3A_152 : memref<10240x16xf32, #tpu.memory_space<vmem_shared>>)
    %dma_wait3A_153 = arith.constant 6 : i32
    %dma_wait3A_154 = arith.constant 0 : i32
    %dma_wait3A_155 = tpu.memref_slice %arg9[%dma_wait3A_153, %dma_wait3A_154] : memref<10x500xi32, #tpu.memory_space<vmem>> -> memref<1x500xi32, #tpu.memory_space<vmem>>
    %dma_wait3A_156 = tpu.memref_squeeze %dma_wait3A_155 : memref<1x500xi32, #tpu.memory_space<vmem>> -> memref<500xi32, #tpu.memory_space<vmem>>
    %dma_wait3A_157 = arith.constant 0 : i32
    %dma_wait3A_158 = arith.constant 0 : i32
    %dma_wait3A_159 = tpu.memref_slice %arg22[%dma_wait3A_157, %dma_wait3A_158] : memref<10240x16xf32, #tpu.memory_space<vmem_shared>> -> memref<10240x16xf32, #tpu.memory_space<vmem_shared>>
    tpu.wait_indirect_dma semaphore(%arg29 : memref<!tpu.dma_semaphore, #tpu.memory_space<semaphore_mem>>) src(%arg11 : memref<500x16xf32, #tpu.memory_space<vmem>>) dst(%dma_wait3A_159 : memref<10240x16xf32, #tpu.memory_space<vmem_shared>>)
    %dma_wait3A_160 = arith.constant 7 : i32
    %dma_wait3A_161 = arith.constant 0 : i32
    %dma_wait3A_162 = tpu.memref_slice %arg9[%dma_wait3A_160, %dma_wait3A_161] : memref<10x500xi32, #tpu.memory_space<vmem>> -> memref<1x500xi32, #tpu.memory_space<vmem>>
    %dma_wait3A_163 = tpu.memref_squeeze %dma_wait3A_162 : memref<1x500xi32, #tpu.memory_space<vmem>> -> memref<500xi32, #tpu.memory_space<vmem>>
    %dma_wait3A_164 = arith.constant 0 : i32
    %dma_wait3A_165 = arith.constant 0 : i32
    %dma_wait3A_166 = tpu.memref_slice %arg22[%dma_wait3A_164, %dma_wait3A_165] : memref<10240x16xf32, #tpu.memory_space<vmem_shared>> -> memref<10240x16xf32, #tpu.memory_space<vmem_shared>>
    tpu.wait_indirect_dma semaphore(%arg30 : memref<!tpu.dma_semaphore, #tpu.memory_space<semaphore_mem>>) src(%arg12 : memref<500x16xf32, #tpu.memory_space<vmem>>) dst(%dma_wait3A_166 : memref<10240x16xf32, #tpu.memory_space<vmem_shared>>)
    %dma_wait3A_167 = arith.constant 8 : i32
    %dma_wait3A_168 = arith.constant 0 : i32
    %dma_wait3A_169 = tpu.memref_slice %arg9[%dma_wait3A_167, %dma_wait3A_168] : memref<10x500xi32, #tpu.memory_space<vmem>> -> memref<1x500xi32, #tpu.memory_space<vmem>>
    %dma_wait3A_170 = tpu.memref_squeeze %dma_wait3A_169 : memref<1x500xi32, #tpu.memory_space<vmem>> -> memref<500xi32, #tpu.memory_space<vmem>>
    %dma_wait3A_171 = arith.constant 0 : i32
    %dma_wait3A_172 = arith.constant 0 : i32
    %dma_wait3A_173 = tpu.memref_slice %arg22[%dma_wait3A_171, %dma_wait3A_172] : memref<10240x16xf32, #tpu.memory_space<vmem_shared>> -> memref<10240x16xf32, #tpu.memory_space<vmem_shared>>
    tpu.wait_indirect_dma semaphore(%arg31 : memref<!tpu.dma_semaphore, #tpu.memory_space<semaphore_mem>>) src(%arg13 : memref<500x16xf32, #tpu.memory_space<vmem>>) dst(%dma_wait3A_173 : memref<10240x16xf32, #tpu.memory_space<vmem_shared>>)
    %dma_wait3A_174 = arith.constant 9 : i32
    %dma_wait3A_175 = arith.constant 0 : i32
    %dma_wait3A_176 = tpu.memref_slice %arg9[%dma_wait3A_174, %dma_wait3A_175] : memref<10x500xi32, #tpu.memory_space<vmem>> -> memref<1x500xi32, #tpu.memory_space<vmem>>
    %dma_wait3A_177 = tpu.memref_squeeze %dma_wait3A_176 : memref<1x500xi32, #tpu.memory_space<vmem>> -> memref<500xi32, #tpu.memory_space<vmem>>
    %dma_wait3A_178 = arith.constant 0 : i32
    %dma_wait3A_179 = arith.constant 0 : i32
    %dma_wait3A_180 = tpu.memref_slice %arg22[%dma_wait3A_178, %dma_wait3A_179] : memref<10240x16xf32, #tpu.memory_space<vmem_shared>> -> memref<10240x16xf32, #tpu.memory_space<vmem_shared>>
    tpu.wait_indirect_dma semaphore(%arg32 : memref<!tpu.dma_semaphore, #tpu.memory_space<semaphore_mem>>) src(%arg14 : memref<500x16xf32, #tpu.memory_space<vmem>>) dst(%dma_wait3A_180 : memref<10240x16xf32, #tpu.memory_space<vmem_shared>>)
    %barrier3A_181 = arith.constant 0 : index
    tpu.barrier barrier_id(%barrier3A_181)
    "tpu.region"() ({
      %run_scoped3A = tpu.sem_alloc : memref<!tpu.dma_semaphore, #tpu.memory_space<semaphore_mem>>
      %dma_start3A_189 = arith.constant 0 : i32
      %dma_start3A_190 = tpu.memref_slice %arg22[%mul3A_2, %dma_start3A_189] : memref<10240x16xf32, #tpu.memory_space<vmem_shared>> -> memref<625x16xf32, #tpu.memory_space<vmem_shared>>
      %dma_start3A_191 = arith.constant 0 : i32
      %dma_start3A_192 = tpu.memref_slice %arg22[%mul3A_2, %dma_start3A_191] : memref<10240x16xf32, #tpu.memory_space<vmem_shared>> -> memref<625x16xf32, #tpu.memory_space<vmem_shared>>
      tpu.enqueue_dma source(%dma_start3A_192 : memref<625x16xf32, #tpu.memory_space<vmem_shared>>) target(%arg15 : memref<625x16xf32, #tpu.memory_space<vmem>>) target_semaphore(%run_scoped3A : memref<!tpu.dma_semaphore, #tpu.memory_space<semaphore_mem>>)
      %dma_wait3A_193 = arith.constant 0 : i32
      %dma_wait3A_194 = tpu.memref_slice %arg22[%mul3A_2, %dma_wait3A_193] : memref<10240x16xf32, #tpu.memory_space<vmem_shared>> -> memref<625x16xf32, #tpu.memory_space<vmem_shared>>
      %dma_wait3A_195 = arith.constant 0 : i32
      %dma_wait3A_196 = tpu.memref_slice %arg22[%mul3A_2, %dma_wait3A_195] : memref<10240x16xf32, #tpu.memory_space<vmem_shared>> -> memref<625x16xf32, #tpu.memory_space<vmem_shared>>
      tpu.wait_dma2 semaphore(%run_scoped3A : memref<!tpu.dma_semaphore, #tpu.memory_space<semaphore_mem>>) src(%dma_wait3A_196 : memref<625x16xf32, #tpu.memory_space<vmem_shared>>) dst(%arg15 : memref<625x16xf32, #tpu.memory_space<vmem>>)
      tpu.yield
    }) : () -> ()
    %scan3A_182 = arith.constant 0 : i32
    %scan3A_183 = arith.constant 0 : i32
    %scan3A_184 = arith.constant 625 : i32
    %scan3A_185 = arith.addi %scan3A_183, %scan3A_184 : i32
    %scan3A_186 = arith.constant 5 : i32
    %scan3A_187 = scf.for %scan3A_189 = %scan3A_183 to %scan3A_185 step %scan3A_186 iter_args(%scan3A_190 = %scan3A_182) -> (i32)  : i32 {
      %get3A = arith.index_cast %scan3A_189 : i32 to index
      %get3A_191 = arith.constant 0 : index
      %get3A_192 = tpu.vector_load %arg15[%get3A, %get3A_191] {strides = array<i32>} : memref<625x16xf32, #tpu.memory_space<vmem>>, vector<1x16xf32>,
      %get3A_193 = vector.shape_cast %get3A_192 : vector<1x16xf32> to vector<16xf32>
      %get3A_194 = arith.index_cast %scan3A_189 : i32 to index
      %get3A_195 = arith.constant 0 : index
      %get3A_196 = tpu.vector_load %arg17[%get3A_194, %get3A_195] {strides = array<i32>} : memref<625x16xf32, #tpu.memory_space<vmem>>, vector<1x16xf32>,
      %get3A_197 = vector.shape_cast %get3A_196 : vector<1x16xf32> to vector<16xf32>
      %mul3A_198 = arith.mulf %get3A_193, %get3A_197 : vector<16xf32>
      %swap3A = arith.index_cast %scan3A_189 : i32 to index
      %swap3A_199 = arith.constant 0 : index
      %swap3A_200 = tpu.vector_load %arg15[%swap3A, %swap3A_199] {strides = array<i32>} : memref<625x16xf32, #tpu.memory_space<vmem>>, vector<1x16xf32>,
      %swap3A_201 = vector.shape_cast %swap3A_200 : vector<1x16xf32> to vector<16xf32>
      %swap3A_202 = vector.shape_cast %mul3A_198 : vector<16xf32> to vector<1x16xf32>
      tpu.vector_store %arg15[%swap3A, %swap3A_199], %swap3A_202 {strides = array<i32>} : memref<625x16xf32, #tpu.memory_space<vmem>>, vector<1x16xf32>,
      %scan3A_203 = arith.constant 0 : i32
      %scan3A_204 = arith.constant 1 : i32
      %scan3A_205 = arith.addi %scan3A_189, %scan3A_204 : i32
      %get3A_206 = arith.index_cast %scan3A_205 : i32 to index
      %get3A_207 = arith.constant 0 : index
      %get3A_208 = tpu.vector_load %arg15[%get3A_206, %get3A_207] {strides = array<i32>} : memref<625x16xf32, #tpu.memory_space<vmem>>, vector<1x16xf32>,
      %get3A_209 = vector.shape_cast %get3A_208 : vector<1x16xf32> to vector<16xf32>
      %get3A_210 = arith.index_cast %scan3A_205 : i32 to index
      %get3A_211 = arith.constant 0 : index
      %get3A_212 = tpu.vector_load %arg17[%get3A_210, %get3A_211] {strides = array<i32>} : memref<625x16xf32, #tpu.memory_space<vmem>>, vector<1x16xf32>,
      %get3A_213 = vector.shape_cast %get3A_212 : vector<1x16xf32> to vector<16xf32>
      %mul3A_214 = arith.mulf %get3A_209, %get3A_213 : vector<16xf32>
      %swap3A_215 = arith.index_cast %scan3A_205 : i32 to index
      %swap3A_216 = arith.constant 0 : index
      %swap3A_217 = tpu.vector_load %arg15[%swap3A_215, %swap3A_216] {strides = array<i32>} : memref<625x16xf32, #tpu.memory_space<vmem>>, vector<1x16xf32>,
      %swap3A_218 = vector.shape_cast %swap3A_217 : vector<1x16xf32> to vector<16xf32>
      %swap3A_219 = vector.shape_cast %mul3A_214 : vector<16xf32> to vector<1x16xf32>
      tpu.vector_store %arg15[%swap3A_215, %swap3A_216], %swap3A_219 {strides = array<i32>} : memref<625x16xf32, #tpu.memory_space<vmem>>, vector<1x16xf32>,
      %scan3A_220 = arith.constant 0 : i32
      %scan3A_221 = arith.constant 2 : i32
      %scan3A_222 = arith.addi %scan3A_189, %scan3A_221 : i32
      %get3A_223 = arith.index_cast %scan3A_222 : i32 to index
      %get3A_224 = arith.constant 0 : index
      %get3A_225 = tpu.vector_load %arg15[%get3A_223, %get3A_224] {strides = array<i32>} : memref<625x16xf32, #tpu.memory_space<vmem>>, vector<1x16xf32>,
      %get3A_226 = vector.shape_cast %get3A_225 : vector<1x16xf32> to vector<16xf32>
      %get3A_227 = arith.index_cast %scan3A_222 : i32 to index
      %get3A_228 = arith.constant 0 : index
      %get3A_229 = tpu.vector_load %arg17[%get3A_227, %get3A_228] {strides = array<i32>} : memref<625x16xf32, #tpu.memory_space<vmem>>, vector<1x16xf32>,
      %get3A_230 = vector.shape_cast %get3A_229 : vector<1x16xf32> to vector<16xf32>
      %mul3A_231 = arith.mulf %get3A_226, %get3A_230 : vector<16xf32>
      %swap3A_232 = arith.index_cast %scan3A_222 : i32 to index
      %swap3A_233 = arith.constant 0 : index
      %swap3A_234 = tpu.vector_load %arg15[%swap3A_232, %swap3A_233] {strides = array<i32>} : memref<625x16xf32, #tpu.memory_space<vmem>>, vector<1x16xf32>,
      %swap3A_235 = vector.shape_cast %swap3A_234 : vector<1x16xf32> to vector<16xf32>
      %swap3A_236 = vector.shape_cast %mul3A_231 : vector<16xf32> to vector<1x16xf32>
      tpu.vector_store %arg15[%swap3A_232, %swap3A_233], %swap3A_236 {strides = array<i32>} : memref<625x16xf32, #tpu.memory_space<vmem>>, vector<1x16xf32>,
      %scan3A_237 = arith.constant 0 : i32
      %scan3A_238 = arith.constant 3 : i32
      %scan3A_239 = arith.addi %scan3A_189, %scan3A_238 : i32
      %get3A_240 = arith.index_cast %scan3A_239 : i32 to index
      %get3A_241 = arith.constant 0 : index
      %get3A_242 = tpu.vector_load %arg15[%get3A_240, %get3A_241] {strides = array<i32>} : memref<625x16xf32, #tpu.memory_space<vmem>>, vector<1x16xf32>,
      %get3A_243 = vector.shape_cast %get3A_242 : vector<1x16xf32> to vector<16xf32>
      %get3A_244 = arith.index_cast %scan3A_239 : i32 to index
      %get3A_245 = arith.constant 0 : index
      %get3A_246 = tpu.vector_load %arg17[%get3A_244, %get3A_245] {strides = array<i32>} : memref<625x16xf32, #tpu.memory_space<vmem>>, vector<1x16xf32>,
      %get3A_247 = vector.shape_cast %get3A_246 : vector<1x16xf32> to vector<16xf32>
      %mul3A_248 = arith.mulf %get3A_243, %get3A_247 : vector<16xf32>
      %swap3A_249 = arith.index_cast %scan3A_239 : i32 to index
      %swap3A_250 = arith.constant 0 : index
      %swap3A_251 = tpu.vector_load %arg15[%swap3A_249, %swap3A_250] {strides = array<i32>} : memref<625x16xf32, #tpu.memory_space<vmem>>, vector<1x16xf32>,
      %swap3A_252 = vector.shape_cast %swap3A_251 : vector<1x16xf32> to vector<16xf32>
      %swap3A_253 = vector.shape_cast %mul3A_248 : vector<16xf32> to vector<1x16xf32>
      tpu.vector_store %arg15[%swap3A_249, %swap3A_250], %swap3A_253 {strides = array<i32>} : memref<625x16xf32, #tpu.memory_space<vmem>>, vector<1x16xf32>,
      %scan3A_254 = arith.constant 0 : i32
      %scan3A_255 = arith.constant 4 : i32
      %scan3A_256 = arith.addi %scan3A_189, %scan3A_255 : i32
      %get3A_257 = arith.index_cast %scan3A_256 : i32 to index
      %get3A_258 = arith.constant 0 : index
      %get3A_259 = tpu.vector_load %arg15[%get3A_257, %get3A_258] {strides = array<i32>} : memref<625x16xf32, #tpu.memory_space<vmem>>, vector<1x16xf32>,
      %get3A_260 = vector.shape_cast %get3A_259 : vector<1x16xf32> to vector<16xf32>
      %get3A_261 = arith.index_cast %scan3A_256 : i32 to index
      %get3A_262 = arith.constant 0 : index
      %get3A_263 = tpu.vector_load %arg17[%get3A_261, %get3A_262] {strides = array<i32>} : memref<625x16xf32, #tpu.memory_space<vmem>>, vector<1x16xf32>,
      %get3A_264 = vector.shape_cast %get3A_263 : vector<1x16xf32> to vector<16xf32>
      %mul3A_265 = arith.mulf %get3A_260, %get3A_264 : vector<16xf32>
      %swap3A_266 = arith.index_cast %scan3A_256 : i32 to index
      %swap3A_267 = arith.constant 0 : index
      %swap3A_268 = tpu.vector_load %arg15[%swap3A_266, %swap3A_267] {strides = array<i32>} : memref<625x16xf32, #tpu.memory_space<vmem>>, vector<1x16xf32>,
      %swap3A_269 = vector.shape_cast %swap3A_268 : vector<1x16xf32> to vector<16xf32>
      %swap3A_270 = vector.shape_cast %mul3A_265 : vector<16xf32> to vector<1x16xf32>
      tpu.vector_store %arg15[%swap3A_266, %swap3A_267], %swap3A_270 {strides = array<i32>} : memref<625x16xf32, #tpu.memory_space<vmem>>, vector<1x16xf32>,
      %scan3A_271 = arith.constant 0 : i32
      scf.yield %scan3A_271 : i32
    }
    %scan3A_188 = arith.constant 625 : i32
    "tpu.region"() ({
      %run_scoped3A = tpu.sem_alloc : memref<!tpu.dma_semaphore, #tpu.memory_space<semaphore_mem>>
      %dma_start3A_189 = arith.constant 0 : i32
      %dma_start3A_190 = tpu.memref_slice %arg7[%arg0, %mul3A_2, %dma_start3A_189] : memref<2x10240x16xf32, #tpu.memory_space<hbm>> -> memref<1x625x16xf32, #tpu.memory_space<hbm>>
      %dma_start3A_191 = tpu.memref_squeeze %dma_start3A_190 : memref<1x625x16xf32, #tpu.memory_space<hbm>> -> memref<625x16xf32, #tpu.memory_space<hbm>>
      %dma_start3A_192 = arith.constant 0 : i32
      %dma_start3A_193 = tpu.memref_slice %arg7[%arg0, %mul3A_2, %dma_start3A_192] : memref<2x10240x16xf32, #tpu.memory_space<hbm>> -> memref<1x625x16xf32, #tpu.memory_space<hbm>>
      %dma_start3A_194 = tpu.memref_squeeze %dma_start3A_193 : memref<1x625x16xf32, #tpu.memory_space<hbm>> -> memref<625x16xf32, #tpu.memory_space<hbm>>
      tpu.enqueue_dma source(%arg15 : memref<625x16xf32, #tpu.memory_space<vmem>>) target(%dma_start3A_194 : memref<625x16xf32, #tpu.memory_space<hbm>>) target_semaphore(%run_scoped3A : memref<!tpu.dma_semaphore, #tpu.memory_space<semaphore_mem>>)
      %dma_wait3A_195 = arith.constant 0 : i32
      %dma_wait3A_196 = tpu.memref_slice %arg7[%arg0, %mul3A_2, %dma_wait3A_195] : memref<2x10240x16xf32, #tpu.memory_space<hbm>> -> memref<1x625x16xf32, #tpu.memory_space<hbm>>
      %dma_wait3A_197 = tpu.memref_squeeze %dma_wait3A_196 : memref<1x625x16xf32, #tpu.memory_space<hbm>> -> memref<625x16xf32, #tpu.memory_space<hbm>>
      %dma_wait3A_198 = arith.constant 0 : i32
      %dma_wait3A_199 = tpu.memref_slice %arg7[%arg0, %mul3A_2, %dma_wait3A_198] : memref<2x10240x16xf32, #tpu.memory_space<hbm>> -> memref<1x625x16xf32, #tpu.memory_space<hbm>>
      %dma_wait3A_200 = tpu.memref_squeeze %dma_wait3A_199 : memref<1x625x16xf32, #tpu.memory_space<hbm>> -> memref<625x16xf32, #tpu.memory_space<hbm>>
      tpu.wait_dma2 semaphore(%run_scoped3A : memref<!tpu.dma_semaphore, #tpu.memory_space<semaphore_mem>>) src(%arg15 : memref<625x16xf32, #tpu.memory_space<vmem>>) dst(%dma_wait3A_200 : memref<625x16xf32, #tpu.memory_space<hbm>>)
      tpu.yield
    }) : () -> ()
    return
  }
}

module attributes {stable_mosaic.version = 14 : i64} {
  func.func @body(%arg0: i32, %arg1: memref<2000x256xf32, #tpu.memory_space<vmem>>, %arg2: memref<16x256xf32, #tpu.memory_space<vmem>>, %arg3: memref<1x16xf32, #tpu.memory_space<vmem>>, %arg4: memref<2000x16xf32, #tpu.memory_space<vmem>>) attributes {dimension_semantics = [#tpu.dimension_semantics<arbitrary>], iteration_bounds = array<i64: 5>, scalar_prefetch = 0 : i64, scratch_operands = 0 : i64, tpu.core_type = #tpu.core_type<tc>, window_params = [{transform_indices = @transform_0, window_bounds = array<i64: 2000, 256>}, {pipeline_mode = #tpu.pipeline_mode<synchronous>, transform_indices = @transform_1, window_bounds = array<i64: 16, 256>}, {pipeline_mode = #tpu.pipeline_mode<synchronous>, transform_indices = @transform_2, window_bounds = array<i64: 1, 16>}, {transform_indices = @transform_3, window_bounds = array<i64: 2000, 16>}]} {
    %get3A = arith.constant 0 : index
    %get3A_0 = arith.constant 0 : index
    %get3A_1 = vector.load %arg1[%get3A, %get3A_0] : memref<2000x256xf32, #tpu.memory_space<vmem>>, vector<2000x256xf32>
    %get3A_2 = arith.constant 0 : index
    %get3A_3 = arith.constant 0 : index
    %get3A_4 = vector.load %arg2[%get3A_2, %get3A_3] : memref<16x256xf32, #tpu.memory_space<vmem>>, vector<16x256xf32>
    %dot_general3A = arith.constant dense<0.000000e+00> : vector<2000x16xf32>
    %dot_general3A_5 = tpu.matmul %get3A_1, %get3A_4, %dot_general3A {dimension_numbers = #tpu.dot_dimension_numbers<[1], [1], [0], [0], [0, 0, 1, 0], [], []>, transpose_lhs_hint = false} : vector<2000x256xf32>, vector<16x256xf32>, vector<2000x16xf32> -> vector<2000x16xf32>
    %get3A_6 = arith.constant 0 : index
    %get3A_7 = arith.constant 0 : index
    %get3A_8 = vector.load %arg3[%get3A_6, %get3A_7] : memref<1x16xf32, #tpu.memory_space<vmem>>, vector<1x16xf32>
    %add3A = vector.broadcast %get3A_8 : vector<1x16xf32> to vector<2000x16xf32>
    %add3A_9 = arith.addf %dot_general3A_5, %add3A : vector<2000x16xf32>
    %swap3A = arith.constant 0 : index
    %swap3A_10 = arith.constant 0 : index
    %swap3A_11 = vector.load %arg4[%swap3A, %swap3A_10] : memref<2000x16xf32, #tpu.memory_space<vmem>>, vector<2000x16xf32>
    tpu.vector_store %arg4[%swap3A, %swap3A_10], %add3A_9 {strides = array<i32>} : memref<2000x16xf32, #tpu.memory_space<vmem>>, vector<2000x16xf32>,
    return
  }
  func.func @transform_0(%arg0: i32) -> (i32, i32) {
    %c0_i32 = arith.constant 0 : i32
    %c0_i32_0 = arith.constant 0 : i32
    return %arg0, %c0_i32 : i32, i32
  }
  func.func @transform_1(%arg0: i32) -> (i32, i32) {
    %c0_i32 = arith.constant 0 : i32
    %c0_i32_0 = arith.constant 0 : i32
    %c0_i32_1 = arith.constant 0 : i32
    return %c0_i32, %c0_i32_0 : i32, i32
  }
  func.func @transform_2(%arg0: i32) -> (i32, i32) {
    %c0_i32 = arith.constant 0 : i32
    %c0_i32_0 = arith.constant 0 : i32
    %c0_i32_1 = arith.constant 0 : i32
    return %c0_i32, %c0_i32_0 : i32, i32
  }
  func.func @transform_3(%arg0: i32) -> (i32, i32) {
    %c0_i32 = arith.constant 0 : i32
    %c0_i32_0 = arith.constant 0 : i32
    return %arg0, %c0_i32 : i32, i32
  }
}

module attributes {stable_mosaic.version = 14 : i64} {
  func.func @body(%arg0: memref<2x10240x16xf32, #tpu.memory_space<vmem>>, %arg1: memref<10000x16xf32, #tpu.memory_space<vmem>>, %arg2: memref<40x16xf32, #tpu.memory_space<vmem>>, %arg3: memref<40x1xf32, #tpu.memory_space<vmem>>, %arg4: memref<40x16xf32, #tpu.memory_space<vmem>>, %arg5: memref<40x10000xf32, #tpu.memory_space<vmem>>) attributes {dimension_semantics = [], scalar_prefetch = 0 : i64, scratch_operands = 0 : i64, tpu.core_type = #tpu.core_type<tc>} {
    %get3A = arith.constant 0 : index
    %get3A_0 = arith.constant 0 : index
    %get3A_1 = arith.constant 0 : index
    %get3A_2 = vector.load %arg0[%get3A, %get3A_0, %get3A_1] : memref<2x10240x16xf32, #tpu.memory_space<vmem>>, vector<1x10000x16xf32>
    %get3A_3 = vector.shape_cast %get3A_2 : vector<1x10000x16xf32> to vector<10000x16xf32>
    %get3A_4 = arith.constant 1 : index
    %get3A_5 = arith.constant 0 : index
    %get3A_6 = arith.constant 0 : index
    %get3A_7 = vector.load %arg0[%get3A_4, %get3A_5, %get3A_6] : memref<2x10240x16xf32, #tpu.memory_space<vmem>>, vector<1x10000x16xf32>
    %get3A_8 = vector.shape_cast %get3A_7 : vector<1x10000x16xf32> to vector<10000x16xf32>
    %add3A = arith.addf %get3A_3, %get3A_8 : vector<10000x16xf32>
    %get3A_9 = arith.constant 0 : index
    %get3A_10 = arith.constant 0 : index
    %get3A_11 = vector.load %arg2[%get3A_9, %get3A_10] : memref<40x16xf32, #tpu.memory_space<vmem>>, vector<40x16xf32>
    %dot_general3A = arith.constant dense<0.000000e+00> : vector<40x10000xf32>
    %dot_general3A_12 = tpu.matmul %get3A_11, %add3A, %dot_general3A {dimension_numbers = #tpu.dot_dimension_numbers<[1], [1], [0], [0], [0, 0, 1, 0], [], []>, transpose_lhs_hint = false} : vector<40x16xf32>, vector<10000x16xf32>, vector<40x10000xf32> -> vector<40x10000xf32>
    %get3A_13 = arith.constant 0 : index
    %get3A_14 = arith.constant 0 : index
    %get3A_15 = vector.load %arg3[%get3A_13, %get3A_14] : memref<40x1xf32, #tpu.memory_space<vmem>>, vector<40x1xf32>
    %add3A_16 = vector.broadcast %get3A_15 : vector<40x1xf32> to vector<40x10000xf32>
    %add3A_17 = arith.addf %dot_general3A_12, %add3A_16 : vector<40x10000xf32>
    %get3A_18 = arith.constant 0 : index
    %get3A_19 = arith.constant 0 : index
    %get3A_20 = vector.load %arg4[%get3A_18, %get3A_19] : memref<40x16xf32, #tpu.memory_space<vmem>>, vector<40x16xf32>
    %get3A_21 = arith.constant 0 : index
    %get3A_22 = arith.constant 0 : index
    %get3A_23 = vector.load %arg1[%get3A_21, %get3A_22] : memref<10000x16xf32, #tpu.memory_space<vmem>>, vector<10000x16xf32>
    %dot_general3A_24 = arith.constant dense<0.000000e+00> : vector<40x10000xf32>
    %dot_general3A_25 = tpu.matmul %get3A_20, %get3A_23, %dot_general3A_24 {dimension_numbers = #tpu.dot_dimension_numbers<[1], [1], [0], [0], [0, 0, 1, 0], [], []>, transpose_lhs_hint = false} : vector<40x16xf32>, vector<10000x16xf32>, vector<40x10000xf32> -> vector<40x10000xf32>
    %add3A_26 = arith.addf %add3A_17, %dot_general3A_25 : vector<40x10000xf32>
    %reduce_max3A = arith.constant dense<0xFF800000> : vector<10000xf32>
    %reduce_max3A_27 = vector.multi_reduction <maximumf>, %add3A_26, %reduce_max3A [0] : vector<40x10000xf32> to vector<10000xf32>
    %broadcast_in_dim3A = vector.shape_cast %reduce_max3A_27 : vector<10000xf32> to vector<1x10000xf32>
    %sub3A = vector.broadcast %broadcast_in_dim3A : vector<1x10000xf32> to vector<40x10000xf32>
    %sub3A_28 = arith.subf %add3A_26, %sub3A : vector<40x10000xf32>
    %exp3A = math.exp %sub3A_28 : vector<40x10000xf32>
    %reduce_sum3A = arith.constant dense<0.000000e+00> : vector<10000xf32>
    %reduce_sum3A_29 = vector.multi_reduction <add>, %exp3A, %reduce_sum3A [0] : vector<40x10000xf32> to vector<10000xf32>
    %broadcast_in_dim3A_30 = vector.shape_cast %reduce_sum3A_29 : vector<10000xf32> to vector<1x10000xf32>
    %log3A = math.log %broadcast_in_dim3A_30 : vector<1x10000xf32>
    %add3A_31 = arith.addf %broadcast_in_dim3A, %log3A : vector<1x10000xf32>
    %sub3A_32 = vector.broadcast %add3A_31 : vector<1x10000xf32> to vector<40x10000xf32>
    %sub3A_33 = arith.subf %add3A_26, %sub3A_32 : vector<40x10000xf32>
    %swap3A = arith.constant 0 : index
    %swap3A_34 = arith.constant 0 : index
    %swap3A_35 = vector.load %arg5[%swap3A, %swap3A_34] : memref<40x10000xf32, #tpu.memory_space<vmem>>, vector<40x10000xf32>
    tpu.vector_store %arg5[%swap3A, %swap3A_34], %sub3A_33 {strides = array<i32>} : memref<40x10000xf32, #tpu.memory_space<vmem>>, vector<40x10000xf32>,
    return
  }
}

</mosaic_0001>

<sc_bundles>
// kernel: kernel.10.cloned.1.call-start
scs
__scs_entry_jumppad:
0x0: {  	(pc) =	sbr.rel $0x88, $3  }
0x1: {  	(tag) =	ssettag $0x0;
	lr =	simm.s32 $0x1  }
0x2: {  	[smem:$0x3F99] =	sst lr;
	_ =	strace $0xD0000000  }
0x3: {  	_ = 	snop  }
0x4: {  	_ = 	snop  }
0x5: {  	_ = 	snop  }
0x6: {  	_ = 	snop  }
0x7: {  	_ = 	snop  }
__scs_overlays_trampoline_lowered:
0x8: {  	[smem:$0x3FA8] =	sst s0  }
0x9: {  	[smem:$0x3FA9] =	sst s1  }
0xa: {  	[smem:$0x3FAA] =	sst s2  }
0xb: {  	[smem:$0x3FAB] =	sst s3  }
0xc: {  	[smem:$0x3FAC] =	sst s4  }
0xd: {  	[smem:$0x3FAD] =	sst s5  }
0xe: {  	[smem:$0x3FAE] =	sst s6  }
0xf: {  	[smem:$0x3FAF] =	sst s7  }
0x10: {  	[smem:$0x3FB0] =	sst s8  }
0x11: {  	[smem:$0x3FB1] =	sst s9;
	s0 =	simm.s32 @!p0 $0x0  }
0x12: {  	s1 =	sld [smem:$0x3F97];
	s0 =	simm.s32 @p0 $0x1  }
0x13: {  	[smem:$0x3FB2] =	sst s0;
	s0 =	simm.s32 @!p1 $0x0  }
0x14: {  	s2 =	sld [smem:$0x3F96];
	s0 =	simm.s32 @p1 $0x1  }
0x15: {  	[smem:$0x3FB3] =	sst s0;
	s0 =	simm.s32 @!p2 $0x0  }
0x16: {  	s3 =	sld [smem:$0x3FDB];
	s0 =	simm.s32 @p2 $0x1  }
0x17: {  	s4 =	simm.s32 $0x1BF5;
	[smem:$0x3FB5] =	sst s0  }
0x18: {  	s0 =	sld [smem:$0x3F98];
	_ =	swait.ge [sflag:s4], $0x0  }
0x19: {  	s7 =	sld [smem:$0x3F99]  }
0x1a: {  	s8 =	sadd.s32 $0xFFFFE003, lr  }
0x1b: {  	s9 =	sadd.s32 $0xFFFFFEF7, lr;
	s5 =	simm.s32 $0xFFFFFFFF;
	p2 =	slt.u32 s8, $0xFFFFF086  }
0x1c: {  	p1 =	slt.u32 s9, $0xF7A;
	s5 =	simm.s32 @!p2 $0x0  }
0x1d: {  	s5 =	simm.s32 @p1 $0x1;
	p0 =	seq.s32 s7, s2  }
0x1e: {  	s7 =	smul.u32 @!p0 $0xF7A, s2;
	p2 =	seq.s32 @!p0 s5, $0x0  }
0x1f: {  	s9 =	smul.u32 $0xF7A, s1;
	s8 =	simm.s32 @!p0 $0x1BF5;
	p2 =	por !p2, p0  }
0x20: {  	[sflag:s8] =	ssyncset.s32 @!p0 $0xFFFFF086;
	s6 =	sadd.s32 @!p0 s3, s7;
	s7 =	simm.s32 @!p0 $0x108  }
0x21: {  	s3 =	sadd.s32 s3, s9;
	s6 =	sadd.s32 @!p0 $0x88, s6;
	s7 =	simm.s32 @p2 $0x1082  }
0x22: {  	[simem:s7], [sflag:s8] =	dma.local @!p0 [hbm:s6], $0xF7A  }
0x23: {  	s9 =	sor.u32 $0xD0000000, s2;
	s6 =	simm.s32 $0x108;
	_ =	swait.ge @!p0 [sflag:s8], $0x0  }
0x24: {  	s3 =	sadd.s32 $0x88, s3;
	s6 =	simm.s32 @!p1 $0x1082;
	[sflag:s4] =	ssyncset.s32 $0xFFFFF086  }
0x25: {  	[simem:s6], [sflag:s4] =	dma.local [hbm:s3], $0xF7A  }
0x26: {  	[smem:$0x3F99] =	sst s1;
	(tag) =	ssettag s2;
	_ =	strace s9  }
0x27: {  	s1 =	sld [smem:$0x3FA9]  }
0x28: {  	s2 =	sld [smem:$0x3FAA]  }
0x29: {  	s4 =	sld [smem:$0x3FAC]  }
0x2a: {  	p0 =	seq.s32 s5, $0x0;
	s5 =	sld [smem:$0x3FAD]  }
0x2b: {  	s6 =	sld [smem:$0x3FAE]  }
0x2c: {  	s7 =	sld [smem:$0x3FAF]  }
0x2d: {  	s3 =	simm.s32 $0x108;
	s8 =	sld [smem:$0x3FB0]  }
0x2e: {  	s3 =	simm.s32 @!p0 $0x1082;
	s9 =	sld [smem:$0x3FB1]  }
0x2f: {  	lr =	sadd.s32 s0, s3;
	s0 =	sld [smem:$0x3FA8]  }
0x30: {  	s3 =	sld [smem:$0x3FAB]  }
0x31: {  	[smem:$0x3FB4] =	sst s10  }
0x32: {  	s10 =	sld [smem:$0x3FB2];
	_ =	sdelay $0x3  }
0x33: {  	p0 =	seq.s32 s10, $0x1;
	s10 =	sld [smem:$0x3FB4];
	_ =	sdelay $0x3  }
0x34: {  	[smem:$0x3FB4] =	sst s10  }
0x35: {  	s10 =	sld [smem:$0x3FB3];
	_ =	sdelay $0x3  }
0x36: {  	p1 =	seq.s32 s10, $0x1;
	s10 =	sld [smem:$0x3FB4];
	_ =	sdelay $0x3  }
0x37: {  	[smem:$0x3FB4] =	sst s10  }
0x38: {  	s10 =	sld [smem:$0x3FB5]  }
0x39: {  	_ = 	snop;
	(pc) =	sbr.ind lr, $3  }
0x3a: {  	_ = 	snop  }
0x3b: {  	_ = 	snop  }
0x3c: {  	p2 =	seq.s32 s10, $0x1;
	s10 =	sld [smem:$0x3FB4]  }
0x3d: {  	_ =	shalt  }
0x3e: {  	_ =	shalt  }
0x3f: {  	_ =	shalt  }
0x40: {  	_ =	shalt  }
0x41: {  	_ =	shalt  }
0x42: {  	_ =	shalt  }
0x43: {  	_ =	shalt  }
0x44: {  	_ =	shalt  }
0x45: {  	_ =	shalt  }
0x46: {  	_ =	shalt  }
0x47: {  	_ =	shalt  }
0x48: {  	_ =	shalt  }
0x49: {  	_ =	shalt  }
0x4a: {  	_ =	shalt  }
0x4b: {  	_ =	shalt  }
0x4c: {  	_ =	shalt  }
0x4d: {  	_ =	shalt  }
0x4e: {  	_ =	shalt  }
0x4f: {  	_ =	shalt  }
0x50: {  	_ =	shalt  }
0x51: {  	_ =	shalt  }
0x52: {  	_ =	shalt  }
0x53: {  	_ =	shalt  }
0x54: {  	_ =	shalt  }
0x55: {  	_ =	shalt  }
0x56: {  	_ =	shalt  }
0x57: {  	_ =	shalt  }
0x58: {  	_ =	shalt  }
0x59: {  	_ =	shalt  }
0x5a: {  	_ =	shalt  }
0x5b: {  	_ =	shalt  }
0x5c: {  	_ =	shalt  }
0x5d: {  	_ =	shalt  }
0x5e: {  	_ =	shalt  }
0x5f: {  	_ =	shalt  }
0x60: {  	_ =	shalt  }
0x61: {  	_ =	shalt  }
0x62: {  	_ =	shalt  }
0x63: {  	_ =	shalt  }
0x64: {  	_ =	shalt  }
0x65: {  	_ =	shalt  }
0x66: {  	_ =	shalt  }
0x67: {  	_ =	shalt  }
0x68: {  	_ =	shalt  }
0x69: {  	_ =	shalt  }
0x6a: {  	_ =	shalt  }
0x6b: {  	_ =	shalt  }
0x6c: {  	_ =	shalt  }
0x6d: {  	_ =	shalt  }
0x6e: {  	_ =	shalt  }
0x6f: {  	_ =	shalt  }
0x70: {  	_ =	shalt  }
0x71: {  	_ =	shalt  }
0x72: {  	_ =	shalt  }
0x73: {  	_ =	shalt  }
0x74: {  	_ =	shalt  }
0x75: {  	_ =	shalt  }
0x76: {  	_ =	shalt  }
0x77: {  	_ =	shalt  }
0x78: {  	_ =	shalt  }
0x79: {  	_ =	shalt  }
0x7a: {  	_ =	shalt  }
0x7b: {  	_ =	shalt  }
0x7c: {  	_ =	shalt  }
0x7d: {  	_ =	shalt  }
0x7e: {  	_ =	shalt  }
0x7f: {  	_ =	shalt  }
0x80: {  	_ =	shalt  }
0x81: {  	_ =	shalt  }
0x82: {  	_ =	shalt  }
0x83: {  	_ =	shalt  }
0x84: {  	_ =	shalt  }
0x85: {  	_ =	shalt  }
0x86: {  	_ =	shalt  }
0x87: {  	_ =	shalt  }
.Lfunc_end0:
.L_simem_size_0:
called_computation.1_lowered:
.L_overlay_start_0:
0x88: {  	s2 =	sld [smem:$0x3FD9]  }
0x89: {  	s3 =	sld [smem:$0x3FFE];
	_ =	sdelay $0x1  }
0x8a: {  	s1 =	srdreg.scid  }
0x8b: {  	s0 =	sand.u32 $0x1, s1  }
0x8c: {  	s17 =	sshll.u32 s0, $0xA;
	s2 =	sadd.s32 s3, s2  }
0x8d: {  	s2 =	sadd.s32 s2, s17  }
0x8e: {  	[smem:$0x3FC0] =	sst s2  }
0x8f: {  	_ = 	snop  }
0x90: {  	s2 =	sld [smem:$0x3FD0];
	(tm) =	ssettm $0x1  }
0x91: {  	s18 =	sld [smem:$0x3FFB];
	_ =	sdelay $0x3  }
0x92: {  	_ =	strace s18  }
0x93: {  	s3 =	sld [smem:$0x3FFC];
	_ =	sdelay $0x3  }
0x94: {  	_ =	strace s3  }
0x95: {  	s3 =	sld [smem:$0x3FFD];
	_ =	sdelay $0x3  }
0x96: {  	_ =	strace s3  }
0x97: {  	_ =	strace $0x8FFFFFFF  }
0x98: {  	s19 =	sld [smem:$0x3FDB];
	_ =	sdelay $0x1  }
0x99: {  	s4 =	simm.s32 $_scs_section_size  }
0x9a: {  	s5 =	simm.s32 $_size__tile_overlayer_lowered;
	s6 =	simm.s32 $_tile_overlayer_lowered  }
0x9b: {  	s22 =	simm.s32 $0x1BFF;
	s21 =	sshll.u32 s6, $0x1;
	s3 =	sadd.s32 s4, s19  }
0x9c: {  	s7 =	simm.s32 $0x0;
	s20 =	sshll.u32 s5, $0x1;
	s5 =	sadd.s32 s21, s3  }
0x9d: {  	[timem:s7], [sflag:s22] =	dma.local [hbm:s5], s20  }
0x9e: {  	_ =	swait.ge [sflag:s22], s20  }
0x9f: {  	s4 =	ssub.s32 $0x0, s20;
	[sflag:s22] =	ssyncset.done $0x0  }
0xa0: {  	[sflag:s22] =	ssyncadd.s32 s4;
	_ =	sdelay $0x1  }
0xa1: {  	s23 =	simm.s32 $0x1B8B  }
0xa2: {  	_ =	swait.ge [sflag:s23], $0x1  }
0xa3: {  	[sflag:s23] =	ssyncset.done $0x0  }
0xa4: {  	s25 =	simm.s32 $0x1B8E;
	s24 =	sld [smem:$0x3FFE];
	[sflag:s23] =	ssyncadd.s32 $0xFFFFFFFF  }
0xa5: {  	s26 =	simm.s32 $execute0_lowered;
	[smem:$0x3FD2] =	sst s25  }
0xa6: {  	s5 =	sshll.u32 s26, $0x1;
	_ =	strace $0x80000049;
	[dreg:$0x1] =	wrdreg $0xFFFFFFFF  }
0xa7: {  	s28 =	simm.s32 $_size_execute0_lowered;
	s3 =	sadd.s32 s3, s5;
	[dreg:$0x0] =	wrdreg $0x0  }
0xa8: {  	s5 =	sshll.u32 s28, $0x1;
	[dreg:$0x2] =	wrdreg s3  }
0xa9: {  	[dreg:$0x3] =	wrdreg s5  }
0xaa: {  	[dreg:$0x4] =	wrdreg $0xC0  }
0xab: {  	_ =	task [dreg:s7], $0x5FFFF  }
0xac: {  	[dreg:$0x1] =	wrdreg $0xFFFFFFFF  }
0xad: {  	[dreg:$0x0] =	wrdreg $0x60  }
0xae: {  	[dreg:$0x2] =	wrdreg s24  }
0xaf: {  	[dreg:$0x3] =	wrdreg s2  }
0xb0: {  	[dreg:$0x4] =	wrdreg $0x1AEF00  }
0xb1: {  	[dreg:$0x5] =	wrdreg $0x1D6F00  }
0xb2: {  	[dreg:$0x6] =	wrdreg $0x9  }
0xb3: {  	_ =	task.clear_ibuf [dreg:s7], $0x7FFFF;
	_ =	strace $0x90000049  }
0xb4: {  	s29 =	simm.s32 $0x9;
	_ =	strace $0x8000004B  }
0xb5: {  	_ =	swait.ge [sflag:s29], $0x1  }
0xb6: {  	[sflag:s29] =	ssyncadd.s32 $0xFFFFFFFF  }
0xb7: {  	_ =	strace $0x9000004B  }
0xb8: {  	_ =	sfence  }
0xb9: {  	s30 =	sld [smem:$0x0];
	_ =	sdelay $0x2  }
0xba: {  	s31 =	sshll.u32 s1, $0xD;
	s1 =	sshrl.u32 s1, $0x2  }
0xbb: {  	s3 =	sand.u32 $0x4000, s31;
	s1 =	sadd.s32 s1, s30  }
0xbc: {  	s0 =	sor.u32 s3, s0;
	s1 =	sshll.u32 s1, $0x11  }
0xbd: {  	s0 =	sor.u32 s1, s0  }
0xbe: {  	s0 =	sadd.s32 $0x8F2B, s0  }
0xbf: {  	[sflag:s0] =	ssyncadd.remote.s32 $0x1  }
0xc0: {  	_ =	sfence.sel $0xFFFF  }
0xc1: {  	[dreg:$0x0] =	wrdreg $0xFFFFFFFF;
	(pc) =	sbr.abs _section_cstart, $3  }
0xc2: {  	[dreg:$0x1] =	wrdreg $0xFFFFFFFF  }
0xc3: {  	_ =	task.clear_ibuf [dreg:s7], $0x2FFFF;
	_ =	strace $0x9FFFFFFF  }
0xc4: {  	(tm) =	ssettm $0x7FFFFFFF  }
0xc5: {  	_ =	shalt  }
tec
execute0_lowered:
.L_overlay_start_1:
0x0: {  	(tag) =	ssettag $0x1  }
0x1: {  	s0 =	rddreg [dreg:$0x0]  }
0x2: {  	s1 =	rddreg [dreg:$0x1]  }
0x3: {  	s2 =	rddreg [dreg:$0x2];
	s4 =	srdreg.scid  }
0x4: {  	s13 =	stileid.u32;
	s3 =	rddreg [dreg:$0x3]  }
0x5: {  	s15 =	simm.s32 $0x13B0;
	s28 =	simm.s32 $0x4;
	s29 =	simm.s32 $0x5  }
0x6: {  	s30 =	simm.s32 $0xB;
	s31 =	simm.s32 $0x46A0;
	s5 =	sand.u32 $0x1, s4  }
0x7: {  	s6 =	sshll.u32 s13, $0x1;
	s4 =	simm.s32 $0x0;
	s7 =	smul.u32 $0x2710, s13  }
0x8: {  	s8 =	sadd.s32 $0xBE00, s0;
	s9 =	sadd.s32 $0x15E00, s0;
	s21 =	smul.u32 $0xA000, s13  }
0x9: {  	s6 =	sor.u32 s5, s6;
	[smem:$0x7FF] =	sst s4;
	s10 =	ssub.s32 $0x2, s5  }
0xa: {  	s20 =	smul.u32 $0x28000, s5;
	p0 =	sne.s32 s5, $0x0;
	s5 =	simm.s32 $0x8520  }
0xb: {  	s6 =	smul.u32 $0x13B0, s6;
	_ =	strace $0x8000004A;
	s11 =	sshrl.u32 s7, $0x3  }
0xc: {  	s12 =	sshrl.u32 s10, $0x1;
	s23 =	sadd.s32 s7, s2;
	s24 =	sshrl.u32 s21, $0x2  }
0xd: {  	s26 =	sadd.s32 s7, s3;
	s21 =	simm.s32 $0x2760;
	s10 =	ssub.s32 s10, s12  }
0xe: {  	s18 =	sadd.s32 $0x5000, s11;
	s19 =	sadd.s32 s8, s11;
	[dreg:$0xc] =	wrdreg s23  }
0xf: {  	[dreg:$0xf] =	wrdreg s26;
	s26 =	simm.s32 $0x3;
	s6 =	sshrl.u32 s6, $0x3  }
0x10: {  	[dreg:$0x7] =	wrdreg s19;
	s8 =	sadd.s32 s8, s18;
	s19 =	simm.s32 $0xC3A0  }
0x11: {  	s6 =	sadd.s32 s6, s0;
	s0 =	sadd.s32 s11, s0;
	[dreg:$0x8] =	wrdreg s8  }
0x12: {  	s11 =	sadd.s32 s9, s11;
	s8 =	sadd.s32 s7, s20;
	s20 =	simm.s32 $0x1F4  }
0x13: {  	s7 =	simm.s32 $0x8;
	s17 =	sadd.s32 $0x2000, s6;
	[dreg:$0x9] =	wrdreg s11  }
0x14: {  	s6 =	sadd.s32 $0x6EC0, s6;
	s22 =	sadd.s32 $0x1FE00, s0;
	[dreg:$0x5] =	wrdreg s17  }
0x15: {  	s0 =	sadd.s32 $0x24E00, s0;
	s25 =	sshrl.u32 s8, $0x3;
	[dreg:$0x6] =	wrdreg s6  }
0x16: {  	s8 =	simm.s32 $0x9;
	s6 =	sadd.s32 s9, s18;
	[dreg:$0xb] =	wrdreg s22  }
0x17: {  	[dreg:$0xd] =	wrdreg s0;
	s0 =	sadd.s32 s24, s3;
	s16 =	sadd.s32 s1, s25  }
0x18: {  	s17 =	smax.u32 s10, $0x1;
	s18 =	simm.s32 $0x15FE0;
	s24 =	simm.s32 $0x1  }
0x19: {  	s25 =	simm.s32 $0x2;
	s1 =	simm.s32 $0x6;
	s22 =	simm.s32 $0x65E0  }
0x1a: {  	s9 =	simm.s32 $0xA;
	s10 =	simm.s32 $0x0;
	[dreg:$0xa] =	wrdreg s6  }
0x1b: {  	v0 =	vimm.f32 $0.0e+00;
	[dreg:$0xe] =	wrdreg s0;
	s0 =	simm.s32 $0x7;
	s6 =	simm.s32 $0xA460  }
.LBB2_1:
0x1c: {  	s11 =	rddreg [dreg:$0x5]  }
0x1d: {  	[tilespmem:s4], [sflag:$0x6] =	stream.linear.gather [hbm4b:s11+s4], $0x13B0, $0x38;
	[tilespmem:$0x1FEF0] =	vst v63  }
0x1e: {  	s14 =	rddreg [dreg:$0x6]  }
0x1f: {  	[tilespmem:s15], [sflag:$0x7] =	stream.linear.gather [hbm4b:s14+s4], $0x13B0, $0x38;
	[tilespmem:$0x1FEF0] =	vst v63  }
0x20: {  	s15 =	rddreg [dreg:$0x7]  }
0x21: {  	[tilespmem:s19], [sflag:$0x1] =	stream.linear.gather [hbm4b:s15+s4], $0x2710, $0x38;
	[tilespmem:$0x1FEF0] =	vst v63  }
0x22: {  	s23 =	rddreg [dreg:$0x8];
	s12 =	simm.s32 $0xEAB0  }
0x23: {  	[tilespmem:s12], [sflag:$0x2] =	stream.linear.gather [hbm4b:s23+s4], $0x2710, $0x38;
	[tilespmem:$0x1FEF0] =	vst v63  }
0x24: {  	s13 =	simm.s32 $0x111C0;
	s12 =	rddreg [dreg:$0x9]  }
0x25: {  	[tilespmem:s13], [sflag:$0x3] =	stream.linear.gather [hbm4b:s12+s4], $0x2710, $0x38;
	[tilespmem:$0x1FEF0] =	vst v63  }
0x26: {  	s14 =	rddreg [dreg:$0xa];
	s15 =	simm.s32 $0x138D0  }
0x27: {  	[tilespmem:s15], [sflag:$0x4] =	stream.linear.gather [hbm4b:s14+s4], $0x2710, $0x38;
	[tilespmem:$0x1FEF0] =	vst v63  }
0x28: {  	s23 =	rddreg [dreg:$0xb]  }
0x29: {  	[tilespmem:s18], [sflag:$0x5] =	stream.linear.gather [hbm4b:s23+s4], $0x2710, $0x38;
	[tilespmem:$0x1FEF0] =	vst v63  }
0x2a: {  	_ =	swait.ge [sflag:s24], $0x2710  }
0x2b: {  	[sflag:s24] =	ssyncset.done $0x0  }
0x2c: {  	[sflag:s24] =	ssyncadd.s32 $0xFFFFD8F0  }
0x2d: {  	_ =	swait.ge [sflag:s25], $0x2710  }
0x2e: {  	[sflag:s25] =	ssyncset.done $0x0  }
0x2f: {  	[sflag:s25] =	ssyncadd.s32 $0xFFFFD8F0  }
0x30: {  	_ =	swait.ge [sflag:s26], $0x2710  }
0x31: {  	[sflag:s26] =	ssyncset.done $0x0  }
0x32: {  	[sflag:s26] =	ssyncadd.s32 $0xFFFFD8F0  }
0x33: {  	_ =	swait.ge [sflag:s28], $0x2710  }
0x34: {  	[sflag:s28] =	ssyncset.done $0x0  }
0x35: {  	[sflag:s28] =	ssyncadd.s32 $0xFFFFD8F0  }
0x36: {  	_ =	swait.ge [sflag:s29], $0x2710  }
0x37: {  	[sflag:s29] =	ssyncset.done $0x0  }
0x38: {  	s11 =	simm.s32 $0x111E0;
	[sflag:s29] =	ssyncadd.s32 $0xFFFFD8F0  }
0x39: {  	s13 =	simm.s32 $0x138F0;
	v1 =	vld [tilespmem:s11+$0xFFFFFFE0]  }
0x3a: {  	v2 =	vld [tilespmem:s13+$0xFFFFFFE0];
	_ =	sdelay $0x4  }
0x3b: {  	v1 =	vadd.f32 v2, v1;
	_ =	sdelay $0x1  }
0x3c: {  	v1 =	vmax.f32 v1, $1.000000000e+00  }
0x3d: {  	(erf) = vrcp.f32 v1  }
0x3e: {  	s14 =	simm.s32 $0xC3C0  }
0x3f: {  	s18 =	simm.s32 $0xEAD0;
	v2 =	vld [tilespmem:s14+$0xFFFFFFE0]  }
0x40: {  	v1 =	vld [tilespmem:s18+$0xFFFFFFE0];
	_ =	sdelay $0x2  }
0x41: {  	s12 =	simm.s32 $0x16000  }
0x42: {  	v3 =	vld [tilespmem:s12+$0xFFFFFFE0]  }
0x43: {  	v1 =	vadd.f32 v1, v2  }
0x44: {  	v2 =	vpop (erf)  }
0x45: {  	v1 =	vmul.f32 v2, v1;
	_ =	sdelay $0x1  }
0x46: {  	v1 =	vadd.f32 v1, v3;
	_ =	sdelay $0x1  }
0x47: {  	v1 =	vmax.f32 v1, $0.0e+00  }
0x48: {  	[tilespmem:s12+$0xFFFFFFE0] =	vst v1  }
0x49: {  	[tilespmem:s11+$0xFFFFFFE0] =	vst v2;
	v1 =	vld [tilespmem:s11+$0xFFFFFFF0]  }
0x4a: {  	v2 =	vld [tilespmem:s13+$0xFFFFFFF0];
	_ =	sdelay $0x4  }
0x4b: {  	v1 =	vadd.f32 v2, v1;
	_ =	sdelay $0x1  }
0x4c: {  	v1 =	vmax.f32 v1, $1.000000000e+00  }
0x4d: {  	(erf) = vrcp.f32 v1;
	_ =	sdelay $0x1  }
0x4e: {  	v2 =	vld [tilespmem:s14+$0xFFFFFFF0]  }
0x4f: {  	v1 =	vld [tilespmem:s18+$0xFFFFFFF0];
	_ =	sdelay $0x3  }
0x50: {  	v3 =	vld [tilespmem:s12+$0xFFFFFFF0]  }
0x51: {  	v1 =	vadd.f32 v1, v2  }
0x52: {  	v2 =	vpop (erf)  }
0x53: {  	v1 =	vmul.f32 v2, v1;
	_ =	sdelay $0x1  }
0x54: {  	v1 =	vadd.f32 v1, v3;
	_ =	sdelay $0x1  }
0x55: {  	v1 =	vmax.f32 v1, $0.0e+00  }
0x56: {  	[tilespmem:s12+$0xFFFFFFF0] =	vst v1  }
0x57: {  	[tilespmem:s11+$0xFFFFFFF0] =	vst v2;
	v1 =	vld [tilespmem:s11+$0x0]  }
0x58: {  	v2 =	vld [tilespmem:s13+$0x0];
	_ =	sdelay $0x4  }
0x59: {  	v1 =	vadd.f32 v2, v1;
	_ =	sdelay $0x1  }
0x5a: {  	v1 =	vmax.f32 v1, $1.000000000e+00  }
0x5b: {  	(erf) = vrcp.f32 v1;
	_ =	sdelay $0x1  }
0x5c: {  	v2 =	vld [tilespmem:s14+$0x0]  }
0x5d: {  	v1 =	vld [tilespmem:s18+$0x0];
	_ =	sdelay $0x3  }
0x5e: {  	v3 =	vld [tilespmem:s12+$0x0]  }
0x5f: {  	v1 =	vadd.f32 v1, v2  }
0x60: {  	v2 =	vpop (erf)  }
0x61: {  	v1 =	vmul.f32 v2, v1;
	_ =	sdelay $0x1  }
0x62: {  	v1 =	vadd.f32 v1, v3;
	_ =	sdelay $0x1  }
0x63: {  	v1 =	vmax.f32 v1, $0.0e+00  }
0x64: {  	[tilespmem:s12+$0x0] =	vst v1  }
0x65: {  	[tilespmem:s11+$0x0] =	vst v2;
	v1 =	vld [tilespmem:s11+$0x10]  }
0x66: {  	v2 =	vld [tilespmem:s13+$0x10];
	_ =	sdelay $0x4  }
0x67: {  	v1 =	vadd.f32 v2, v1;
	_ =	sdelay $0x1  }
0x68: {  	v1 =	vmax.f32 v1, $1.000000000e+00  }
0x69: {  	(erf) = vrcp.f32 v1;
	_ =	sdelay $0x1  }
0x6a: {  	v2 =	vld [tilespmem:s18+$0x10]  }
0x6b: {  	v1 =	vld [tilespmem:s14+$0x10];
	_ =	sdelay $0x3  }
0x6c: {  	v3 =	vld [tilespmem:s12+$0x10]  }
0x6d: {  	v1 =	vadd.f32 v2, v1  }
0x6e: {  	v2 =	vpop (erf)  }
0x6f: {  	v1 =	vmul.f32 v2, v1;
	_ =	sdelay $0x1  }
0x70: {  	v1 =	vadd.f32 v1, v3;
	_ =	sdelay $0x1  }
0x71: {  	v1 =	vmax.f32 v1, $0.0e+00  }
0x72: {  	[tilespmem:s12+$0x10] =	vst v1  }
0x73: {  	[tilespmem:s11+$0x10] =	vst v2;
	v1 =	vld [tilespmem:s11+$0x20]  }
0x74: {  	v2 =	vld [tilespmem:s13+$0x20];
	_ =	sdelay $0x4  }
0x75: {  	v1 =	vadd.f32 v2, v1;
	_ =	sdelay $0x1  }
0x76: {  	v1 =	vmax.f32 v1, $1.000000000e+00  }
0x77: {  	(erf) = vrcp.f32 v1;
	_ =	sdelay $0x1  }
0x78: {  	v2 =	vld [tilespmem:s18+$0x20]  }
0x79: {  	v1 =	vld [tilespmem:s14+$0x20];
	_ =	sdelay $0x3  }
0x7a: {  	v3 =	vld [tilespmem:s12+$0x20]  }
0x7b: {  	v2 =	vadd.f32 v2, v1  }
0x7c: {  	v1 =	vpop (erf)  }
0x7d: {  	v2 =	vmul.f32 v1, v2;
	_ =	sdelay $0x1  }
0x7e: {  	v2 =	vadd.f32 v2, v3;
	_ =	sdelay $0x1  }
0x7f: {  	s15 =	simm.s32 $0x11230;
	v2 =	vmax.f32 v2, $0.0e+00  }
0x80: {  	s23 =	simm.s32 $0xC410;
	s13 =	simm.s32 $0x0;
	s14 =	simm.s32 $0x13940;
	[tilespmem:s12+$0x20] =	vst v2  }
.LBB2_2:
0x81: {  	v2 =	vld [tilespmem:s15+$0xFFFFFFE0];
	s13 =	sadd.s32 $0x5, s13;
	[tilespmem:s11+$0x20] =	vst v1;
	s12 =	sadd.s32 $0x50, s12;
	s18 =	sadd.s32 $0x50, s18  }
0x82: {  	s11 =	smov.u32 s15;
	v1 =	vld [tilespmem:s14+$0xFFFFFFE0];
	p1 =	slt.u32 s13, $0x26C;
	_ =	sdelay $0x4  }
0x83: {  	v1 =	vadd.f32 v1, v2;
	_ =	sdelay $0x1  }
0x84: {  	v1 =	vmax.f32 v1, $1.000000000e+00  }
0x85: {  	(erf) = vrcp.f32 v1;
	_ =	sdelay $0x1  }
0x86: {  	v1 =	vld [tilespmem:s18+$0xFFFFFFE0]  }
0x87: {  	v2 =	vld [tilespmem:s23+$0xFFFFFFE0];
	_ =	sdelay $0x3  }
0x88: {  	v3 =	vld [tilespmem:s12+$0xFFFFFFE0]  }
0x89: {  	v1 =	vadd.f32 v1, v2  }
0x8a: {  	v2 =	vpop (erf)  }
0x8b: {  	v1 =	vmul.f32 v2, v1;
	_ =	sdelay $0x1  }
0x8c: {  	v1 =	vadd.f32 v1, v3;
	_ =	sdelay $0x1  }
0x8d: {  	v1 =	vmax.f32 v1, $0.0e+00  }
0x8e: {  	[tilespmem:s12+$0xFFFFFFE0] =	vst v1  }
0x8f: {  	[tilespmem:s15+$0xFFFFFFE0] =	vst v2;
	v1 =	vld [tilespmem:s15+$0xFFFFFFF0]  }
0x90: {  	v2 =	vld [tilespmem:s14+$0xFFFFFFF0];
	_ =	sdelay $0x4  }
0x91: {  	v1 =	vadd.f32 v2, v1;
	_ =	sdelay $0x1  }
0x92: {  	v1 =	vmax.f32 v1, $1.000000000e+00  }
0x93: {  	(erf) = vrcp.f32 v1;
	_ =	sdelay $0x1  }
0x94: {  	v1 =	vld [tilespmem:s18+$0xFFFFFFF0]  }
0x95: {  	v2 =	vld [tilespmem:s23+$0xFFFFFFF0];
	_ =	sdelay $0x3  }
0x96: {  	v3 =	vld [tilespmem:s12+$0xFFFFFFF0]  }
0x97: {  	v1 =	vadd.f32 v1, v2  }
0x98: {  	v2 =	vpop (erf)  }
0x99: {  	v1 =	vmul.f32 v2, v1;
	_ =	sdelay $0x1  }
0x9a: {  	v1 =	vadd.f32 v1, v3;
	_ =	sdelay $0x1  }
0x9b: {  	v1 =	vmax.f32 v1, $0.0e+00  }
0x9c: {  	[tilespmem:s12+$0xFFFFFFF0] =	vst v1  }
0x9d: {  	[tilespmem:s15+$0xFFFFFFF0] =	vst v2;
	v1 =	vld [tilespmem:s15+$0x0]  }
0x9e: {  	v2 =	vld [tilespmem:s14+$0x0];
	_ =	sdelay $0x4  }
0x9f: {  	v1 =	vadd.f32 v2, v1;
	_ =	sdelay $0x1  }
0xa0: {  	v1 =	vmax.f32 v1, $1.000000000e+00  }
0xa1: {  	(erf) = vrcp.f32 v1;
	_ =	sdelay $0x1  }
0xa2: {  	v1 =	vld [tilespmem:s18+$0x0]  }
0xa3: {  	v2 =	vld [tilespmem:s23+$0x0];
	_ =	sdelay $0x3  }
0xa4: {  	v3 =	vld [tilespmem:s12+$0x0]  }
0xa5: {  	v1 =	vadd.f32 v1, v2  }
0xa6: {  	v2 =	vpop (erf)  }
0xa7: {  	v1 =	vmul.f32 v2, v1;
	_ =	sdelay $0x1  }
0xa8: {  	v1 =	vadd.f32 v1, v3;
	_ =	sdelay $0x1  }
0xa9: {  	v1 =	vmax.f32 v1, $0.0e+00  }
0xaa: {  	[tilespmem:s12+$0x0] =	vst v1  }
0xab: {  	[tilespmem:s15+$0x0] =	vst v2;
	v1 =	vld [tilespmem:s15+$0x10]  }
0xac: {  	v2 =	vld [tilespmem:s14+$0x10]  }
0xad: {  	v3 =	vld [tilespmem:s23+$0x10]  }
0xae: {  	v4 =	vld [tilespmem:s18+$0x10];
	_ =	sdelay $0x2  }
0xaf: {  	v1 =	vadd.f32 v2, v1;
	_ =	sdelay $0x1  }
0xb0: {  	v1 =	vmax.f32 v1, $1.000000000e+00  }
0xb1: {  	(erf) = vrcp.f32 v1;
	_ =	sdelay $0x6  }
0xb2: {  	v1 =	vld [tilespmem:s12+$0x10]  }
0xb3: {  	v2 =	vadd.f32 v4, v3  }
0xb4: {  	v3 =	vpop (erf)  }
0xb5: {  	v2 =	vmul.f32 v3, v2;
	_ =	sdelay $0x1  }
0xb6: {  	v1 =	vadd.f32 v2, v1;
	_ =	sdelay $0x1  }
0xb7: {  	v1 =	vmax.f32 v1, $0.0e+00  }
0xb8: {  	[tilespmem:s12+$0x10] =	vst v1  }
0xb9: {  	[tilespmem:s15+$0x10] =	vst v3;
	v1 =	vld [tilespmem:s15+$0x20]  }
0xba: {  	v2 =	vld [tilespmem:s14+$0x20]  }
0xbb: {  	v3 =	vld [tilespmem:s23+$0x20]  }
0xbc: {  	v4 =	vld [tilespmem:s18+$0x20]  }
0xbd: {  	v5 =	vld [tilespmem:s12+$0x20];
	_ =	sdelay $0x1  }
0xbe: {  	v1 =	vadd.f32 v2, v1;
	_ =	sdelay $0x1  }
0xbf: {  	v1 =	vmax.f32 v1, $1.000000000e+00  }
0xc0: {  	(erf) = vrcp.f32 v1;
	_ =	sdelay $0x7  }
0xc1: {  	v2 =	vadd.f32 v4, v3  }
0xc2: {  	v1 =	vpop (erf)  }
0xc3: {  	v2 =	vmul.f32 v1, v2  }
.Ltmp0:
0xc4: {  	(pc) =	sbr.rel @p1 .LBB2_2-.Ltmp0, $3  }
0xc5: {  	v2 =	vadd.f32 v2, v5;
	_ =	sdelay $0x1  }
0xc6: {  	v2 =	vmax.f32 v2, $0.0e+00  }
0xc7: {  	s15 =	sadd.s32 $0x50, s15;
	s14 =	sadd.s32 $0x50, s14;
	s23 =	sadd.s32 $0x50, s23;
	[tilespmem:s12+$0x20] =	vst v2  }
0xc8: {  	[tilespmem:s11+$0x20] =	vst v1;
	s23 =	rddreg [dreg:$0xc];
	s18 =	simm.s32 $0x15FE0  }
0xc9: {  	[spmem:s23] =	stream.linear.scatter [tilespmem:s18], [sflag:$0xB], $0x2710, $0x38;
	[tilespmem:$0x1FEF0] =	vst v63  }
0xca: {  	_ =	swait.ge [sflag:s30], $0x2710  }
0xcb: {  	s11 =	simm.s32 @!p0 $0x0;
	[sflag:s30] =	ssyncset.done $0x0  }
0xcc: {  	s12 =	simm.s32 @!p0 $0x15FE0;
	s13 =	rddreg [dreg:$0xd];
	[sflag:s30] =	ssyncadd.s32 $0xFFFFD8F0  }
0xcd: {  	[hbm4b:s13+s11] =	stream.linear.scatter @!p0 [tilespmem:s12], [sflag:$0xB], $0x2710, $0x38;
	[tilespmem:$0x1FEF0] =	vst v63  }
0xce: {  	s11 =	simm.s32 @!p0 $0xB  }
0xcf: {  	_ =	swait.ge @!p0 [sflag:s11], $0x2710  }
0xd0: {  	[sflag:s11] =	ssyncset.done @!p0 $0x0  }
0xd1: {  	[sflag:s11] =	ssyncadd.s32 @!p0 $0xFFFFD8F0;
	s11 =	simm.s32 $0x18730  }
0xd2: {  	[tilespmem:s11+$0xFFFFFFC0] =	vst v0  }
0xd3: {  	[tilespmem:s11+$0x30] =	vst v0  }
0xd4: {  	[tilespmem:s11+$0x20] =	vst v0  }
0xd5: {  	[tilespmem:s11+$0x10] =	vst v0  }
0xd6: {  	[tilespmem:s11+$0x0] =	vst v0  }
0xd7: {  	[tilespmem:s11+$0xFFFFFFF0] =	vst v0  }
0xd8: {  	s12 =	simm.s32 $0x0;
	[tilespmem:s11+$0xFFFFFFE0] =	vst v0  }
.LBB2_4:
0xd9: {  	s12 =	sadd.s32 $0x8, s12;
	[tilespmem:s11+$0xFFFFFFD0] =	vst v0;
	s11 =	sadd.s32 $0x80, s11  }
0xda: {  	[tilespmem:s11+$0xFFFFFFC0] =	vst v0;
	p1 =	slt.u32 s12, $0x278  }
0xdb: {  	[tilespmem:s11+$0x30] =	vst v0  }
.Ltmp1:
0xdc: {  	[tilespmem:s11+$0x20] =	vst v0;
	(pc) =	sbr.rel @p1 .LBB2_4-.Ltmp1, $4  }
0xdd: {  	[tilespmem:s11+$0x10] =	vst v0  }
0xde: {  	[tilespmem:s11+$0x0] =	vst v0  }
0xdf: {  	[tilespmem:s11+$0xFFFFFFF0] =	vst v0  }
0xe0: {  	[tilespmem:s11+$0xFFFFFFE0] =	vst v0  }
0xe1: {  	[tilespmem:s11+$0xFFFFFFD0] =	vst v0;
	s13 =	rddreg [dreg:$0xe];
	s12 =	simm.s32 $0x186F0  }
0xe2: {  	[spmem:s13] =	stream.linear.scatter [tilespmem:s12], [sflag:$0xB], $0x2800, $0x38;
	[tilespmem:$0x1FEF0] =	vst v63  }
0xe3: {  	_ =	swait.ge [sflag:s30], $0x2800  }
0xe4: {  	[sflag:s30] =	ssyncset.done $0x0  }
0xe5: {  	[sflag:s30] =	ssyncadd.s32 $0xFFFFD800  }
0xe6: {  	[bflag:$0x0] =	sbarrier.arrive $0xFFFF  }
0xe7: {  	_ =	swait.ge [sflag:s1], $0x13B0  }
0xe8: {  	[sflag:s1] =	ssyncset.done $0x0  }
0xe9: {  	[sflag:s1] =	ssyncadd.s32 $0xFFFFEC50  }
0xea: {  	_ =	swait.ge [sflag:s0], $0x13B0  }
0xeb: {  	[sflag:s0] =	ssyncset.done $0x0  }
0xec: {  	[sflag:s0] =	ssyncadd.s32 $0xFFFFEC50  }
0xed: {  	[tilespmem:s21], [sflag:$0x1] =	stream.indirect.gather [spmem:s2], $0x10, s4, s20, $0xb8;
	[tilespmem:$0x1FEF0] =	vst v63  }
0xee: {  	s14 =	simm.s32 $0x1F8  }
0xef: {  	[tilespmem:s31], [sflag:$0x2] =	stream.indirect.gather [spmem:s2], $0x10, s14, s20, $0xb8;
	[tilespmem:$0x1FEF0] =	vst v63  }
0xf0: {  	s15 =	simm.s32 $0x3F0  }
0xf1: {  	[tilespmem:s22], [sflag:$0x3] =	stream.indirect.gather [spmem:s2], $0x10, s15, s20, $0xb8;
	[tilespmem:$0x1FEF0] =	vst v63  }
0xf2: {  	s23 =	simm.s32 $0x5E8  }
0xf3: {  	[tilespmem:s5], [sflag:$0x4] =	stream.indirect.gather [spmem:s2], $0x10, s23, s20, $0xb8;
	[tilespmem:$0x1FEF0] =	vst v63  }
0xf4: {  	_ =	swait.ge [sflag:s24], $0x1F40  }
0xf5: {  	[sflag:s24] =	ssyncset.done $0x0  }
0xf6: {  	s15 =	simm.s32 $0x13B0;
	[sflag:s24] =	ssyncadd.s32 $0xFFFFE0C0  }
0xf7: {  	[spmem:s3] =	stream.indirect.scatter.add.f32 [tilespmem:s21], [sflag:$0x6], $0x10, s15, s20, $0xb8;
	[tilespmem:$0x1FEF0] =	vst v63  }
0xf8: {  	s12 =	simm.s32 $0x7E0  }
0xf9: {  	[tilespmem:s6], [sflag:$0x5] =	stream.indirect.gather [spmem:s2], $0x10, s12, s20, $0xb8;
	[tilespmem:$0x1FEF0] =	vst v63  }
0xfa: {  	_ =	swait.ge [sflag:s25], $0x1F40  }
0xfb: {  	[sflag:s25] =	ssyncset.done $0x0  }
0xfc: {  	s13 =	simm.s32 $0x15A8;
	[sflag:s25] =	ssyncadd.s32 $0xFFFFE0C0  }
0xfd: {  	[spmem:s3] =	stream.indirect.scatter.add.f32 [tilespmem:s31], [sflag:$0x7], $0x10, s13, s20, $0xb8;
	[tilespmem:$0x1FEF0] =	vst v63  }
0xfe: {  	_ =	swait.ge [sflag:s1], $0x1F40  }
0xff: {  	[sflag:s1] =	ssyncset.done $0x0  }
0x100: {  	s14 =	simm.s32 $0x9D8;
	[sflag:s1] =	ssyncadd.s32 $0xFFFFE0C0  }
0x101: {  	[tilespmem:s21], [sflag:$0x1] =	stream.indirect.gather [spmem:s2], $0x10, s14, s20, $0xb8;
	[tilespmem:$0x1FEF0] =	vst v63  }
0x102: {  	_ =	swait.ge [sflag:s26], $0x1F40  }
0x103: {  	[sflag:s26] =	ssyncset.done $0x0  }
0x104: {  	s23 =	simm.s32 $0x17A0;
	[sflag:s26] =	ssyncadd.s32 $0xFFFFE0C0  }
0x105: {  	[spmem:s3] =	stream.indirect.scatter.add.f32 [tilespmem:s22], [sflag:$0x8], $0x10, s23, s20, $0xb8;
	[tilespmem:$0x1FEF0] =	vst v63  }
0x106: {  	_ =	swait.ge [sflag:s0], $0x1F40  }
0x107: {  	[sflag:s0] =	ssyncset.done $0x0  }
0x108: {  	s12 =	simm.s32 $0xBD0;
	[sflag:s0] =	ssyncadd.s32 $0xFFFFE0C0  }
0x109: {  	[tilespmem:s31], [sflag:$0x2] =	stream.indirect.gather [spmem:s2], $0x10, s12, s20, $0xb8;
	[tilespmem:$0x1FEF0] =	vst v63  }
0x10a: {  	_ =	swait.ge [sflag:s28], $0x1F40  }
0x10b: {  	[sflag:s28] =	ssyncset.done $0x0  }
0x10c: {  	s13 =	simm.s32 $0x1998;
	[sflag:s28] =	ssyncadd.s32 $0xFFFFE0C0  }
0x10d: {  	[spmem:s3] =	stream.indirect.scatter.add.f32 [tilespmem:s5], [sflag:$0x9], $0x10, s13, s20, $0xb8;
	[tilespmem:$0x1FEF0] =	vst v63  }
0x10e: {  	_ =	swait.ge [sflag:s7], $0x1F40  }
0x10f: {  	[sflag:s7] =	ssyncset.done $0x0  }
0x110: {  	s14 =	simm.s32 $0xDC8;
	[sflag:s7] =	ssyncadd.s32 $0xFFFFE0C0  }
0x111: {  	[tilespmem:s22], [sflag:$0x3] =	stream.indirect.gather [spmem:s2], $0x10, s14, s20, $0xb8;
	[tilespmem:$0x1FEF0] =	vst v63  }
0x112: {  	_ =	swait.ge [sflag:s29], $0x1F40  }
0x113: {  	[sflag:s29] =	ssyncset.done $0x0  }
0x114: {  	s23 =	simm.s32 $0x1B90;
	[sflag:s29] =	ssyncadd.s32 $0xFFFFE0C0  }
0x115: {  	[spmem:s3] =	stream.indirect.scatter.add.f32 [tilespmem:s6], [sflag:$0xA], $0x10, s23, s20, $0xb8;
	[tilespmem:$0x1FEF0] =	vst v63  }
0x116: {  	_ =	swait.ge [sflag:s8], $0x1F40  }
0x117: {  	[sflag:s8] =	ssyncset.done $0x0  }
0x118: {  	s12 =	simm.s32 $0xFC0;
	[sflag:s8] =	ssyncadd.s32 $0xFFFFE0C0  }
0x119: {  	[tilespmem:s5], [sflag:$0x4] =	stream.indirect.gather [spmem:s2], $0x10, s12, s20, $0xb8;
	[tilespmem:$0x1FEF0] =	vst v63  }
0x11a: {  	_ =	swait.ge [sflag:s24], $0x1F40  }
0x11b: {  	[sflag:s24] =	ssyncset.done $0x0  }
0x11c: {  	s13 =	simm.s32 $0x1D88;
	[sflag:s24] =	ssyncadd.s32 $0xFFFFE0C0  }
0x11d: {  	[spmem:s3] =	stream.indirect.scatter.add.f32 [tilespmem:s21], [sflag:$0x6], $0x10, s13, s20, $0xb8;
	[tilespmem:$0x1FEF0] =	vst v63  }
0x11e: {  	_ =	swait.ge [sflag:s9], $0x1F40  }
0x11f: {  	[sflag:s9] =	ssyncset.done $0x0  }
0x120: {  	s14 =	simm.s32 $0x11B8;
	[sflag:s9] =	ssyncadd.s32 $0xFFFFE0C0  }
0x121: {  	[tilespmem:s6], [sflag:$0x5] =	stream.indirect.gather [spmem:s2], $0x10, s14, s20, $0xb8;
	[tilespmem:$0x1FEF0] =	vst v63  }
0x122: {  	_ =	swait.ge [sflag:s25], $0x1F40  }
0x123: {  	[sflag:s25] =	ssyncset.done $0x0  }
0x124: {  	s23 =	simm.s32 $0x1F80;
	[sflag:s25] =	ssyncadd.s32 $0xFFFFE0C0  }
0x125: {  	[spmem:s3] =	stream.indirect.scatter.add.f32 [tilespmem:s31], [sflag:$0x7], $0x10, s23, s20, $0xb8;
	[tilespmem:$0x1FEF0] =	vst v63  }
0x126: {  	_ =	swait.ge [sflag:s26], $0x1F40  }
0x127: {  	[sflag:s26] =	ssyncset.done $0x0  }
0x128: {  	s12 =	simm.s32 $0x2178;
	[sflag:s26] =	ssyncadd.s32 $0xFFFFE0C0  }
0x129: {  	[spmem:s3] =	stream.indirect.scatter.add.f32 [tilespmem:s22], [sflag:$0x8], $0x10, s12, s20, $0xb8;
	[tilespmem:$0x1FEF0] =	vst v63  }
0x12a: {  	_ =	swait.ge [sflag:s28], $0x1F40  }
0x12b: {  	[sflag:s28] =	ssyncset.done $0x0  }
0x12c: {  	s13 =	simm.s32 $0x2370;
	[sflag:s28] =	ssyncadd.s32 $0xFFFFE0C0  }
0x12d: {  	[spmem:s3] =	stream.indirect.scatter.add.f32 [tilespmem:s5], [sflag:$0x9], $0x10, s13, s20, $0xb8;
	[tilespmem:$0x1FEF0] =	vst v63  }
0x12e: {  	_ =	swait.ge [sflag:s29], $0x1F40  }
0x12f: {  	[sflag:s29] =	ssyncset.done $0x0  }
0x130: {  	s14 =	simm.s32 $0x2568;
	[sflag:s29] =	ssyncadd.s32 $0xFFFFE0C0  }
0x131: {  	[spmem:s3] =	stream.indirect.scatter.add.f32 [tilespmem:s6], [sflag:$0xA], $0x10, s14, s20, $0xb8;
	[tilespmem:$0x1FEF0] =	vst v63  }
0x132: {  	_ =	swait.ge [sflag:s1], $0x1F40  }
0x133: {  	[sflag:s1] =	ssyncset.done $0x0  }
0x134: {  	[sflag:s1] =	ssyncadd.s32 $0xFFFFE0C0  }
0x135: {  	_ =	swait.ge [sflag:s0], $0x1F40  }
0x136: {  	[sflag:s0] =	ssyncset.done $0x0  }
0x137: {  	[sflag:s0] =	ssyncadd.s32 $0xFFFFE0C0  }
0x138: {  	_ =	swait.ge [sflag:s7], $0x1F40  }
0x139: {  	[sflag:s7] =	ssyncset.done $0x0  }
0x13a: {  	[sflag:s7] =	ssyncadd.s32 $0xFFFFE0C0  }
0x13b: {  	_ =	swait.ge [sflag:s8], $0x1F40  }
0x13c: {  	[sflag:s8] =	ssyncset.done $0x0  }
0x13d: {  	[sflag:s8] =	ssyncadd.s32 $0xFFFFE0C0  }
0x13e: {  	_ =	swait.ge [sflag:s9], $0x1F40  }
0x13f: {  	[sflag:s9] =	ssyncset.done $0x0  }
0x140: {  	[sflag:s9] =	ssyncadd.s32 $0xFFFFE0C0  }
0x141: {  	[bflag:$0x0] =	sbarrier.arrive $0xFFFF  }
0x142: {  	s23 =	rddreg [dreg:$0xf]  }
0x143: {  	[tilespmem:s19], [sflag:$0xB] =	stream.linear.gather [spmem:s23], $0x2710, $0x38;
	[tilespmem:$0x1FEF0] =	vst v63  }
0x144: {  	_ =	swait.ge [sflag:s30], $0x2710  }
0x145: {  	[sflag:s30] =	ssyncset.done $0x0  }
0x146: {  	s11 =	simm.s32 $0xC3C0;
	[sflag:s30] =	ssyncadd.s32 $0xFFFFD8F0  }
0x147: {  	s12 =	simm.s32 $0x111E0;
	v1 =	vld [tilespmem:s11+$0xFFFFFFE0]  }
0x148: {  	v2 =	vld [tilespmem:s12+$0xFFFFFFE0];
	_ =	sdelay $0x4  }
0x149: {  	v1 =	vmul.f32 v2, v1;
	_ =	sdelay $0x1  }
0x14a: {  	[tilespmem:s11+$0xFFFFFFE0] =	vst v1;
	v1 =	vld [tilespmem:s11+$0xFFFFFFF0]  }
0x14b: {  	v2 =	vld [tilespmem:s12+$0xFFFFFFF0];
	_ =	sdelay $0x4  }
0x14c: {  	v1 =	vmul.f32 v2, v1;
	_ =	sdelay $0x1  }
0x14d: {  	[tilespmem:s11+$0xFFFFFFF0] =	vst v1;
	v1 =	vld [tilespmem:s11+$0x0]  }
0x14e: {  	v2 =	vld [tilespmem:s12+$0x0];
	_ =	sdelay $0x4  }
0x14f: {  	v1 =	vmul.f32 v2, v1;
	_ =	sdelay $0x1  }
0x150: {  	[tilespmem:s11+$0x0] =	vst v1;
	v1 =	vld [tilespmem:s11+$0x10]  }
0x151: {  	v2 =	vld [tilespmem:s12+$0x10];
	_ =	sdelay $0x4  }
0x152: {  	v1 =	vmul.f32 v2, v1;
	_ =	sdelay $0x1  }
0x153: {  	[tilespmem:s11+$0x10] =	vst v1;
	v1 =	vld [tilespmem:s11+$0x20]  }
0x154: {  	v2 =	vld [tilespmem:s12+$0x20];
	_ =	sdelay $0x4  }
0x155: {  	v1 =	vmul.f32 v2, v1  }
0x156: {  	s13 =	simm.s32 $0x0;
	s14 =	simm.s32 $0xC410  }
.LBB2_6:
0x157: {  	v2 =	vld [tilespmem:s14+$0xFFFFFFE0];
	[tilespmem:s11+$0x20] =	vst v1;
	s12 =	sadd.s32 $0x50, s12;
	s11 =	smov.u32 s14  }
0x158: {  	s13 =	sadd.s32 $0x5, s13;
	v1 =	vld [tilespmem:s12+$0xFFFFFFE0]  }
0x159: {  	p1 =	slt.u32 s13, $0x26C;
	_ =	sdelay $0x3  }
0x15a: {  	v1 =	vmul.f32 v1, v2;
	_ =	sdelay $0x1  }
0x15b: {  	[tilespmem:s14+$0xFFFFFFE0] =	vst v1;
	v1 =	vld [tilespmem:s14+$0xFFFFFFF0]  }
0x15c: {  	v2 =	vld [tilespmem:s12+$0xFFFFFFF0];
	_ =	sdelay $0x4  }
0x15d: {  	v1 =	vmul.f32 v2, v1;
	_ =	sdelay $0x1  }
0x15e: {  	[tilespmem:s14+$0xFFFFFFF0] =	vst v1;
	v1 =	vld [tilespmem:s14+$0x0]  }
0x15f: {  	v2 =	vld [tilespmem:s12+$0x0];
	_ =	sdelay $0x4  }
0x160: {  	v1 =	vmul.f32 v2, v1;
	_ =	sdelay $0x1  }
0x161: {  	[tilespmem:s14+$0x0] =	vst v1;
	v1 =	vld [tilespmem:s14+$0x10]  }
0x162: {  	v2 =	vld [tilespmem:s12+$0x10];
	_ =	sdelay $0x4  }
0x163: {  	v1 =	vmul.f32 v2, v1;
	_ =	sdelay $0x1  }
0x164: {  	[tilespmem:s14+$0x10] =	vst v1;
	v1 =	vld [tilespmem:s14+$0x20]  }
0x165: {  	v2 =	vld [tilespmem:s12+$0x20];
	_ =	sdelay $0x1  }
.Ltmp2:
0x166: {  	(pc) =	sbr.rel @p1 .LBB2_6-.Ltmp2, $3  }
0x167: {  	_ =	sdelay $0x1  }
0x168: {  	v1 =	vmul.f32 v2, v1  }
0x169: {  	s14 =	sadd.s32 $0x50, s14  }
0x16a: {  	s10 =	sadd.s32 $0x1, s10  }
0x16b: {  	p1 =	sne.s32 s10, s17  }
.Ltmp3:
0x16c: {  	[tilespmem:s11+$0x20] =	vst v1;
	(pc) =	sbr.rel @p1 .LBB2_1-.Ltmp3, $4  }
0x16d: {  	[hbm4b:s16+s4] =	stream.linear.scatter [tilespmem:s19], [sflag:$0xB], $0x2710, $0x38;
	[tilespmem:$0x1FEF0] =	vst v63  }
0x16e: {  	_ =	swait.ge [sflag:s30], $0x2710  }
0x16f: {  	[sflag:s30] =	ssyncset.done $0x0  }
0x170: {  	[sflag:s30] =	ssyncadd.s32 $0xFFFFD8F0  }
0x171: {  	_ =	sfence.sel $0x180000  }
0x172: {  	[bflag:$0x0] =	sbarrier.arrive $0xFFFF  }
0x173: {  	_ =	strace $0x9000004A  }
0x174: {  	s0 =	stileid.u32;
	[bflag:$0x2] =	sbarrier.arrive $0xFFFF  }
0x175: {  	p0 =	sne.s32 s0, $0x0;
	s0 =	rddreg [dreg:$0x4]  }
0x176: {  	s0 =	sadd.s32 @!p0 $0x100000, s0  }
0x177: {  	[sflag:s0] =	ssyncadd.tile.s32 @!p0 $0x1;
	_ =	shalt  }
.Lfunc_end2:
_tile_overlayer_lowered:
.L_overlay_start_2:
0x178: {  	(tag) =	ssettag $0x2  }
0x179: {  	s0 =	rddreg [dreg:$0x0];
	s2 =	stileid.u32  }
0x17a: {  	s1 =	rddreg [dreg:$0x1];
	p0 =	sne.s32 s2, $0x0  }
0x17b: {  	s3 =	rddreg [dreg:$0x2];
	[bflag:$0x3] =	sbarrier.arrive $0xFFFF;
	s2 =	simm.s32 @!p0 $0x1C0B  }
0x17c: {  	[timem:s3], [sflag:s2] =	dma.local @!p0 [hbm:s0], s1  }
0x17d: {  	s0 =	simm.s32 @!p0 $0xB  }
0x17e: {  	_ =	swait.ge @!p0 [sflag:s0], s1  }
0x17f: {  	s1 =	ssub.s32 @!p0 $0x0, s1;
	[sflag:s0] =	ssyncset.done @!p0 $0x0  }
0x180: {  	[sflag:s0] =	ssyncadd.s32 @!p0 s1  }
0x181: {  	[bflag:$0x3] =	sbarrier.arrive $0xFFFF  }
0x182: {  	_ =	shalt  }

// kernel: kernel.7.cloned.1.call-start
scs
__scs_entry_jumppad:
0x0: {  	(pc) =	sbr.rel $0x88, $3  }
0x1: {  	(tag) =	ssettag $0x0;
	lr =	simm.s32 $0x1  }
0x2: {  	[smem:$0x3F99] =	sst lr;
	_ =	strace $0xD0000000  }
0x3: {  	_ = 	snop  }
0x4: {  	_ = 	snop  }
0x5: {  	_ = 	snop  }
0x6: {  	_ = 	snop  }
0x7: {  	_ = 	snop  }
__scs_overlays_trampoline_lowered:
0x8: {  	[smem:$0x3FA8] =	sst s0  }
0x9: {  	[smem:$0x3FA9] =	sst s1  }
0xa: {  	[smem:$0x3FAA] =	sst s2  }
0xb: {  	[smem:$0x3FAB] =	sst s3  }
0xc: {  	[smem:$0x3FAC] =	sst s4  }
0xd: {  	[smem:$0x3FAD] =	sst s5  }
0xe: {  	[smem:$0x3FAE] =	sst s6  }
0xf: {  	[smem:$0x3FAF] =	sst s7  }
0x10: {  	[smem:$0x3FB0] =	sst s8  }
0x11: {  	[smem:$0x3FB1] =	sst s9;
	s0 =	simm.s32 @!p0 $0x0  }
0x12: {  	s1 =	sld [smem:$0x3F97];
	s0 =	simm.s32 @p0 $0x1  }
0x13: {  	[smem:$0x3FB2] =	sst s0;
	s0 =	simm.s32 @!p1 $0x0  }
0x14: {  	s2 =	sld [smem:$0x3F96];
	s0 =	simm.s32 @p1 $0x1  }
0x15: {  	[smem:$0x3FB3] =	sst s0;
	s0 =	simm.s32 @!p2 $0x0  }
0x16: {  	s3 =	sld [smem:$0x3FDB];
	s0 =	simm.s32 @p2 $0x1  }
0x17: {  	s4 =	simm.s32 $0x1BF5;
	[smem:$0x3FB5] =	sst s0  }
0x18: {  	s0 =	sld [smem:$0x3F98];
	_ =	swait.ge [sflag:s4], $0x0  }
0x19: {  	s7 =	sld [smem:$0x3F99]  }
0x1a: {  	s8 =	sadd.s32 $0xFFFFE003, lr  }
0x1b: {  	s9 =	sadd.s32 $0xFFFFFEF7, lr;
	s5 =	simm.s32 $0xFFFFFFFF;
	p2 =	slt.u32 s8, $0xFFFFF086  }
0x1c: {  	p1 =	slt.u32 s9, $0xF7A;
	s5 =	simm.s32 @!p2 $0x0  }
0x1d: {  	s5 =	simm.s32 @p1 $0x1;
	p0 =	seq.s32 s7, s2  }
0x1e: {  	s7 =	smul.u32 @!p0 $0xF7A, s2;
	p2 =	seq.s32 @!p0 s5, $0x0  }
0x1f: {  	s9 =	smul.u32 $0xF7A, s1;
	s8 =	simm.s32 @!p0 $0x1BF5;
	p2 =	por !p2, p0  }
0x20: {  	[sflag:s8] =	ssyncset.s32 @!p0 $0xFFFFF086;
	s6 =	sadd.s32 @!p0 s3, s7;
	s7 =	simm.s32 @!p0 $0x108  }
0x21: {  	s3 =	sadd.s32 s3, s9;
	s6 =	sadd.s32 @!p0 $0x88, s6;
	s7 =	simm.s32 @p2 $0x1082  }
0x22: {  	[simem:s7], [sflag:s8] =	dma.local @!p0 [hbm:s6], $0xF7A  }
0x23: {  	s9 =	sor.u32 $0xD0000000, s2;
	s6 =	simm.s32 $0x108;
	_ =	swait.ge @!p0 [sflag:s8], $0x0  }
0x24: {  	s3 =	sadd.s32 $0x88, s3;
	s6 =	simm.s32 @!p1 $0x1082;
	[sflag:s4] =	ssyncset.s32 $0xFFFFF086  }
0x25: {  	[simem:s6], [sflag:s4] =	dma.local [hbm:s3], $0xF7A  }
0x26: {  	[smem:$0x3F99] =	sst s1;
	(tag) =	ssettag s2;
	_ =	strace s9  }
0x27: {  	s1 =	sld [smem:$0x3FA9]  }
0x28: {  	s2 =	sld [smem:$0x3FAA]  }
0x29: {  	s4 =	sld [smem:$0x3FAC]  }
0x2a: {  	p0 =	seq.s32 s5, $0x0;
	s5 =	sld [smem:$0x3FAD]  }
0x2b: {  	s6 =	sld [smem:$0x3FAE]  }
0x2c: {  	s7 =	sld [smem:$0x3FAF]  }
0x2d: {  	s3 =	simm.s32 $0x108;
	s8 =	sld [smem:$0x3FB0]  }
0x2e: {  	s3 =	simm.s32 @!p0 $0x1082;
	s9 =	sld [smem:$0x3FB1]  }
0x2f: {  	lr =	sadd.s32 s0, s3;
	s0 =	sld [smem:$0x3FA8]  }
0x30: {  	s3 =	sld [smem:$0x3FAB]  }
0x31: {  	[smem:$0x3FB4] =	sst s10  }
0x32: {  	s10 =	sld [smem:$0x3FB2];
	_ =	sdelay $0x3  }
0x33: {  	p0 =	seq.s32 s10, $0x1;
	s10 =	sld [smem:$0x3FB4];
	_ =	sdelay $0x3  }
0x34: {  	[smem:$0x3FB4] =	sst s10  }
0x35: {  	s10 =	sld [smem:$0x3FB3];
	_ =	sdelay $0x3  }
0x36: {  	p1 =	seq.s32 s10, $0x1;
	s10 =	sld [smem:$0x3FB4];
	_ =	sdelay $0x3  }
0x37: {  	[smem:$0x3FB4] =	sst s10  }
0x38: {  	s10 =	sld [smem:$0x3FB5]  }
0x39: {  	_ = 	snop;
	(pc) =	sbr.ind lr, $3  }
0x3a: {  	_ = 	snop  }
0x3b: {  	_ = 	snop  }
0x3c: {  	p2 =	seq.s32 s10, $0x1;
	s10 =	sld [smem:$0x3FB4]  }
0x3d: {  	_ =	shalt  }
0x3e: {  	_ =	shalt  }
0x3f: {  	_ =	shalt  }
0x40: {  	_ =	shalt  }
0x41: {  	_ =	shalt  }
0x42: {  	_ =	shalt  }
0x43: {  	_ =	shalt  }
0x44: {  	_ =	shalt  }
0x45: {  	_ =	shalt  }
0x46: {  	_ =	shalt  }
0x47: {  	_ =	shalt  }
0x48: {  	_ =	shalt  }
0x49: {  	_ =	shalt  }
0x4a: {  	_ =	shalt  }
0x4b: {  	_ =	shalt  }
0x4c: {  	_ =	shalt  }
0x4d: {  	_ =	shalt  }
0x4e: {  	_ =	shalt  }
0x4f: {  	_ =	shalt  }
0x50: {  	_ =	shalt  }
0x51: {  	_ =	shalt  }
0x52: {  	_ =	shalt  }
0x53: {  	_ =	shalt  }
0x54: {  	_ =	shalt  }
0x55: {  	_ =	shalt  }
0x56: {  	_ =	shalt  }
0x57: {  	_ =	shalt  }
0x58: {  	_ =	shalt  }
0x59: {  	_ =	shalt  }
0x5a: {  	_ =	shalt  }
0x5b: {  	_ =	shalt  }
0x5c: {  	_ =	shalt  }
0x5d: {  	_ =	shalt  }
0x5e: {  	_ =	shalt  }
0x5f: {  	_ =	shalt  }
0x60: {  	_ =	shalt  }
0x61: {  	_ =	shalt  }
0x62: {  	_ =	shalt  }
0x63: {  	_ =	shalt  }
0x64: {  	_ =	shalt  }
0x65: {  	_ =	shalt  }
0x66: {  	_ =	shalt  }
0x67: {  	_ =	shalt  }
0x68: {  	_ =	shalt  }
0x69: {  	_ =	shalt  }
0x6a: {  	_ =	shalt  }
0x6b: {  	_ =	shalt  }
0x6c: {  	_ =	shalt  }
0x6d: {  	_ =	shalt  }
0x6e: {  	_ =	shalt  }
0x6f: {  	_ =	shalt  }
0x70: {  	_ =	shalt  }
0x71: {  	_ =	shalt  }
0x72: {  	_ =	shalt  }
0x73: {  	_ =	shalt  }
0x74: {  	_ =	shalt  }
0x75: {  	_ =	shalt  }
0x76: {  	_ =	shalt  }
0x77: {  	_ =	shalt  }
0x78: {  	_ =	shalt  }
0x79: {  	_ =	shalt  }
0x7a: {  	_ =	shalt  }
0x7b: {  	_ =	shalt  }
0x7c: {  	_ =	shalt  }
0x7d: {  	_ =	shalt  }
0x7e: {  	_ =	shalt  }
0x7f: {  	_ =	shalt  }
0x80: {  	_ =	shalt  }
0x81: {  	_ =	shalt  }
0x82: {  	_ =	shalt  }
0x83: {  	_ =	shalt  }
0x84: {  	_ =	shalt  }
0x85: {  	_ =	shalt  }
0x86: {  	_ =	shalt  }
0x87: {  	_ =	shalt  }
.Lfunc_end0:
.L_simem_size_0:
called_computation_lowered:
.L_overlay_start_0:
0x88: {  	s2 =	sld [smem:$0x3FD9]  }
0x89: {  	s3 =	sld [smem:$0x3FFE];
	_ =	sdelay $0x1  }
0x8a: {  	s1 =	srdreg.scid  }
0x8b: {  	s0 =	sand.u32 $0x1, s1  }
0x8c: {  	s17 =	sshll.u32 s0, $0xA;
	s2 =	sadd.s32 s3, s2  }
0x8d: {  	s2 =	sadd.s32 s2, s17  }
0x8e: {  	[smem:$0x3FC0] =	sst s2  }
0x8f: {  	_ = 	snop  }
0x90: {  	s2 =	sld [smem:$0x3FD0];
	(tm) =	ssettm $0x1  }
0x91: {  	s18 =	sld [smem:$0x3FFB];
	_ =	sdelay $0x3  }
0x92: {  	_ =	strace s18  }
0x93: {  	s3 =	sld [smem:$0x3FFC];
	_ =	sdelay $0x3  }
0x94: {  	_ =	strace s3  }
0x95: {  	s3 =	sld [smem:$0x3FFD];
	_ =	sdelay $0x3  }
0x96: {  	_ =	strace s3  }
0x97: {  	_ =	strace $0x8FFFFFFF  }
0x98: {  	s19 =	sld [smem:$0x3FDB];
	_ =	sdelay $0x1  }
0x99: {  	s4 =	simm.s32 $_scs_section_size  }
0x9a: {  	s5 =	simm.s32 $_size__tile_overlayer_lowered;
	s6 =	simm.s32 $_tile_overlayer_lowered  }
0x9b: {  	s22 =	simm.s32 $0x1BFF;
	s21 =	sshll.u32 s6, $0x1;
	s3 =	sadd.s32 s4, s19  }
0x9c: {  	s7 =	simm.s32 $0x0;
	s20 =	sshll.u32 s5, $0x1;
	s5 =	sadd.s32 s21, s3  }
0x9d: {  	[timem:s7], [sflag:s22] =	dma.local [hbm:s5], s20  }
0x9e: {  	_ =	swait.ge [sflag:s22], s20  }
0x9f: {  	s4 =	ssub.s32 $0x0, s20;
	[sflag:s22] =	ssyncset.done $0x0  }
0xa0: {  	[sflag:s22] =	ssyncadd.s32 s4;
	_ =	sdelay $0x1  }
0xa1: {  	s23 =	simm.s32 $0x1B8B  }
0xa2: {  	_ =	swait.ge [sflag:s23], $0x1  }
0xa3: {  	[sflag:s23] =	ssyncset.done $0x0  }
0xa4: {  	s25 =	simm.s32 $0x1B8E;
	s24 =	sld [smem:$0x3FFE];
	[sflag:s23] =	ssyncadd.s32 $0xFFFFFFFF  }
0xa5: {  	s26 =	simm.s32 $execute0_lowered;
	[smem:$0x3FD2] =	sst s25  }
0xa6: {  	s5 =	sshll.u32 s26, $0x1;
	_ =	strace $0x80000046;
	[dreg:$0x1] =	wrdreg $0xFFFFFFFF  }
0xa7: {  	s28 =	simm.s32 $_size_execute0_lowered;
	s3 =	sadd.s32 s3, s5;
	[dreg:$0x0] =	wrdreg $0x0  }
0xa8: {  	s5 =	sshll.u32 s28, $0x1;
	[dreg:$0x2] =	wrdreg s3  }
0xa9: {  	[dreg:$0x3] =	wrdreg s5  }
0xaa: {  	[dreg:$0x4] =	wrdreg $0xC0  }
0xab: {  	_ =	task [dreg:s7], $0x5FFFF  }
0xac: {  	[dreg:$0x1] =	wrdreg $0xFFFFFFFF  }
0xad: {  	[dreg:$0x0] =	wrdreg $0x60  }
0xae: {  	[dreg:$0x2] =	wrdreg s2  }
0xaf: {  	[dreg:$0x3] =	wrdreg s24  }
0xb0: {  	[dreg:$0x4] =	wrdreg $0xEBA00  }
0xb1: {  	[dreg:$0x5] =	wrdreg $0x132E00  }
0xb2: {  	[dreg:$0x6] =	wrdreg $0x9  }
0xb3: {  	_ =	task.clear_ibuf [dreg:s7], $0x7FFFF;
	_ =	strace $0x90000046  }
0xb4: {  	s29 =	simm.s32 $0x9;
	_ =	strace $0x80000048  }
0xb5: {  	_ =	swait.ge [sflag:s29], $0x1  }
0xb6: {  	[sflag:s29] =	ssyncadd.s32 $0xFFFFFFFF  }
0xb7: {  	_ =	strace $0x90000048  }
0xb8: {  	_ =	sfence  }
0xb9: {  	s30 =	sld [smem:$0x0];
	_ =	sdelay $0x2  }
0xba: {  	s31 =	sshll.u32 s1, $0xD;
	s1 =	sshrl.u32 s1, $0x2  }
0xbb: {  	s3 =	sand.u32 $0x4000, s31;
	s1 =	sadd.s32 s1, s30  }
0xbc: {  	s0 =	sor.u32 s3, s0;
	s1 =	sshll.u32 s1, $0x11  }
0xbd: {  	s0 =	sor.u32 s1, s0  }
0xbe: {  	s0 =	sadd.s32 $0x8F2B, s0  }
0xbf: {  	[sflag:s0] =	ssyncadd.remote.s32 $0x1  }
0xc0: {  	_ =	sfence.sel $0xFFFF  }
0xc1: {  	[dreg:$0x0] =	wrdreg $0xFFFFFFFF;
	(pc) =	sbr.abs _section_cstart, $3  }
0xc2: {  	[dreg:$0x1] =	wrdreg $0xFFFFFFFF  }
0xc3: {  	_ =	task.clear_ibuf [dreg:s7], $0x2FFFF;
	_ =	strace $0x9FFFFFFF  }
0xc4: {  	(tm) =	ssettm $0x7FFFFFFF  }
0xc5: {  	_ =	shalt  }
tec
execute0_lowered:
.L_overlay_start_1:
0x0: {  	(tag) =	ssettag $0x1  }
0x1: {  	s1 =	rddreg [dreg:$0x0]  }
0x2: {  	s0 =	rddreg [dreg:$0x1]  }
0x3: {  	s3 =	rddreg [dreg:$0x2]  }
0x4: {  	s4 =	rddreg [dreg:$0x3]  }
0x5: {  	s2 =	srdreg.scid;
	s5 =	stileid.u32  }
0x6: {  	s13 =	simm.s32 $0x13B0;
	s15 =	simm.s32 $0xC;
	s16 =	simm.s32 $0x6  }
0x7: {  	s17 =	simm.s32 $0x7;
	s18 =	simm.s32 $0x1F4;
	s19 =	simm.s32 $0x2760  }
0x8: {  	s21 =	simm.s32 $0x46A0;
	s28 =	simm.s32 $0x113A0;
	s30 =	simm.s32 $0xA460  }
0x9: {  	s31 =	simm.s32 $0x2;
	s20 =	simm.s32 $0x3;
	s29 =	simm.s32 $0x4  }
0xa: {  	s14 =	simm.s32 $0x9;
	s11 =	simm.s32 $0xA;
	s10 =	simm.s32 $0x0  }
0xb: {  	s2 =	sand.u32 $0x1, s2;
	s6 =	sshll.u32 s5, $0x1;
	s7 =	smul.u32 $0x2800, s5  }
0xc: {  	s5 =	simm.s32 $0x0;
	s6 =	sor.u32 s2, s6;
	s8 =	smul.u32 $0x28000, s2  }
0xd: {  	[smem:$0x7FF] =	sst s5;
	s2 =	ssub.s32 $0x2, s2;
	s6 =	smul.u32 $0x13B0, s6  }
0xe: {  	_ =	strace $0x80000047;
	s23 =	sshrl.u32 s2, $0x1;
	s9 =	sadd.s32 s7, s4  }
0xf: {  	s8 =	sadd.s32 s7, s8;
	s2 =	ssub.s32 s2, s23;
	s6 =	sshrl.u32 s6, $0x3  }
0x10: {  	s23 =	simm.s32 $0x65E0;
	s26 =	smax.u32 s2, $0x1;
	s6 =	sadd.s32 s6, s0  }
0x11: {  	s8 =	sshrl.u32 s8, $0x3;
	[dreg:$0x9] =	wrdreg s26;
	s24 =	sadd.s32 $0x2000, s6  }
0x12: {  	s0 =	sadd.s32 s8, s0;
	s6 =	sadd.s32 $0x6EC0, s6;
	[dreg:$0x5] =	wrdreg s24  }
0x13: {  	s2 =	simm.s32 $0x2568;
	s25 =	sadd.s32 $0xBE00, s0;
	[dreg:$0x6] =	wrdreg s6  }
0x14: {  	s8 =	sadd.s32 s7, s3;
	s0 =	sadd.s32 $0x15E00, s0;
	[dreg:$0x7] =	wrdreg s25  }
0x15: {  	s26 =	simm.s32 $0x1;
	s7 =	simm.s32 $0xB;
	[dreg:$0x8] =	wrdreg s0  }
0x16: {  	v0 =	vimm.f32 $0.0e+00;
	v1 =	vimm.f32 $1.000000000e+00;
	s25 =	simm.s32 $0x8520;
	s24 =	simm.s32 $0x8;
	s6 =	simm.s32 $0x5  }
.LBB2_1:
0x17: {  	s0 =	rddreg [dreg:$0x5]  }
0x18: {  	[tilespmem:s5], [sflag:$0x6] =	stream.linear.gather [hbm4b:s0+s5], $0x13B0, $0x38;
	[tilespmem:$0x15AE0] =	vst v63  }
0x19: {  	s22 =	rddreg [dreg:$0x6];
	s0 =	simm.s32 $0xC3E0  }
0x1a: {  	[tilespmem:s13], [sflag:$0x7] =	stream.linear.gather [hbm4b:s22+s5], $0x13B0, $0x38;
	[tilespmem:$0x15AE0] =	vst v63  }
0x1b: {  	[tilespmem:s0+$0xFFFFFFC0] =	vst v0  }
0x1c: {  	[tilespmem:s0+$0x30] =	vst v0  }
0x1d: {  	[tilespmem:s0+$0x20] =	vst v0  }
0x1e: {  	[tilespmem:s0+$0x10] =	vst v0  }
0x1f: {  	[tilespmem:s0+$0x0] =	vst v0  }
0x20: {  	[tilespmem:s0+$0xFFFFFFF0] =	vst v0  }
0x21: {  	s22 =	simm.s32 $0x0;
	[tilespmem:s0+$0xFFFFFFE0] =	vst v0  }
.LBB2_2:
0x22: {  	s22 =	sadd.s32 $0x8, s22;
	[tilespmem:s0+$0xFFFFFFD0] =	vst v0;
	s0 =	sadd.s32 $0x80, s0;
	s12 =	simm.s32 $0x113E0  }
0x23: {  	[tilespmem:s0+$0xFFFFFFC0] =	vst v0;
	p0 =	slt.u32 s22, $0x278  }
0x24: {  	[tilespmem:s0+$0x30] =	vst v0  }
.Ltmp0:
0x25: {  	[tilespmem:s0+$0x20] =	vst v0;
	(pc) =	sbr.rel @p0 .LBB2_2-.Ltmp0, $4  }
0x26: {  	[tilespmem:s0+$0x10] =	vst v0  }
0x27: {  	[tilespmem:s0+$0x0] =	vst v0  }
0x28: {  	[tilespmem:s0+$0xFFFFFFF0] =	vst v0  }
0x29: {  	[tilespmem:s0+$0xFFFFFFE0] =	vst v0  }
0x2a: {  	[tilespmem:s0+$0xFFFFFFD0] =	vst v0  }
0x2b: {  	[tilespmem:s12+$0xFFFFFFC0] =	vst v1  }
0x2c: {  	[tilespmem:s12+$0x30] =	vst v1  }
0x2d: {  	[tilespmem:s12+$0x20] =	vst v1  }
0x2e: {  	[tilespmem:s12+$0x10] =	vst v1  }
0x2f: {  	[tilespmem:s12+$0x0] =	vst v1  }
0x30: {  	[tilespmem:s12+$0xFFFFFFF0] =	vst v1  }
0x31: {  	s0 =	simm.s32 $0x0;
	[tilespmem:s12+$0xFFFFFFE0] =	vst v1  }
.LBB2_4:
0x32: {  	s0 =	sadd.s32 $0x8, s0;
	[tilespmem:s12+$0xFFFFFFD0] =	vst v1;
	s12 =	sadd.s32 $0x80, s12  }
0x33: {  	[tilespmem:s12+$0xFFFFFFC0] =	vst v1;
	p0 =	slt.u32 s0, $0x1E8  }
0x34: {  	[tilespmem:s12+$0x30] =	vst v1  }
.Ltmp1:
0x35: {  	[tilespmem:s12+$0x20] =	vst v1;
	(pc) =	sbr.rel @p0 .LBB2_4-.Ltmp1, $4  }
0x36: {  	[tilespmem:s12+$0x10] =	vst v1  }
0x37: {  	[tilespmem:s12+$0x0] =	vst v1  }
0x38: {  	[tilespmem:s12+$0xFFFFFFF0] =	vst v1  }
0x39: {  	[tilespmem:s12+$0xFFFFFFE0] =	vst v1  }
0x3a: {  	[tilespmem:s12+$0xFFFFFFD0] =	vst v1  }
0x3b: {  	[tilespmem:$0x132A0] =	vst v1  }
0x3c: {  	[tilespmem:$0x132B0] =	vst v1  }
0x3d: {  	[tilespmem:$0x132C0] =	vst v1  }
0x3e: {  	s0 =	simm.s32 $0xC3A0;
	[tilespmem:$0x132D0] =	vst v1  }
0x3f: {  	[spmem:s8] =	stream.linear.scatter [tilespmem:s0], [sflag:$0xC], $0x2800, $0x38;
	[tilespmem:$0x15AE0] =	vst v63  }
0x40: {  	_ =	swait.ge [sflag:s15], $0x2800  }
0x41: {  	[sflag:s15] =	ssyncset.done $0x0  }
0x42: {  	[sflag:s15] =	ssyncadd.s32 $0xFFFFD800  }
0x43: {  	[spmem:s9] =	stream.linear.scatter [tilespmem:s0], [sflag:$0xC], $0x2800, $0x38;
	[tilespmem:$0x15AE0] =	vst v63  }
0x44: {  	_ =	swait.ge [sflag:s15], $0x2800  }
0x45: {  	[sflag:s15] =	ssyncset.done $0x0  }
0x46: {  	[sflag:s15] =	ssyncadd.s32 $0xFFFFD800  }
0x47: {  	_ =	swait.ge [sflag:s16], $0x13B0  }
0x48: {  	[sflag:s16] =	ssyncset.done $0x0  }
0x49: {  	[sflag:s16] =	ssyncadd.s32 $0xFFFFEC50  }
0x4a: {  	_ =	swait.ge [sflag:s17], $0x13B0  }
0x4b: {  	[sflag:s17] =	ssyncset.done $0x0  }
0x4c: {  	[sflag:s17] =	ssyncadd.s32 $0xFFFFEC50  }
0x4d: {  	[bflag:$0x0] =	sbarrier.arrive $0xFFFF  }
0x4e: {  	[tilespmem:s19], [sflag:$0x1] =	stream.indirect.gather [hbm4b:s1+s18], $0x10, s5, s18, $0xb8;
	[tilespmem:$0x15AE0] =	vst v63  }
0x4f: {  	s22 =	simm.s32 $0x1F8  }
0x50: {  	[tilespmem:s21], [sflag:$0x2] =	stream.indirect.gather [hbm4b:s1+s18], $0x10, s22, s18, $0xb8;
	[tilespmem:$0x15AE0] =	vst v63  }
0x51: {  	s12 =	simm.s32 $0x3F0  }
0x52: {  	[tilespmem:s23], [sflag:$0x3] =	stream.indirect.gather [hbm4b:s1+s18], $0x10, s12, s18, $0xb8;
	[tilespmem:$0x15AE0] =	vst v63  }
0x53: {  	s22 =	simm.s32 $0x5E8  }
0x54: {  	[tilespmem:s25], [sflag:$0x4] =	stream.indirect.gather [hbm4b:s1+s18], $0x10, s22, s18, $0xb8;
	[tilespmem:$0x15AE0] =	vst v63  }
0x55: {  	_ =	swait.ge [sflag:s26], $0x1F40  }
0x56: {  	[sflag:s26] =	ssyncset.done $0x0  }
0x57: {  	[sflag:s26] =	ssyncadd.s32 $0xFFFFE0C0  }
0x58: {  	[spmem:s3] =	stream.indirect.scatter.add.f32 [tilespmem:s19], [sflag:$0x6], $0x10, s13, s18, $0xb8;
	[tilespmem:$0x15AE0] =	vst v63  }
0x59: {  	_ = 	snop  }
0x5a: {  	[spmem:s4] =	stream.indirect.scatter.add.f32 [tilespmem:s28], [sflag:$0xB], $0x10, s13, s18, $0xb8;
	[tilespmem:$0x15AE0] =	vst v63  }
0x5b: {  	s12 =	simm.s32 $0x7E0  }
0x5c: {  	[tilespmem:s30], [sflag:$0x5] =	stream.indirect.gather [hbm4b:s1+s18], $0x10, s12, s18, $0xb8;
	[tilespmem:$0x15AE0] =	vst v63  }
0x5d: {  	_ =	swait.ge [sflag:s31], $0x1F40  }
0x5e: {  	[sflag:s31] =	ssyncset.done $0x0  }
0x5f: {  	s22 =	simm.s32 $0x15A8;
	[sflag:s31] =	ssyncadd.s32 $0xFFFFE0C0  }
0x60: {  	[spmem:s3] =	stream.indirect.scatter.add.f32 [tilespmem:s21], [sflag:$0x7], $0x10, s22, s18, $0xb8;
	[tilespmem:$0x15AE0] =	vst v63  }
0x61: {  	_ = 	snop  }
0x62: {  	[spmem:s4] =	stream.indirect.scatter.add.f32 [tilespmem:s28], [sflag:$0xB], $0x10, s22, s18, $0xb8;
	[tilespmem:$0x15AE0] =	vst v63  }
0x63: {  	_ =	swait.ge [sflag:s16], $0x1F40  }
0x64: {  	[sflag:s16] =	ssyncset.done $0x0  }
0x65: {  	s12 =	simm.s32 $0x9D8;
	[sflag:s16] =	ssyncadd.s32 $0xFFFFE0C0  }
0x66: {  	[tilespmem:s19], [sflag:$0x1] =	stream.indirect.gather [hbm4b:s1+s18], $0x10, s12, s18, $0xb8;
	[tilespmem:$0x15AE0] =	vst v63  }
0x67: {  	_ =	swait.ge [sflag:s20], $0x1F40  }
0x68: {  	[sflag:s20] =	ssyncset.done $0x0  }
0x69: {  	s22 =	simm.s32 $0x17A0;
	[sflag:s20] =	ssyncadd.s32 $0xFFFFE0C0  }
0x6a: {  	[spmem:s3] =	stream.indirect.scatter.add.f32 [tilespmem:s23], [sflag:$0x8], $0x10, s22, s18, $0xb8;
	[tilespmem:$0x15AE0] =	vst v63  }
0x6b: {  	_ = 	snop  }
0x6c: {  	[spmem:s4] =	stream.indirect.scatter.add.f32 [tilespmem:s28], [sflag:$0xB], $0x10, s22, s18, $0xb8;
	[tilespmem:$0x15AE0] =	vst v63  }
0x6d: {  	_ =	swait.ge [sflag:s17], $0x1F40  }
0x6e: {  	[sflag:s17] =	ssyncset.done $0x0  }
0x6f: {  	s12 =	simm.s32 $0xBD0;
	[sflag:s17] =	ssyncadd.s32 $0xFFFFE0C0  }
0x70: {  	[tilespmem:s21], [sflag:$0x2] =	stream.indirect.gather [hbm4b:s1+s18], $0x10, s12, s18, $0xb8;
	[tilespmem:$0x15AE0] =	vst v63  }
0x71: {  	_ =	swait.ge [sflag:s29], $0x1F40  }
0x72: {  	[sflag:s29] =	ssyncset.done $0x0  }
0x73: {  	s22 =	simm.s32 $0x1998;
	[sflag:s29] =	ssyncadd.s32 $0xFFFFE0C0  }
0x74: {  	[spmem:s3] =	stream.indirect.scatter.add.f32 [tilespmem:s25], [sflag:$0x9], $0x10, s22, s18, $0xb8;
	[tilespmem:$0x15AE0] =	vst v63  }
0x75: {  	_ = 	snop  }
0x76: {  	[spmem:s4] =	stream.indirect.scatter.add.f32 [tilespmem:s28], [sflag:$0xB], $0x10, s22, s18, $0xb8;
	[tilespmem:$0x15AE0] =	vst v63  }
0x77: {  	_ =	swait.ge [sflag:s24], $0x1F40  }
0x78: {  	[sflag:s24] =	ssyncset.done $0x0  }
0x79: {  	s12 =	simm.s32 $0xDC8;
	[sflag:s24] =	ssyncadd.s32 $0xFFFFE0C0  }
0x7a: {  	[tilespmem:s23], [sflag:$0x3] =	stream.indirect.gather [hbm4b:s1+s18], $0x10, s12, s18, $0xb8;
	[tilespmem:$0x15AE0] =	vst v63  }
0x7b: {  	_ =	swait.ge [sflag:s6], $0x1F40  }
0x7c: {  	[sflag:s6] =	ssyncset.done $0x0  }
0x7d: {  	s22 =	simm.s32 $0x1B90;
	[sflag:s6] =	ssyncadd.s32 $0xFFFFE0C0  }
0x7e: {  	[spmem:s3] =	stream.indirect.scatter.add.f32 [tilespmem:s30], [sflag:$0xA], $0x10, s22, s18, $0xb8;
	[tilespmem:$0x15AE0] =	vst v63  }
0x7f: {  	_ = 	snop  }
0x80: {  	[spmem:s4] =	stream.indirect.scatter.add.f32 [tilespmem:s28], [sflag:$0xB], $0x10, s22, s18, $0xb8;
	[tilespmem:$0x15AE0] =	vst v63  }
0x81: {  	_ =	swait.ge [sflag:s14], $0x1F40  }
0x82: {  	[sflag:s14] =	ssyncset.done $0x0  }
0x83: {  	s12 =	simm.s32 $0xFC0;
	[sflag:s14] =	ssyncadd.s32 $0xFFFFE0C0  }
0x84: {  	[tilespmem:s25], [sflag:$0x4] =	stream.indirect.gather [hbm4b:s1+s18], $0x10, s12, s18, $0xb8;
	[tilespmem:$0x15AE0] =	vst v63  }
0x85: {  	_ =	swait.ge [sflag:s26], $0x1F40  }
0x86: {  	[sflag:s26] =	ssyncset.done $0x0  }
0x87: {  	s22 =	simm.s32 $0x1D88;
	[sflag:s26] =	ssyncadd.s32 $0xFFFFE0C0  }
0x88: {  	[spmem:s3] =	stream.indirect.scatter.add.f32 [tilespmem:s19], [sflag:$0x6], $0x10, s22, s18, $0xb8;
	[tilespmem:$0x15AE0] =	vst v63  }
0x89: {  	_ = 	snop  }
0x8a: {  	[spmem:s4] =	stream.indirect.scatter.add.f32 [tilespmem:s28], [sflag:$0xB], $0x10, s22, s18, $0xb8;
	[tilespmem:$0x15AE0] =	vst v63  }
0x8b: {  	_ =	swait.ge [sflag:s11], $0x1F40  }
0x8c: {  	[sflag:s11] =	ssyncset.done $0x0  }
0x8d: {  	s12 =	simm.s32 $0x11B8;
	[sflag:s11] =	ssyncadd.s32 $0xFFFFE0C0  }
0x8e: {  	[tilespmem:s30], [sflag:$0x5] =	stream.indirect.gather [hbm4b:s1+s18], $0x10, s12, s18, $0xb8;
	[tilespmem:$0x15AE0] =	vst v63  }
0x8f: {  	_ =	swait.ge [sflag:s31], $0x1F40  }
0x90: {  	[sflag:s31] =	ssyncset.done $0x0  }
0x91: {  	s22 =	simm.s32 $0x1F80;
	[sflag:s31] =	ssyncadd.s32 $0xFFFFE0C0  }
0x92: {  	[spmem:s3] =	stream.indirect.scatter.add.f32 [tilespmem:s21], [sflag:$0x7], $0x10, s22, s18, $0xb8;
	[tilespmem:$0x15AE0] =	vst v63  }
0x93: {  	_ = 	snop  }
0x94: {  	[spmem:s4] =	stream.indirect.scatter.add.f32 [tilespmem:s28], [sflag:$0xB], $0x10, s22, s18, $0xb8;
	[tilespmem:$0x15AE0] =	vst v63  }
0x95: {  	_ =	swait.ge [sflag:s20], $0x1F40  }
0x96: {  	[sflag:s20] =	ssyncset.done $0x0  }
0x97: {  	s12 =	simm.s32 $0x2178;
	[sflag:s20] =	ssyncadd.s32 $0xFFFFE0C0  }
0x98: {  	[spmem:s3] =	stream.indirect.scatter.add.f32 [tilespmem:s23], [sflag:$0x8], $0x10, s12, s18, $0xb8;
	[tilespmem:$0x15AE0] =	vst v63  }
0x99: {  	_ = 	snop  }
0x9a: {  	[spmem:s4] =	stream.indirect.scatter.add.f32 [tilespmem:s28], [sflag:$0xB], $0x10, s12, s18, $0xb8;
	[tilespmem:$0x15AE0] =	vst v63  }
0x9b: {  	_ =	swait.ge [sflag:s29], $0x1F40  }
0x9c: {  	[sflag:s29] =	ssyncset.done $0x0  }
0x9d: {  	s22 =	simm.s32 $0x2370;
	[sflag:s29] =	ssyncadd.s32 $0xFFFFE0C0  }
0x9e: {  	[spmem:s3] =	stream.indirect.scatter.add.f32 [tilespmem:s25], [sflag:$0x9], $0x10, s22, s18, $0xb8;
	[tilespmem:$0x15AE0] =	vst v63  }
0x9f: {  	_ = 	snop  }
0xa0: {  	[spmem:s4] =	stream.indirect.scatter.add.f32 [tilespmem:s28], [sflag:$0xB], $0x10, s22, s18, $0xb8;
	[tilespmem:$0x15AE0] =	vst v63  }
0xa1: {  	_ =	swait.ge [sflag:s6], $0x1F40  }
0xa2: {  	[sflag:s6] =	ssyncset.done $0x0  }
0xa3: {  	[sflag:s6] =	ssyncadd.s32 $0xFFFFE0C0  }
0xa4: {  	[spmem:s3] =	stream.indirect.scatter.add.f32 [tilespmem:s30], [sflag:$0xA], $0x10, s2, s18, $0xb8;
	[tilespmem:$0x15AE0] =	vst v63  }
0xa5: {  	_ = 	snop  }
0xa6: {  	[spmem:s4] =	stream.indirect.scatter.add.f32 [tilespmem:s28], [sflag:$0xB], $0x10, s2, s18, $0xb8;
	[tilespmem:$0x15AE0] =	vst v63  }
0xa7: {  	_ =	swait.ge [sflag:s16], $0x1F40  }
0xa8: {  	[sflag:s16] =	ssyncset.done $0x0  }
0xa9: {  	[sflag:s16] =	ssyncadd.s32 $0xFFFFE0C0  }
0xaa: {  	_ =	swait.ge [sflag:s17], $0x1F40  }
0xab: {  	[sflag:s17] =	ssyncset.done $0x0  }
0xac: {  	[sflag:s17] =	ssyncadd.s32 $0xFFFFE0C0  }
0xad: {  	_ =	swait.ge [sflag:s24], $0x1F40  }
0xae: {  	[sflag:s24] =	ssyncset.done $0x0  }
0xaf: {  	[sflag:s24] =	ssyncadd.s32 $0xFFFFE0C0  }
0xb0: {  	_ =	swait.ge [sflag:s14], $0x1F40  }
0xb1: {  	[sflag:s14] =	ssyncset.done $0x0  }
0xb2: {  	[sflag:s14] =	ssyncadd.s32 $0xFFFFE0C0  }
0xb3: {  	_ =	swait.ge [sflag:s11], $0x1F40  }
0xb4: {  	[sflag:s11] =	ssyncset.done $0x0  }
0xb5: {  	[sflag:s11] =	ssyncadd.s32 $0xFFFFE0C0  }
0xb6: {  	_ =	swait.ge [sflag:s7], $0x1F40  }
0xb7: {  	[sflag:s7] =	ssyncset.done $0x0  }
0xb8: {  	[sflag:s7] =	ssyncadd.s32 $0xFFFFE0C0  }
0xb9: {  	_ =	swait.ge [sflag:s7], $0x1F40  }
0xba: {  	[sflag:s7] =	ssyncset.done $0x0  }
0xbb: {  	[sflag:s7] =	ssyncadd.s32 $0xFFFFE0C0  }
0xbc: {  	_ =	swait.ge [sflag:s7], $0x1F40  }
0xbd: {  	[sflag:s7] =	ssyncset.done $0x0  }
0xbe: {  	[sflag:s7] =	ssyncadd.s32 $0xFFFFE0C0  }
0xbf: {  	_ =	swait.ge [sflag:s7], $0x1F40  }
0xc0: {  	[sflag:s7] =	ssyncset.done $0x0  }
0xc1: {  	[sflag:s7] =	ssyncadd.s32 $0xFFFFE0C0  }
0xc2: {  	_ =	swait.ge [sflag:s7], $0x1F40  }
0xc3: {  	[sflag:s7] =	ssyncset.done $0x0  }
0xc4: {  	[sflag:s7] =	ssyncadd.s32 $0xFFFFE0C0  }
0xc5: {  	_ =	swait.ge [sflag:s7], $0x1F40  }
0xc6: {  	[sflag:s7] =	ssyncset.done $0x0  }
0xc7: {  	[sflag:s7] =	ssyncadd.s32 $0xFFFFE0C0  }
0xc8: {  	_ =	swait.ge [sflag:s7], $0x1F40  }
0xc9: {  	[sflag:s7] =	ssyncset.done $0x0  }
0xca: {  	[sflag:s7] =	ssyncadd.s32 $0xFFFFE0C0  }
0xcb: {  	_ =	swait.ge [sflag:s7], $0x1F40  }
0xcc: {  	[sflag:s7] =	ssyncset.done $0x0  }
0xcd: {  	[sflag:s7] =	ssyncadd.s32 $0xFFFFE0C0  }
0xce: {  	_ =	swait.ge [sflag:s7], $0x1F40  }
0xcf: {  	[sflag:s7] =	ssyncset.done $0x0  }
0xd0: {  	[sflag:s7] =	ssyncadd.s32 $0xFFFFE0C0  }
0xd1: {  	_ =	swait.ge [sflag:s7], $0x1F40  }
0xd2: {  	[sflag:s7] =	ssyncset.done $0x0  }
0xd3: {  	s12 =	stileid.u32;
	[sflag:s7] =	ssyncadd.s32 $0xFFFFE0C0  }
0xd4: {  	s0 =	sshll.u32 s12, $0x6;
	[bflag:$0x0] =	sbarrier.arrive $0xFFFF  }
0xd5: {  	s12 =	sshrl.u32 s8, $0x3;
	s0 =	sor.u32 $0x1C0C, s0;
	s22 =	rddreg [dreg:$0x7]  }
0xd6: {  	[hbm:s22], [sflag:s0] =	dma.local [spmem:s12], $0x500  }
0xd7: {  	_ =	swait.ge [sflag:s15], $0x500  }
0xd8: {  	[sflag:s15] =	ssyncset.done $0x0  }
0xd9: {  	s12 =	sshrl.u32 s9, $0x3;
	s22 =	rddreg [dreg:$0x8];
	[sflag:s15] =	ssyncadd.s32 $0xFFFFFB00  }
0xda: {  	[hbm:s22], [sflag:s0] =	dma.local [spmem:s12], $0x500  }
0xdb: {  	_ =	swait.ge [sflag:s15], $0x500  }
0xdc: {  	s10 =	sadd.s32 $0x1, s10;
	s22 =	rddreg [dreg:$0x9]  }
0xdd: {  	p0 =	sne.s32 s10, s22  }
.Ltmp2:
0xde: {  	_ = 	snop;
	(pc) =	sbr.rel @p0 .LBB2_1-.Ltmp2, $3  }
0xdf: {  	_ =	sdelay $0x1  }
0xe0: {  	[sflag:s15] =	ssyncset.done $0x0  }
0xe1: {  	[sflag:s15] =	ssyncadd.s32 $0xFFFFFB00  }
0xe2: {  	_ =	sfence.sel $0x180000  }
0xe3: {  	[bflag:$0x0] =	sbarrier.arrive $0xFFFF  }
0xe4: {  	_ =	strace $0x90000047  }
0xe5: {  	s0 =	stileid.u32;
	[bflag:$0x2] =	sbarrier.arrive $0xFFFF  }
0xe6: {  	p0 =	sne.s32 s0, $0x0;
	s0 =	rddreg [dreg:$0x4]  }
0xe7: {  	s0 =	sadd.s32 @!p0 $0x100000, s0  }
0xe8: {  	[sflag:s0] =	ssyncadd.tile.s32 @!p0 $0x1;
	_ =	shalt  }
.Lfunc_end2:
_tile_overlayer_lowered:
.L_overlay_start_2:
0xe9: {  	(tag) =	ssettag $0x2  }
0xea: {  	s0 =	rddreg [dreg:$0x0];
	s2 =	stileid.u32  }
0xeb: {  	s1 =	rddreg [dreg:$0x1];
	p0 =	sne.s32 s2, $0x0  }
0xec: {  	s3 =	rddreg [dreg:$0x2];
	[bflag:$0x3] =	sbarrier.arrive $0xFFFF;
	s2 =	simm.s32 @!p0 $0x1C0C  }
0xed: {  	[timem:s3], [sflag:s2] =	dma.local @!p0 [hbm:s0], s1  }
0xee: {  	s0 =	simm.s32 @!p0 $0xC  }
0xef: {  	_ =	swait.ge @!p0 [sflag:s0], s1  }
0xf0: {  	s1 =	ssub.s32 @!p0 $0x0, s1;
	[sflag:s0] =	ssyncset.done @!p0 $0x0  }
0xf1: {  	[sflag:s0] =	ssyncadd.s32 @!p0 s1  }
0xf2: {  	[bflag:$0x3] =	sbarrier.arrive $0xFFFF  }
0xf3: {  	_ =	shalt  }

</sc_bundles>
